<compile_context>
chip_gen: v7x
topology: tpu7x:2x2x1
jax: 0.10.2.dev20260603
libtpu: 0.0.44.dev20260713+nightly
codegen_flags: <defaults>
</compile_context>

<pallas_src>
import functools

import jax
import jax.numpy as jnp
from jax import lax
from jax.experimental import pallas as pl
from jax.experimental.pallas import tpu as pltpu
from jax.experimental.pallas import tpu_sc as plsc

N = 10000
NPAD = 10240
E = 320000
NC, NS = 2, 16
NW = NC * NS
CH = 128
NCH = -(-E // (NW * CH))
EPT = NCH * CH
EPAD = EPT * NW

_MESH = plsc.VectorSubcoreMesh(
    core_axis_name="c", subcore_axis_name="s", num_cores=NC, num_subcores=NS
)


@functools.partial(
    pl.kernel,
    out_type=jax.ShapeDtypeStruct((NC, NPAD), jnp.float32),
    mesh=_MESH,
    scratch_types=[
        pltpu.VMEM((NCH, CH), jnp.int32),
        pltpu.VMEM((CH,), jnp.float32),
        pltpu.VMEM_SHARED((NPAD,), jnp.float32),
    ],
)
def _deg_kernel(dst_hbm, ones_hbm, zeros_hbm, degp_hbm, dstv, onesv, deg_sp):
    c = lax.axis_index("c")
    s = lax.axis_index("s")
    w = c * NS + s
    pltpu.sync_copy(dst_hbm.at[w], dstv)
    pltpu.sync_copy(ones_hbm, onesv)

    @pl.when(s == 0)
    def _():
        pltpu.sync_copy(zeros_hbm, deg_sp)

    plsc.subcore_barrier()

    def step(j, carry):
        pltpu.sync_copy(onesv, deg_sp.at[dstv.at[j]], add=True)
        return carry

    lax.fori_loop(0, NCH, step, 0)
    plsc.subcore_barrier()
    rps = NPAD // NS
    pltpu.sync_copy(deg_sp.at[pl.ds(s * rps, rps)], degp_hbm.at[c, pl.ds(s * rps, rps)])


def _make_edge_pass(F):
    scratch = [
        pltpu.VMEM((NCH, CH), jnp.int32),
        pltpu.VMEM((NCH, CH), jnp.int32),
    ]
    scratch += [pltpu.VMEM((CH,), jnp.float32) for _ in range(F)]
    scratch += [pltpu.VMEM_SHARED((NPAD,), jnp.float32) for _ in range(2 * F)]
    scratch += [pltpu.SemaphoreType.DMA]

    @functools.partial(
        pl.kernel,
        out_type=[jax.ShapeDtypeStruct((NPAD,), jnp.float32)] * (NC * F),
        mesh=_MESH,
        scratch_types=scratch,
    )
    def _edge_kernel(src_hbm, dst_hbm, *rest):
        g = rest[0:F]
        zeros_hbm = rest[F]
        outs = rest[F + 1:F + 1 + NC * F]
        scr = rest[F + 1 + NC * F:]
        srcv, dstv = scr[0], scr[1]
        rows = scr[2:2 + F]
        tbl = scr[2 + F:2 + 2 * F]
        acc = scr[2 + 2 * F:2 + 3 * F]
        sem = scr[-1]
        c = lax.axis_index("c")
        s = lax.axis_index("s")
        w = c * NS + s
        pltpu.sync_copy(src_hbm.at[w], srcv)
        pltpu.sync_copy(dst_hbm.at[w], dstv)

        for f in range(F):
            @pl.when(s == f)
            def _(f=f):
                pltpu.sync_copy(g[f], tbl[f])

            @pl.when(jnp.logical_and(s == F + f, c == 0))
            def _(f=f):
                pltpu.sync_copy(g[f], acc[f])

            @pl.when(jnp.logical_and(s == F + f, c == 1))
            def _(f=f):
                pltpu.sync_copy(zeros_hbm, acc[f])

        plsc.subcore_barrier()

        def step(j, carry):
            sidx = srcv.at[j]
            didx = dstv.at[j]
            cps = [pltpu.async_copy(tbl[f].at[sidx], rows[f], sem)
                   for f in range(F)]
            for cp in cps:
                cp.wait()
            cps = [pltpu.async_copy(rows[f], acc[f].at[didx], sem,
                                    add=True) for f in range(F)]
            for cp in cps:
                cp.wait()
            return carry

        lax.fori_loop(0, NCH, step, 0)
        plsc.subcore_barrier()

        for cc in range(NC):
            for f in range(F):
                @pl.when(jnp.logical_and(c == cc, s == f))
                def _(cc=cc, f=f):
                    pltpu.sync_copy(acc[f], outs[cc * F + f])

    return _edge_kernel


_edge_pass_8 = _make_edge_pass(8)

_edge_pass_2 = _make_edge_pass(2)


_DN = (((0,), (1,)), ((), ()))
_DF = (((0,), (0,)), ((), ()))


def _tc_mm_body(x_ref, w1_ref, h_ref):
    h_ref[...] = lax.dot_general(w1_ref[...], x_ref[...], _DN,
                                 preferred_element_type=jnp.float32)


def _tc_scale_body(h_ref, degp_ref, g_ref, dis_ref):
    dp = degp_ref[...]
    deg = dp[0:1, :] + dp[1:2, :] + 1.0
    dis = lax.rsqrt(deg)
    g_ref[...] = dis * h_ref[...]
    dis_ref[...] = dis


def _tc_mid_body(accp_ref, dis_ref, b1_ref, w2_ref, g2_ref):
    ap = accp_ref[...]
    dis = dis_ref[...]
    h = jnp.tanh(dis * (ap[0] + ap[1]) + b1_ref[...])
    g2_ref[...] = dis * lax.dot_general(w2_ref[...], h, _DF,
                                        preferred_element_type=jnp.float32)


def _tc_post_body(accp_ref, dis_ref, b2_ref, wc_ref, bc_ref, out_ref):
    ap = accp_ref[...]
    emb = jnp.tanh(dis_ref[...] * (ap[0] + ap[1]) + b2_ref[...])
    z = lax.dot_general(wc_ref[...], emb, _DF,
                        preferred_element_type=jnp.float32) + bc_ref[...]
    out_ref[...] = jax.nn.sigmoid(z)


_tc_mm = pl.pallas_call(
    _tc_mm_body,
    out_shape=jax.ShapeDtypeStruct((8, NPAD), jnp.float32),
)

_tc_scale = pl.pallas_call(
    _tc_scale_body,
    out_shape=(
        jax.ShapeDtypeStruct((8, NPAD), jnp.float32),
        jax.ShapeDtypeStruct((1, NPAD), jnp.float32),
    ),
)

_tc_mid = pl.pallas_call(
    _tc_mid_body,
    out_shape=jax.ShapeDtypeStruct((2, NPAD), jnp.float32),
)

_tc_post = pl.pallas_call(
    _tc_post_body,
    out_shape=jax.ShapeDtypeStruct((1, NPAD), jnp.float32),
)


def kernel(x, edge_index, W1, b1, W2, b2, Wc, bc):
    ei = edge_index.astype(jnp.int32)
    pad = jnp.full((EPAD - E,), NPAD - 1, jnp.int32)
    srcf = jnp.concatenate([ei[0], pad])
    dstf = jnp.concatenate([ei[1], pad])
    srcr = srcf.reshape(NW, NCH, CH)
    dstr = dstf.reshape(NW, NCH, CH)
    x_pad = jnp.pad(x, ((0, NPAD - N), (0, 0)))
    ones_ch = jnp.ones((CH,), jnp.float32)
    zeros1 = jnp.zeros((NPAD,), jnp.float32)

    h1 = _tc_mm(x_pad, W1)
    degp = _deg_kernel(dstr, ones_ch, zeros1)
    g1, dis = _tc_scale(h1, degp)
    outs1 = _edge_pass_8(srcr, dstr, *[g1[f] for f in range(8)], zeros1)
    accp1 = jnp.stack(outs1).reshape(NC, 8, NPAD)
    g2 = _tc_mid(accp1, dis, b1.reshape(8, 1), W2)
    outs2 = _edge_pass_2(srcr, dstr, *[g2[f] for f in range(2)], zeros1)
    accp2 = jnp.stack(outs2).reshape(NC, 2, NPAD)
    out = _tc_post(accp2, dis, b2.reshape(2, 1), Wc, bc.reshape(1, 1))
    return out.reshape(NPAD, 1)[:N]

# --- scband reference (transcript-rebuilt; emitter-appended) ---
"""Pipeline reference for scband-gcn-83270825935254 (READ-ONLY COPY).

The authoritative reference and input builder live on the scoring server;
editing this copy changes nothing except your own understanding.
"""

import jax, jax.numpy as jnp
import numpy as np

N_NODES = 10000
N_EDGES = 320000
D_IN = 128


def gcn_conv(x, src, dst, W, b, num_nodes):
    # x' = D^{-1/2} (A + I) D^{-1/2} (x W) + b  (PyG GCNConv semantics)
    h = x @ W
    loop = jnp.arange(num_nodes, dtype=src.dtype)
    s = jnp.concatenate([src, loop])
    d = jnp.concatenate([dst, loop])
    deg = jnp.zeros((num_nodes,), dtype=h.dtype).at[d].add(jnp.ones(s.shape[0], dtype=h.dtype))
    deg_inv_sqrt = jnp.where(deg > 0, deg ** -0.5, 0.0)
    norm = deg_inv_sqrt[s] * deg_inv_sqrt[d]
    msgs = h[s] * norm[:, None]
    out = jnp.zeros((num_nodes, h.shape[1]), dtype=h.dtype).at[d].add(msgs)
    return out + b


def setup_inputs(seed: int = 0) -> dict:
    key = jax.random.key(seed)
    k_x, k_e, k1, k2, k3 = jax.random.split(key, 5)
    x = jax.random.normal(k_x, (N_NODES, D_IN), dtype=jnp.float32)
    edge_index = jax.random.randint(k_e, (2, N_EDGES), 0, N_NODES, dtype=jnp.int64)
    W1 = jax.random.normal(k1, (D_IN, 8), dtype=jnp.float32) * (1.0 / np.sqrt(D_IN))
    b1 = jnp.zeros((8,), dtype=jnp.float32)
    W2 = jax.random.normal(k2, (8, 2), dtype=jnp.float32) * (1.0 / np.sqrt(8))
    b2 = jnp.zeros((2,), dtype=jnp.float32)
    Wc = jax.random.normal(k3, (2, 1), dtype=jnp.float32) * (1.0 / np.sqrt(2))
    bc = jnp.zeros((1,), dtype=jnp.float32)
    return {"x": x, "edge_index": edge_index, "W1": W1, "b1": b1, "W2": W2, "b2": b2, "Wc": Wc, "bc": bc}


def reference(x, edge_index, W1, b1, W2, b2, Wc, bc):
    src = edge_index[0]
    dst = edge_index[1]
    h = gcn_conv(x, src, dst, W1, b1, N_NODES)
    h = jnp.tanh(h)
    h1 = gcn_conv(h, src, dst, W2, b2, N_NODES)
    embeddings = jnp.tanh(h1)
    out = embeddings @ Wc + bc
    return jax.nn.sigmoid(out)

if __name__ == "__main__":
    import jax
    _d = setup_inputs()
    print(jax.jit(kernel)(*tuple(_d.values())))

</pallas_src>

<mosaic_0001>
#map = affine_map<(d0, d1) -> (0, 0, 0)>
#map1 = affine_map<(d0, d1) -> (0)>
module attributes {stable_mosaic.version = 14 : i64} {
  func.func @_edge_kernel(%arg0: i32, %arg1: i32, %arg2: memref<32x79x128xi32, #tpu.memory_space<hbm>>, %arg3: memref<32x79x128xi32, #tpu.memory_space<hbm>>, %arg4: memref<10240xf32, #tpu.memory_space<hbm>>, %arg5: memref<10240xf32, #tpu.memory_space<hbm>>, %arg6: memref<10240xf32, #tpu.memory_space<hbm>>, %arg7: memref<10240xf32, #tpu.memory_space<hbm>>, %arg8: memref<10240xf32, #tpu.memory_space<hbm>>, %arg9: memref<10240xf32, #tpu.memory_space<hbm>>, %arg10: memref<10240xf32, #tpu.memory_space<hbm>>, %arg11: memref<79x128xi32, #tpu.memory_space<vmem>>, %arg12: memref<79x128xi32, #tpu.memory_space<vmem>>, %arg13: memref<128xf32, #tpu.memory_space<vmem>>, %arg14: memref<128xf32, #tpu.memory_space<vmem>>, %arg15: memref<10240xf32, #tpu.memory_space<vmem_shared>>, %arg16: memref<10240xf32, #tpu.memory_space<vmem_shared>>, %arg17: memref<10240xf32, #tpu.memory_space<vmem_shared>>, %arg18: memref<10240xf32, #tpu.memory_space<vmem_shared>>, %arg19: memref<!tpu.dma_semaphore, #tpu.memory_space<semaphore_mem>>) attributes {dimension_semantics = [#tpu.dimension_semantics<core_parallel>, #tpu.dimension_semantics<subcore_parallel>], iteration_bounds = array<i64: 2, 16>, scalar_prefetch = 0 : i64, scratch_operands = 9 : i64, tpu.core_type = #tpu.core_type<sc_vector_subcore>, window_params = [{transform_indices = #map}, {transform_indices = #map}, {transform_indices = #map1}, {transform_indices = #map1}, {transform_indices = #map1}, {transform_indices = #map1}, {transform_indices = #map1}, {transform_indices = #map1}, {transform_indices = #map1}]} {
    %mul3A = arith.constant 16 : i32
    %mul3A_0 = arith.muli %arg0, %mul3A : i32
    %add3A = arith.addi %mul3A_0, %arg1 : i32
    "tpu.region"() ({
      %run_scoped3A = tpu.sem_alloc : memref<!tpu.dma_semaphore, #tpu.memory_space<semaphore_mem>>
      %dma_start3A = arith.constant 0 : i32
      %dma_start3A_77 = arith.constant 0 : i32
      %dma_start3A_78 = tpu.memref_slice %arg2[%add3A, %dma_start3A, %dma_start3A_77] : memref<32x79x128xi32, #tpu.memory_space<hbm>> -> memref<1x79x128xi32, #tpu.memory_space<hbm>>
      %dma_start3A_79 = tpu.memref_squeeze %dma_start3A_78 : memref<1x79x128xi32, #tpu.memory_space<hbm>> -> memref<79x128xi32, #tpu.memory_space<hbm>>
      %dma_start3A_80 = arith.constant 0 : i32
      %dma_start3A_81 = arith.constant 0 : i32
      %dma_start3A_82 = tpu.memref_slice %arg2[%add3A, %dma_start3A_80, %dma_start3A_81] : memref<32x79x128xi32, #tpu.memory_space<hbm>> -> memref<1x79x128xi32, #tpu.memory_space<hbm>>
      %dma_start3A_83 = tpu.memref_squeeze %dma_start3A_82 : memref<1x79x128xi32, #tpu.memory_space<hbm>> -> memref<79x128xi32, #tpu.memory_space<hbm>>
      tpu.enqueue_dma source(%dma_start3A_83 : memref<79x128xi32, #tpu.memory_space<hbm>>) target(%arg11 : memref<79x128xi32, #tpu.memory_space<vmem>>) target_semaphore(%run_scoped3A : memref<!tpu.dma_semaphore, #tpu.memory_space<semaphore_mem>>)
      %dma_wait3A = arith.constant 0 : i32
      %dma_wait3A_84 = arith.constant 0 : i32
      %dma_wait3A_85 = tpu.memref_slice %arg2[%add3A, %dma_wait3A, %dma_wait3A_84] : memref<32x79x128xi32, #tpu.memory_space<hbm>> -> memref<1x79x128xi32, #tpu.memory_space<hbm>>
      %dma_wait3A_86 = tpu.memref_squeeze %dma_wait3A_85 : memref<1x79x128xi32, #tpu.memory_space<hbm>> -> memref<79x128xi32, #tpu.memory_space<hbm>>
      %dma_wait3A_87 = arith.constant 0 : i32
      %dma_wait3A_88 = arith.constant 0 : i32
      %dma_wait3A_89 = tpu.memref_slice %arg2[%add3A, %dma_wait3A_87, %dma_wait3A_88] : memref<32x79x128xi32, #tpu.memory_space<hbm>> -> memref<1x79x128xi32, #tpu.memory_space<hbm>>
      %dma_wait3A_90 = tpu.memref_squeeze %dma_wait3A_89 : memref<1x79x128xi32, #tpu.memory_space<hbm>> -> memref<79x128xi32, #tpu.memory_space<hbm>>
      tpu.wait_dma2 semaphore(%run_scoped3A : memref<!tpu.dma_semaphore, #tpu.memory_space<semaphore_mem>>) src(%dma_wait3A_90 : memref<79x128xi32, #tpu.memory_space<hbm>>) dst(%arg11 : memref<79x128xi32, #tpu.memory_space<vmem>>)
      tpu.yield
    }) : () -> ()
    "tpu.region"() ({
      %run_scoped3A = tpu.sem_alloc : memref<!tpu.dma_semaphore, #tpu.memory_space<semaphore_mem>>
      %dma_start3A = arith.constant 0 : i32
      %dma_start3A_77 = arith.constant 0 : i32
      %dma_start3A_78 = tpu.memref_slice %arg3[%add3A, %dma_start3A, %dma_start3A_77] : memref<32x79x128xi32, #tpu.memory_space<hbm>> -> memref<1x79x128xi32, #tpu.memory_space<hbm>>
      %dma_start3A_79 = tpu.memref_squeeze %dma_start3A_78 : memref<1x79x128xi32, #tpu.memory_space<hbm>> -> memref<79x128xi32, #tpu.memory_space<hbm>>
      %dma_start3A_80 = arith.constant 0 : i32
      %dma_start3A_81 = arith.constant 0 : i32
      %dma_start3A_82 = tpu.memref_slice %arg3[%add3A, %dma_start3A_80, %dma_start3A_81] : memref<32x79x128xi32, #tpu.memory_space<hbm>> -> memref<1x79x128xi32, #tpu.memory_space<hbm>>
      %dma_start3A_83 = tpu.memref_squeeze %dma_start3A_82 : memref<1x79x128xi32, #tpu.memory_space<hbm>> -> memref<79x128xi32, #tpu.memory_space<hbm>>
      tpu.enqueue_dma source(%dma_start3A_83 : memref<79x128xi32, #tpu.memory_space<hbm>>) target(%arg12 : memref<79x128xi32, #tpu.memory_space<vmem>>) target_semaphore(%run_scoped3A : memref<!tpu.dma_semaphore, #tpu.memory_space<semaphore_mem>>)
      %dma_wait3A = arith.constant 0 : i32
      %dma_wait3A_84 = arith.constant 0 : i32
      %dma_wait3A_85 = tpu.memref_slice %arg3[%add3A, %dma_wait3A, %dma_wait3A_84] : memref<32x79x128xi32, #tpu.memory_space<hbm>> -> memref<1x79x128xi32, #tpu.memory_space<hbm>>
      %dma_wait3A_86 = tpu.memref_squeeze %dma_wait3A_85 : memref<1x79x128xi32, #tpu.memory_space<hbm>> -> memref<79x128xi32, #tpu.memory_space<hbm>>
      %dma_wait3A_87 = arith.constant 0 : i32
      %dma_wait3A_88 = arith.constant 0 : i32
      %dma_wait3A_89 = tpu.memref_slice %arg3[%add3A, %dma_wait3A_87, %dma_wait3A_88] : memref<32x79x128xi32, #tpu.memory_space<hbm>> -> memref<1x79x128xi32, #tpu.memory_space<hbm>>
      %dma_wait3A_90 = tpu.memref_squeeze %dma_wait3A_89 : memref<1x79x128xi32, #tpu.memory_space<hbm>> -> memref<79x128xi32, #tpu.memory_space<hbm>>
      tpu.wait_dma2 semaphore(%run_scoped3A : memref<!tpu.dma_semaphore, #tpu.memory_space<semaphore_mem>>) src(%dma_wait3A_90 : memref<79x128xi32, #tpu.memory_space<hbm>>) dst(%arg12 : memref<79x128xi32, #tpu.memory_space<vmem>>)
      tpu.yield
    }) : () -> ()
    %eq3A = arith.constant 0 : i32
    %eq3A_1 = arith.cmpi eq, %arg1, %eq3A : i32
    %convert_element_type3A = arith.extui %eq3A_1 : i1 to i32
    %cond3A = arith.constant 0 : i32
    %cond3A_2 = arith.cmpi ne, %convert_element_type3A, %cond3A : i32
    scf.if %cond3A_2 {
      "tpu.region"() ({
        %run_scoped3A = tpu.sem_alloc : memref<!tpu.dma_semaphore, #tpu.memory_space<semaphore_mem>>
        tpu.enqueue_dma source(%arg4 : memref<10240xf32, #tpu.memory_space<hbm>>) target(%arg15 : memref<10240xf32, #tpu.memory_space<vmem_shared>>) target_semaphore(%run_scoped3A : memref<!tpu.dma_semaphore, #tpu.memory_space<semaphore_mem>>)
        tpu.wait_dma2 semaphore(%run_scoped3A : memref<!tpu.dma_semaphore, #tpu.memory_space<semaphore_mem>>) src(%arg4 : memref<10240xf32, #tpu.memory_space<hbm>>) dst(%arg15 : memref<10240xf32, #tpu.memory_space<vmem_shared>>)
        tpu.yield
      }) : () -> ()
    } else {
    }
    %eq3A_3 = arith.constant 2 : i32
    %eq3A_4 = arith.cmpi eq, %arg1, %eq3A_3 : i32
    %eq3A_5 = arith.constant 0 : i32
    %eq3A_6 = arith.cmpi eq, %arg0, %eq3A_5 : i32
    %and3A = arith.andi %eq3A_4, %eq3A_6 : i1
    %convert_element_type3A_7 = arith.extui %and3A : i1 to i32
    %cond3A_8 = arith.constant 0 : i32
    %cond3A_9 = arith.cmpi ne, %convert_element_type3A_7, %cond3A_8 : i32
    scf.if %cond3A_9 {
      "tpu.region"() ({
        %run_scoped3A = tpu.sem_alloc : memref<!tpu.dma_semaphore, #tpu.memory_space<semaphore_mem>>
        tpu.enqueue_dma source(%arg4 : memref<10240xf32, #tpu.memory_space<hbm>>) target(%arg17 : memref<10240xf32, #tpu.memory_space<vmem_shared>>) target_semaphore(%run_scoped3A : memref<!tpu.dma_semaphore, #tpu.memory_space<semaphore_mem>>)
        tpu.wait_dma2 semaphore(%run_scoped3A : memref<!tpu.dma_semaphore, #tpu.memory_space<semaphore_mem>>) src(%arg4 : memref<10240xf32, #tpu.memory_space<hbm>>) dst(%arg17 : memref<10240xf32, #tpu.memory_space<vmem_shared>>)
        tpu.yield
      }) : () -> ()
    } else {
    }
    %eq3A_10 = arith.constant 2 : i32
    %eq3A_11 = arith.cmpi eq, %arg1, %eq3A_10 : i32
    %eq3A_12 = arith.constant 1 : i32
    %eq3A_13 = arith.cmpi eq, %arg0, %eq3A_12 : i32
    %and3A_14 = arith.andi %eq3A_11, %eq3A_13 : i1
    %convert_element_type3A_15 = arith.extui %and3A_14 : i1 to i32
    %cond3A_16 = arith.constant 0 : i32
    %cond3A_17 = arith.cmpi ne, %convert_element_type3A_15, %cond3A_16 : i32
    scf.if %cond3A_17 {
      "tpu.region"() ({
        %run_scoped3A = tpu.sem_alloc : memref<!tpu.dma_semaphore, #tpu.memory_space<semaphore_mem>>
        tpu.enqueue_dma source(%arg6 : memref<10240xf32, #tpu.memory_space<hbm>>) target(%arg17 : memref<10240xf32, #tpu.memory_space<vmem_shared>>) target_semaphore(%run_scoped3A : memref<!tpu.dma_semaphore, #tpu.memory_space<semaphore_mem>>)
        tpu.wait_dma2 semaphore(%run_scoped3A : memref<!tpu.dma_semaphore, #tpu.memory_space<semaphore_mem>>) src(%arg6 : memref<10240xf32, #tpu.memory_space<hbm>>) dst(%arg17 : memref<10240xf32, #tpu.memory_space<vmem_shared>>)
        tpu.yield
      }) : () -> ()
    } else {
    }
    %eq3A_18 = arith.constant 1 : i32
    %eq3A_19 = arith.cmpi eq, %arg1, %eq3A_18 : i32
    %convert_element_type3A_20 = arith.extui %eq3A_19 : i1 to i32
    %cond3A_21 = arith.constant 0 : i32
    %cond3A_22 = arith.cmpi ne, %convert_element_type3A_20, %cond3A_21 : i32
    scf.if %cond3A_22 {
      "tpu.region"() ({
        %run_scoped3A = tpu.sem_alloc : memref<!tpu.dma_semaphore, #tpu.memory_space<semaphore_mem>>
        tpu.enqueue_dma source(%arg5 : memref<10240xf32, #tpu.memory_space<hbm>>) target(%arg16 : memref<10240xf32, #tpu.memory_space<vmem_shared>>) target_semaphore(%run_scoped3A : memref<!tpu.dma_semaphore, #tpu.memory_space<semaphore_mem>>)
        tpu.wait_dma2 semaphore(%run_scoped3A : memref<!tpu.dma_semaphore, #tpu.memory_space<semaphore_mem>>) src(%arg5 : memref<10240xf32, #tpu.memory_space<hbm>>) dst(%arg16 : memref<10240xf32, #tpu.memory_space<vmem_shared>>)
        tpu.yield
      }) : () -> ()
    } else {
    }
    %eq3A_23 = arith.constant 3 : i32
    %eq3A_24 = arith.cmpi eq, %arg1, %eq3A_23 : i32
    %eq3A_25 = arith.constant 0 : i32
    %eq3A_26 = arith.cmpi eq, %arg0, %eq3A_25 : i32
    %and3A_27 = arith.andi %eq3A_24, %eq3A_26 : i1
    %convert_element_type3A_28 = arith.extui %and3A_27 : i1 to i32
    %cond3A_29 = arith.constant 0 : i32
    %cond3A_30 = arith.cmpi ne, %convert_element_type3A_28, %cond3A_29 : i32
    scf.if %cond3A_30 {
      "tpu.region"() ({
        %run_scoped3A = tpu.sem_alloc : memref<!tpu.dma_semaphore, #tpu.memory_space<semaphore_mem>>
        tpu.enqueue_dma source(%arg5 : memref<10240xf32, #tpu.memory_space<hbm>>) target(%arg18 : memref<10240xf32, #tpu.memory_space<vmem_shared>>) target_semaphore(%run_scoped3A : memref<!tpu.dma_semaphore, #tpu.memory_space<semaphore_mem>>)
        tpu.wait_dma2 semaphore(%run_scoped3A : memref<!tpu.dma_semaphore, #tpu.memory_space<semaphore_mem>>) src(%arg5 : memref<10240xf32, #tpu.memory_space<hbm>>) dst(%arg18 : memref<10240xf32, #tpu.memory_space<vmem_shared>>)
        tpu.yield
      }) : () -> ()
    } else {
    }
    %eq3A_31 = arith.constant 3 : i32
    %eq3A_32 = arith.cmpi eq, %arg1, %eq3A_31 : i32
    %eq3A_33 = arith.constant 1 : i32
    %eq3A_34 = arith.cmpi eq, %arg0, %eq3A_33 : i32
    %and3A_35 = arith.andi %eq3A_32, %eq3A_34 : i1
    %convert_element_type3A_36 = arith.extui %and3A_35 : i1 to i32
    %cond3A_37 = arith.constant 0 : i32
    %cond3A_38 = arith.cmpi ne, %convert_element_type3A_36, %cond3A_37 : i32
    scf.if %cond3A_38 {
      "tpu.region"() ({
        %run_scoped3A = tpu.sem_alloc : memref<!tpu.dma_semaphore, #tpu.memory_space<semaphore_mem>>
        tpu.enqueue_dma source(%arg6 : memref<10240xf32, #tpu.memory_space<hbm>>) target(%arg18 : memref<10240xf32, #tpu.memory_space<vmem_shared>>) target_semaphore(%run_scoped3A : memref<!tpu.dma_semaphore, #tpu.memory_space<semaphore_mem>>)
        tpu.wait_dma2 semaphore(%run_scoped3A : memref<!tpu.dma_semaphore, #tpu.memory_space<semaphore_mem>>) src(%arg6 : memref<10240xf32, #tpu.memory_space<hbm>>) dst(%arg18 : memref<10240xf32, #tpu.memory_space<vmem_shared>>)
        tpu.yield
      }) : () -> ()
    } else {
    }
    %barrier3A = arith.constant 0 : index
    tpu.barrier barrier_id(%barrier3A)
    %scan3A = arith.constant 0 : i32
    %scan3A_39 = arith.constant 0 : i32
    %scan3A_40 = arith.constant 79 : i32
    %scan3A_41 = arith.addi %scan3A_39, %scan3A_40 : i32
    %scan3A_42 = arith.constant 1 : i32
    scf.for %scan3A_77 = %scan3A_39 to %scan3A_41 step %scan3A_42  : i32 {
      %dma_start3A = arith.constant 0 : i32
      %dma_start3A_78 = tpu.memref_slice %arg11[%scan3A_77, %dma_start3A] : memref<79x128xi32, #tpu.memory_space<vmem>> -> memref<1x128xi32, #tpu.memory_space<vmem>>
      %dma_start3A_79 = tpu.memref_squeeze %dma_start3A_78 : memref<1x128xi32, #tpu.memory_space<vmem>> -> memref<128xi32, #tpu.memory_space<vmem>>
      %dma_start3A_80 = arith.constant 0 : i32
      %dma_start3A_81 = tpu.memref_slice %arg15[%dma_start3A_80] : memref<10240xf32, #tpu.memory_space<vmem_shared>> -> memref<10240xf32, #tpu.memory_space<vmem_shared>>
      tpu.enqueue_indirect_dma source(%dma_start3A_81 : memref<10240xf32, #tpu.memory_space<vmem_shared>>) target(%arg13 : memref<128xf32, #tpu.memory_space<vmem>>) offsets(%dma_start3A_79 : memref<128xi32, #tpu.memory_space<vmem>>) semaphore(%arg19 : memref<!tpu.dma_semaphore, #tpu.memory_space<semaphore_mem>>)
      %dma_start3A_82 = arith.constant 0 : i32
      %dma_start3A_83 = tpu.memref_slice %arg11[%scan3A_77, %dma_start3A_82] : memref<79x128xi32, #tpu.memory_space<vmem>> -> memref<1x128xi32, #tpu.memory_space<vmem>>
      %dma_start3A_84 = tpu.memref_squeeze %dma_start3A_83 : memref<1x128xi32, #tpu.memory_space<vmem>> -> memref<128xi32, #tpu.memory_space<vmem>>
      %dma_start3A_85 = arith.constant 0 : i32
      %dma_start3A_86 = tpu.memref_slice %arg16[%dma_start3A_85] : memref<10240xf32, #tpu.memory_space<vmem_shared>> -> memref<10240xf32, #tpu.memory_space<vmem_shared>>
      tpu.enqueue_indirect_dma source(%dma_start3A_86 : memref<10240xf32, #tpu.memory_space<vmem_shared>>) target(%arg14 : memref<128xf32, #tpu.memory_space<vmem>>) offsets(%dma_start3A_84 : memref<128xi32, #tpu.memory_space<vmem>>) semaphore(%arg19 : memref<!tpu.dma_semaphore, #tpu.memory_space<semaphore_mem>>)
      %dma_wait3A = arith.constant 0 : i32
      %dma_wait3A_87 = tpu.memref_slice %arg11[%scan3A_77, %dma_wait3A] : memref<79x128xi32, #tpu.memory_space<vmem>> -> memref<1x128xi32, #tpu.memory_space<vmem>>
      %dma_wait3A_88 = tpu.memref_squeeze %dma_wait3A_87 : memref<1x128xi32, #tpu.memory_space<vmem>> -> memref<128xi32, #tpu.memory_space<vmem>>
      %dma_wait3A_89 = arith.constant 0 : i32
      %dma_wait3A_90 = tpu.memref_slice %arg15[%dma_wait3A_89] : memref<10240xf32, #tpu.memory_space<vmem_shared>> -> memref<10240xf32, #tpu.memory_space<vmem_shared>>
      tpu.wait_indirect_dma semaphore(%arg19 : memref<!tpu.dma_semaphore, #tpu.memory_space<semaphore_mem>>) src(%dma_wait3A_90 : memref<10240xf32, #tpu.memory_space<vmem_shared>>) dst(%arg13 : memref<128xf32, #tpu.memory_space<vmem>>)
      %dma_wait3A_91 = arith.constant 0 : i32
      %dma_wait3A_92 = tpu.memref_slice %arg11[%scan3A_77, %dma_wait3A_91] : memref<79x128xi32, #tpu.memory_space<vmem>> -> memref<1x128xi32, #tpu.memory_space<vmem>>
      %dma_wait3A_93 = tpu.memref_squeeze %dma_wait3A_92 : memref<1x128xi32, #tpu.memory_space<vmem>> -> memref<128xi32, #tpu.memory_space<vmem>>
      %dma_wait3A_94 = arith.constant 0 : i32
      %dma_wait3A_95 = tpu.memref_slice %arg16[%dma_wait3A_94] : memref<10240xf32, #tpu.memory_space<vmem_shared>> -> memref<10240xf32, #tpu.memory_space<vmem_shared>>
      tpu.wait_indirect_dma semaphore(%arg19 : memref<!tpu.dma_semaphore, #tpu.memory_space<semaphore_mem>>) src(%dma_wait3A_95 : memref<10240xf32, #tpu.memory_space<vmem_shared>>) dst(%arg14 : memref<128xf32, #tpu.memory_space<vmem>>)
      %dma_start3A_96 = arith.constant 0 : i32
      %dma_start3A_97 = tpu.memref_slice %arg12[%scan3A_77, %dma_start3A_96] : memref<79x128xi32, #tpu.memory_space<vmem>> -> memref<1x128xi32, #tpu.memory_space<vmem>>
      %dma_start3A_98 = tpu.memref_squeeze %dma_start3A_97 : memref<1x128xi32, #tpu.memory_space<vmem>> -> memref<128xi32, #tpu.memory_space<vmem>>
      %dma_start3A_99 = arith.constant 0 : i32
      %dma_start3A_100 = tpu.memref_slice %arg17[%dma_start3A_99] : memref<10240xf32, #tpu.memory_space<vmem_shared>> -> memref<10240xf32, #tpu.memory_space<vmem_shared>>
      tpu.enqueue_indirect_dma source(%arg13 : memref<128xf32, #tpu.memory_space<vmem>>) target(%dma_start3A_100 : memref<10240xf32, #tpu.memory_space<vmem_shared>>) offsets(%dma_start3A_98 : memref<128xi32, #tpu.memory_space<vmem>>) semaphore(%arg19 : memref<!tpu.dma_semaphore, #tpu.memory_space<semaphore_mem>>) {add = true}
      %dma_start3A_101 = arith.constant 0 : i32
      %dma_start3A_102 = tpu.memref_slice %arg12[%scan3A_77, %dma_start3A_101] : memref<79x128xi32, #tpu.memory_space<vmem>> -> memref<1x128xi32, #tpu.memory_space<vmem>>
      %dma_start3A_103 = tpu.memref_squeeze %dma_start3A_102 : memref<1x128xi32, #tpu.memory_space<vmem>> -> memref<128xi32, #tpu.memory_space<vmem>>
      %dma_start3A_104 = arith.constant 0 : i32
      %dma_start3A_105 = tpu.memref_slice %arg18[%dma_start3A_104] : memref<10240xf32, #tpu.memory_space<vmem_shared>> -> memref<10240xf32, #tpu.memory_space<vmem_shared>>
      tpu.enqueue_indirect_dma source(%arg14 : memref<128xf32, #tpu.memory_space<vmem>>) target(%dma_start3A_105 : memref<10240xf32, #tpu.memory_space<vmem_shared>>) offsets(%dma_start3A_103 : memref<128xi32, #tpu.memory_space<vmem>>) semaphore(%arg19 : memref<!tpu.dma_semaphore, #tpu.memory_space<semaphore_mem>>) {add = true}
      %dma_wait3A_106 = arith.constant 0 : i32
      %dma_wait3A_107 = tpu.memref_slice %arg12[%scan3A_77, %dma_wait3A_106] : memref<79x128xi32, #tpu.memory_space<vmem>> -> memref<1x128xi32, #tpu.memory_space<vmem>>
      %dma_wait3A_108 = tpu.memref_squeeze %dma_wait3A_107 : memref<1x128xi32, #tpu.memory_space<vmem>> -> memref<128xi32, #tpu.memory_space<vmem>>
      %dma_wait3A_109 = arith.constant 0 : i32
      %dma_wait3A_110 = tpu.memref_slice %arg17[%dma_wait3A_109] : memref<10240xf32, #tpu.memory_space<vmem_shared>> -> memref<10240xf32, #tpu.memory_space<vmem_shared>>
      tpu.wait_indirect_dma semaphore(%arg19 : memref<!tpu.dma_semaphore, #tpu.memory_space<semaphore_mem>>) src(%arg13 : memref<128xf32, #tpu.memory_space<vmem>>) dst(%dma_wait3A_110 : memref<10240xf32, #tpu.memory_space<vmem_shared>>)
      %dma_wait3A_111 = arith.constant 0 : i32
      %dma_wait3A_112 = tpu.memref_slice %arg12[%scan3A_77, %dma_wait3A_111] : memref<79x128xi32, #tpu.memory_space<vmem>> -> memref<1x128xi32, #tpu.memory_space<vmem>>
      %dma_wait3A_113 = tpu.memref_squeeze %dma_wait3A_112 : memref<1x128xi32, #tpu.memory_space<vmem>> -> memref<128xi32, #tpu.memory_space<vmem>>
      %dma_wait3A_114 = arith.constant 0 : i32
      %dma_wait3A_115 = tpu.memref_slice %arg18[%dma_wait3A_114] : memref<10240xf32, #tpu.memory_space<vmem_shared>> -> memref<10240xf32, #tpu.memory_space<vmem_shared>>
      tpu.wait_indirect_dma semaphore(%arg19 : memref<!tpu.dma_semaphore, #tpu.memory_space<semaphore_mem>>) src(%arg14 : memref<128xf32, #tpu.memory_space<vmem>>) dst(%dma_wait3A_115 : memref<10240xf32, #tpu.memory_space<vmem_shared>>)
    }
    %scan3A_43 = arith.constant 79 : i32
    %barrier3A_44 = arith.constant 0 : index
    tpu.barrier barrier_id(%barrier3A_44)
    %eq3A_45 = arith.constant 0 : i32
    %eq3A_46 = arith.cmpi eq, %arg0, %eq3A_45 : i32
    %eq3A_47 = arith.constant 0 : i32
    %eq3A_48 = arith.cmpi eq, %arg1, %eq3A_47 : i32
    %and3A_49 = arith.andi %eq3A_46, %eq3A_48 : i1
    %convert_element_type3A_50 = arith.extui %and3A_49 : i1 to i32
    %cond3A_51 = arith.constant 0 : i32
    %cond3A_52 = arith.cmpi ne, %convert_element_type3A_50, %cond3A_51 : i32
    scf.if %cond3A_52 {
      "tpu.region"() ({
        %run_scoped3A = tpu.sem_alloc : memref<!tpu.dma_semaphore, #tpu.memory_space<semaphore_mem>>
        tpu.enqueue_dma source(%arg17 : memref<10240xf32, #tpu.memory_space<vmem_shared>>) target(%arg7 : memref<10240xf32, #tpu.memory_space<hbm>>) target_semaphore(%run_scoped3A : memref<!tpu.dma_semaphore, #tpu.memory_space<semaphore_mem>>)
        tpu.wait_dma2 semaphore(%run_scoped3A : memref<!tpu.dma_semaphore, #tpu.memory_space<semaphore_mem>>) src(%arg17 : memref<10240xf32, #tpu.memory_space<vmem_shared>>) dst(%arg7 : memref<10240xf32, #tpu.memory_space<hbm>>)
        tpu.yield
      }) : () -> ()
    } else {
    }
    %eq3A_53 = arith.constant 0 : i32
    %eq3A_54 = arith.cmpi eq, %arg0, %eq3A_53 : i32
    %eq3A_55 = arith.constant 1 : i32
    %eq3A_56 = arith.cmpi eq, %arg1, %eq3A_55 : i32
    %and3A_57 = arith.andi %eq3A_54, %eq3A_56 : i1
    %convert_element_type3A_58 = arith.extui %and3A_57 : i1 to i32
    %cond3A_59 = arith.constant 0 : i32
    %cond3A_60 = arith.cmpi ne, %convert_element_type3A_58, %cond3A_59 : i32
    scf.if %cond3A_60 {
      "tpu.region"() ({
        %run_scoped3A = tpu.sem_alloc : memref<!tpu.dma_semaphore, #tpu.memory_space<semaphore_mem>>
        tpu.enqueue_dma source(%arg18 : memref<10240xf32, #tpu.memory_space<vmem_shared>>) target(%arg8 : memref<10240xf32, #tpu.memory_space<hbm>>) target_semaphore(%run_scoped3A : memref<!tpu.dma_semaphore, #tpu.memory_space<semaphore_mem>>)
        tpu.wait_dma2 semaphore(%run_scoped3A : memref<!tpu.dma_semaphore, #tpu.memory_space<semaphore_mem>>) src(%arg18 : memref<10240xf32, #tpu.memory_space<vmem_shared>>) dst(%arg8 : memref<10240xf32, #tpu.memory_space<hbm>>)
        tpu.yield
      }) : () -> ()
    } else {
    }
    %eq3A_61 = arith.constant 1 : i32
    %eq3A_62 = arith.cmpi eq, %arg0, %eq3A_61 : i32
    %eq3A_63 = arith.constant 0 : i32
    %eq3A_64 = arith.cmpi eq, %arg1, %eq3A_63 : i32
    %and3A_65 = arith.andi %eq3A_62, %eq3A_64 : i1
    %convert_element_type3A_66 = arith.extui %and3A_65 : i1 to i32
    %cond3A_67 = arith.constant 0 : i32
    %cond3A_68 = arith.cmpi ne, %convert_element_type3A_66, %cond3A_67 : i32
    scf.if %cond3A_68 {
      "tpu.region"() ({
        %run_scoped3A = tpu.sem_alloc : memref<!tpu.dma_semaphore, #tpu.memory_space<semaphore_mem>>
        tpu.enqueue_dma source(%arg17 : memref<10240xf32, #tpu.memory_space<vmem_shared>>) target(%arg9 : memref<10240xf32, #tpu.memory_space<hbm>>) target_semaphore(%run_scoped3A : memref<!tpu.dma_semaphore, #tpu.memory_space<semaphore_mem>>)
        tpu.wait_dma2 semaphore(%run_scoped3A : memref<!tpu.dma_semaphore, #tpu.memory_space<semaphore_mem>>) src(%arg17 : memref<10240xf32, #tpu.memory_space<vmem_shared>>) dst(%arg9 : memref<10240xf32, #tpu.memory_space<hbm>>)
        tpu.yield
      }) : () -> ()
    } else {
    }
    %eq3A_69 = arith.constant 1 : i32
    %eq3A_70 = arith.cmpi eq, %arg0, %eq3A_69 : i32
    %eq3A_71 = arith.constant 1 : i32
    %eq3A_72 = arith.cmpi eq, %arg1, %eq3A_71 : i32
    %and3A_73 = arith.andi %eq3A_70, %eq3A_72 : i1
    %convert_element_type3A_74 = arith.extui %and3A_73 : i1 to i32
    %cond3A_75 = arith.constant 0 : i32
    %cond3A_76 = arith.cmpi ne, %convert_element_type3A_74, %cond3A_75 : i32
    scf.if %cond3A_76 {
      "tpu.region"() ({
        %run_scoped3A = tpu.sem_alloc : memref<!tpu.dma_semaphore, #tpu.memory_space<semaphore_mem>>
        tpu.enqueue_dma source(%arg18 : memref<10240xf32, #tpu.memory_space<vmem_shared>>) target(%arg10 : memref<10240xf32, #tpu.memory_space<hbm>>) target_semaphore(%run_scoped3A : memref<!tpu.dma_semaphore, #tpu.memory_space<semaphore_mem>>)
        tpu.wait_dma2 semaphore(%run_scoped3A : memref<!tpu.dma_semaphore, #tpu.memory_space<semaphore_mem>>) src(%arg18 : memref<10240xf32, #tpu.memory_space<vmem_shared>>) dst(%arg10 : memref<10240xf32, #tpu.memory_space<hbm>>)
        tpu.yield
      }) : () -> ()
    } else {
    }
    return
  }
}

#map = affine_map<(d0, d1) -> (0, 0, 0)>
#map1 = affine_map<(d0, d1) -> (0)>
#map2 = affine_map<(d0, d1) -> (0, 0)>
module attributes {stable_mosaic.version = 14 : i64} {
  func.func @_deg_kernel(%arg0: i32, %arg1: i32, %arg2: memref<32x79x128xi32, #tpu.memory_space<hbm>>, %arg3: memref<128xf32, #tpu.memory_space<hbm>>, %arg4: memref<10240xf32, #tpu.memory_space<hbm>>, %arg5: memref<2x10240xf32, #tpu.memory_space<hbm>>, %arg6: memref<79x128xi32, #tpu.memory_space<vmem>>, %arg7: memref<128xf32, #tpu.memory_space<vmem>>, %arg8: memref<10240xf32, #tpu.memory_space<vmem_shared>>) attributes {dimension_semantics = [#tpu.dimension_semantics<core_parallel>, #tpu.dimension_semantics<subcore_parallel>], iteration_bounds = array<i64: 2, 16>, scalar_prefetch = 0 : i64, scratch_operands = 3 : i64, tpu.core_type = #tpu.core_type<sc_vector_subcore>, window_params = [{transform_indices = #map}, {transform_indices = #map1}, {transform_indices = #map1}, {transform_indices = #map2}]} {
    %mul3A = arith.constant 16 : i32
    %mul3A_0 = arith.muli %arg0, %mul3A : i32
    %add3A = arith.addi %mul3A_0, %arg1 : i32
    "tpu.region"() ({
      %run_scoped3A = tpu.sem_alloc : memref<!tpu.dma_semaphore, #tpu.memory_space<semaphore_mem>>
      %dma_start3A = arith.constant 0 : i32
      %dma_start3A_13 = arith.constant 0 : i32
      %dma_start3A_14 = tpu.memref_slice %arg2[%add3A, %dma_start3A, %dma_start3A_13] : memref<32x79x128xi32, #tpu.memory_space<hbm>> -> memref<1x79x128xi32, #tpu.memory_space<hbm>>
      %dma_start3A_15 = tpu.memref_squeeze %dma_start3A_14 : memref<1x79x128xi32, #tpu.memory_space<hbm>> -> memref<79x128xi32, #tpu.memory_space<hbm>>
      %dma_start3A_16 = arith.constant 0 : i32
      %dma_start3A_17 = arith.constant 0 : i32
      %dma_start3A_18 = tpu.memref_slice %arg2[%add3A, %dma_start3A_16, %dma_start3A_17] : memref<32x79x128xi32, #tpu.memory_space<hbm>> -> memref<1x79x128xi32, #tpu.memory_space<hbm>>
      %dma_start3A_19 = tpu.memref_squeeze %dma_start3A_18 : memref<1x79x128xi32, #tpu.memory_space<hbm>> -> memref<79x128xi32, #tpu.memory_space<hbm>>
      tpu.enqueue_dma source(%dma_start3A_19 : memref<79x128xi32, #tpu.memory_space<hbm>>) target(%arg6 : memref<79x128xi32, #tpu.memory_space<vmem>>) target_semaphore(%run_scoped3A : memref<!tpu.dma_semaphore, #tpu.memory_space<semaphore_mem>>)
      %dma_wait3A = arith.constant 0 : i32
      %dma_wait3A_20 = arith.constant 0 : i32
      %dma_wait3A_21 = tpu.memref_slice %arg2[%add3A, %dma_wait3A, %dma_wait3A_20] : memref<32x79x128xi32, #tpu.memory_space<hbm>> -> memref<1x79x128xi32, #tpu.memory_space<hbm>>
      %dma_wait3A_22 = tpu.memref_squeeze %dma_wait3A_21 : memref<1x79x128xi32, #tpu.memory_space<hbm>> -> memref<79x128xi32, #tpu.memory_space<hbm>>
      %dma_wait3A_23 = arith.constant 0 : i32
      %dma_wait3A_24 = arith.constant 0 : i32
      %dma_wait3A_25 = tpu.memref_slice %arg2[%add3A, %dma_wait3A_23, %dma_wait3A_24] : memref<32x79x128xi32, #tpu.memory_space<hbm>> -> memref<1x79x128xi32, #tpu.memory_space<hbm>>
      %dma_wait3A_26 = tpu.memref_squeeze %dma_wait3A_25 : memref<1x79x128xi32, #tpu.memory_space<hbm>> -> memref<79x128xi32, #tpu.memory_space<hbm>>
      tpu.wait_dma2 semaphore(%run_scoped3A : memref<!tpu.dma_semaphore, #tpu.memory_space<semaphore_mem>>) src(%dma_wait3A_26 : memref<79x128xi32, #tpu.memory_space<hbm>>) dst(%arg6 : memref<79x128xi32, #tpu.memory_space<vmem>>)
      tpu.yield
    }) : () -> ()
    "tpu.region"() ({
      %run_scoped3A = tpu.sem_alloc : memref<!tpu.dma_semaphore, #tpu.memory_space<semaphore_mem>>
      tpu.enqueue_dma source(%arg3 : memref<128xf32, #tpu.memory_space<hbm>>) target(%arg7 : memref<128xf32, #tpu.memory_space<vmem>>) target_semaphore(%run_scoped3A : memref<!tpu.dma_semaphore, #tpu.memory_space<semaphore_mem>>)
      tpu.wait_dma2 semaphore(%run_scoped3A : memref<!tpu.dma_semaphore, #tpu.memory_space<semaphore_mem>>) src(%arg3 : memref<128xf32, #tpu.memory_space<hbm>>) dst(%arg7 : memref<128xf32, #tpu.memory_space<vmem>>)
      tpu.yield
    }) : () -> ()
    %eq3A = arith.constant 0 : i32
    %eq3A_1 = arith.cmpi eq, %arg1, %eq3A : i32
    %convert_element_type3A = arith.extui %eq3A_1 : i1 to i32
    %cond3A = arith.constant 0 : i32
    %cond3A_2 = arith.cmpi ne, %convert_element_type3A, %cond3A : i32
    scf.if %cond3A_2 {
      "tpu.region"() ({
        %run_scoped3A = tpu.sem_alloc : memref<!tpu.dma_semaphore, #tpu.memory_space<semaphore_mem>>
        tpu.enqueue_dma source(%arg4 : memref<10240xf32, #tpu.memory_space<hbm>>) target(%arg8 : memref<10240xf32, #tpu.memory_space<vmem_shared>>) target_semaphore(%run_scoped3A : memref<!tpu.dma_semaphore, #tpu.memory_space<semaphore_mem>>)
        tpu.wait_dma2 semaphore(%run_scoped3A : memref<!tpu.dma_semaphore, #tpu.memory_space<semaphore_mem>>) src(%arg4 : memref<10240xf32, #tpu.memory_space<hbm>>) dst(%arg8 : memref<10240xf32, #tpu.memory_space<vmem_shared>>)
        tpu.yield
      }) : () -> ()
    } else {
    }
    %barrier3A = arith.constant 0 : index
    tpu.barrier barrier_id(%barrier3A)
    %scan3A = arith.constant 0 : i32
    %scan3A_3 = arith.constant 0 : i32
    %scan3A_4 = arith.constant 79 : i32
    %scan3A_5 = arith.addi %scan3A_3, %scan3A_4 : i32
    %scan3A_6 = arith.constant 1 : i32
    scf.for %scan3A_13 = %scan3A_3 to %scan3A_5 step %scan3A_6  : i32 {
      "tpu.region"() ({
        %run_scoped3A = tpu.sem_alloc : memref<!tpu.dma_semaphore, #tpu.memory_space<semaphore_mem>>
        %dma_start3A = arith.constant 0 : i32
        %dma_start3A_14 = tpu.memref_slice %arg6[%scan3A_13, %dma_start3A] : memref<79x128xi32, #tpu.memory_space<vmem>> -> memref<1x128xi32, #tpu.memory_space<vmem>>
        %dma_start3A_15 = tpu.memref_squeeze %dma_start3A_14 : memref<1x128xi32, #tpu.memory_space<vmem>> -> memref<128xi32, #tpu.memory_space<vmem>>
        %dma_start3A_16 = arith.constant 0 : i32
        %dma_start3A_17 = tpu.memref_slice %arg8[%dma_start3A_16] : memref<10240xf32, #tpu.memory_space<vmem_shared>> -> memref<10240xf32, #tpu.memory_space<vmem_shared>>
        tpu.enqueue_indirect_dma source(%arg7 : memref<128xf32, #tpu.memory_space<vmem>>) target(%dma_start3A_17 : memref<10240xf32, #tpu.memory_space<vmem_shared>>) offsets(%dma_start3A_15 : memref<128xi32, #tpu.memory_space<vmem>>) semaphore(%run_scoped3A : memref<!tpu.dma_semaphore, #tpu.memory_space<semaphore_mem>>) {add = true}
        %dma_wait3A = arith.constant 0 : i32
        %dma_wait3A_18 = tpu.memref_slice %arg6[%scan3A_13, %dma_wait3A] : memref<79x128xi32, #tpu.memory_space<vmem>> -> memref<1x128xi32, #tpu.memory_space<vmem>>
        %dma_wait3A_19 = tpu.memref_squeeze %dma_wait3A_18 : memref<1x128xi32, #tpu.memory_space<vmem>> -> memref<128xi32, #tpu.memory_space<vmem>>
        %dma_wait3A_20 = arith.constant 0 : i32
        %dma_wait3A_21 = tpu.memref_slice %arg8[%dma_wait3A_20] : memref<10240xf32, #tpu.memory_space<vmem_shared>> -> memref<10240xf32, #tpu.memory_space<vmem_shared>>
        tpu.wait_indirect_dma semaphore(%run_scoped3A : memref<!tpu.dma_semaphore, #tpu.memory_space<semaphore_mem>>) src(%arg7 : memref<128xf32, #tpu.memory_space<vmem>>) dst(%dma_wait3A_21 : memref<10240xf32, #tpu.memory_space<vmem_shared>>)
        tpu.yield
      }) : () -> ()
    }
    %scan3A_7 = arith.constant 79 : i32
    %barrier3A_8 = arith.constant 0 : index
    tpu.barrier barrier_id(%barrier3A_8)
    %mul3A_9 = arith.constant 640 : i32
    %mul3A_10 = arith.muli %arg1, %mul3A_9 : i32
    %mul3A_11 = arith.constant 640 : i32
    %mul3A_12 = arith.muli %arg1, %mul3A_11 : i32
    "tpu.region"() ({
      %run_scoped3A = tpu.sem_alloc : memref<!tpu.dma_semaphore, #tpu.memory_space<semaphore_mem>>
      %dma_start3A = tpu.memref_slice %arg5[%arg0, %mul3A_12] : memref<2x10240xf32, #tpu.memory_space<hbm>> -> memref<1x640xf32, #tpu.memory_space<hbm>>
      %dma_start3A_13 = tpu.memref_squeeze %dma_start3A : memref<1x640xf32, #tpu.memory_space<hbm>> -> memref<640xf32, #tpu.memory_space<hbm>>
      %dma_start3A_14 = tpu.memref_slice %arg8[%mul3A_10] : memref<10240xf32, #tpu.memory_space<vmem_shared>> -> memref<640xf32, #tpu.memory_space<vmem_shared>>
      tpu.enqueue_dma source(%dma_start3A_14 : memref<640xf32, #tpu.memory_space<vmem_shared>>) target(%dma_start3A_13 : memref<640xf32, #tpu.memory_space<hbm>>) target_semaphore(%run_scoped3A : memref<!tpu.dma_semaphore, #tpu.memory_space<semaphore_mem>>)
      %dma_wait3A = tpu.memref_slice %arg5[%arg0, %mul3A_12] : memref<2x10240xf32, #tpu.memory_space<hbm>> -> memref<1x640xf32, #tpu.memory_space<hbm>>
      %dma_wait3A_15 = tpu.memref_squeeze %dma_wait3A : memref<1x640xf32, #tpu.memory_space<hbm>> -> memref<640xf32, #tpu.memory_space<hbm>>
      %dma_wait3A_16 = tpu.memref_slice %arg8[%mul3A_10] : memref<10240xf32, #tpu.memory_space<vmem_shared>> -> memref<640xf32, #tpu.memory_space<vmem_shared>>
      tpu.wait_dma2 semaphore(%run_scoped3A : memref<!tpu.dma_semaphore, #tpu.memory_space<semaphore_mem>>) src(%dma_wait3A_16 : memref<640xf32, #tpu.memory_space<vmem_shared>>) dst(%dma_wait3A_15 : memref<640xf32, #tpu.memory_space<hbm>>)
      tpu.yield
    }) : () -> ()
    return
  }
}

#map = affine_map<(d0, d1) -> (0, 0, 0)>
#map1 = affine_map<(d0, d1) -> (0)>
module attributes {stable_mosaic.version = 14 : i64} {
  func.func @_edge_kernel(%arg0: i32, %arg1: i32, %arg2: memref<32x79x128xi32, #tpu.memory_space<hbm>>, %arg3: memref<32x79x128xi32, #tpu.memory_space<hbm>>, %arg4: memref<10240xf32, #tpu.memory_space<hbm>>, %arg5: memref<10240xf32, #tpu.memory_space<hbm>>, %arg6: memref<10240xf32, #tpu.memory_space<hbm>>, %arg7: memref<10240xf32, #tpu.memory_space<hbm>>, %arg8: memref<10240xf32, #tpu.memory_space<hbm>>, %arg9: memref<10240xf32, #tpu.memory_space<hbm>>, %arg10: memref<10240xf32, #tpu.memory_space<hbm>>, %arg11: memref<10240xf32, #tpu.memory_space<hbm>>, %arg12: memref<10240xf32, #tpu.memory_space<hbm>>, %arg13: memref<10240xf32, #tpu.memory_space<hbm>>, %arg14: memref<10240xf32, #tpu.memory_space<hbm>>, %arg15: memref<10240xf32, #tpu.memory_space<hbm>>, %arg16: memref<10240xf32, #tpu.memory_space<hbm>>, %arg17: memref<10240xf32, #tpu.memory_space<hbm>>, %arg18: memref<10240xf32, #tpu.memory_space<hbm>>, %arg19: memref<10240xf32, #tpu.memory_space<hbm>>, %arg20: memref<10240xf32, #tpu.memory_space<hbm>>, %arg21: memref<10240xf32, #tpu.memory_space<hbm>>, %arg22: memref<10240xf32, #tpu.memory_space<hbm>>, %arg23: memref<10240xf32, #tpu.memory_space<hbm>>, %arg24: memref<10240xf32, #tpu.memory_space<hbm>>, %arg25: memref<10240xf32, #tpu.memory_space<hbm>>, %arg26: memref<10240xf32, #tpu.memory_space<hbm>>, %arg27: memref<10240xf32, #tpu.memory_space<hbm>>, %arg28: memref<10240xf32, #tpu.memory_space<hbm>>, %arg29: memref<79x128xi32, #tpu.memory_space<vmem>>, %arg30: memref<79x128xi32, #tpu.memory_space<vmem>>, %arg31: memref<128xf32, #tpu.memory_space<vmem>>, %arg32: memref<128xf32, #tpu.memory_space<vmem>>, %arg33: memref<128xf32, #tpu.memory_space<vmem>>, %arg34: memref<128xf32, #tpu.memory_space<vmem>>, %arg35: memref<128xf32, #tpu.memory_space<vmem>>, %arg36: memref<128xf32, #tpu.memory_space<vmem>>, %arg37: memref<128xf32, #tpu.memory_space<vmem>>, %arg38: memref<128xf32, #tpu.memory_space<vmem>>, %arg39: memref<10240xf32, #tpu.memory_space<vmem_shared>>, %arg40: memref<10240xf32, #tpu.memory_space<vmem_shared>>, %arg41: memref<10240xf32, #tpu.memory_space<vmem_shared>>, %arg42: memref<10240xf32, #tpu.memory_space<vmem_shared>>, %arg43: memref<10240xf32, #tpu.memory_space<vmem_shared>>, %arg44: memref<10240xf32, #tpu.memory_space<vmem_shared>>, %arg45: memref<10240xf32, #tpu.memory_space<vmem_shared>>, %arg46: memref<10240xf32, #tpu.memory_space<vmem_shared>>, %arg47: memref<10240xf32, #tpu.memory_space<vmem_shared>>, %arg48: memref<10240xf32, #tpu.memory_space<vmem_shared>>, %arg49: memref<10240xf32, #tpu.memory_space<vmem_shared>>, %arg50: memref<10240xf32, #tpu.memory_space<vmem_shared>>, %arg51: memref<10240xf32, #tpu.memory_space<vmem_shared>>, %arg52: memref<10240xf32, #tpu.memory_space<vmem_shared>>, %arg53: memref<10240xf32, #tpu.memory_space<vmem_shared>>, %arg54: memref<10240xf32, #tpu.memory_space<vmem_shared>>, %arg55: memref<!tpu.dma_semaphore, #tpu.memory_space<semaphore_mem>>) attributes {dimension_semantics = [#tpu.dimension_semantics<core_parallel>, #tpu.dimension_semantics<subcore_parallel>], iteration_bounds = array<i64: 2, 16>, scalar_prefetch = 0 : i64, scratch_operands = 27 : i64, tpu.core_type = #tpu.core_type<sc_vector_subcore>, window_params = [{transform_indices = #map}, {transform_indices = #map}, {transform_indices = #map1}, {transform_indices = #map1}, {transform_indices = #map1}, {transform_indices = #map1}, {transform_indices = #map1}, {transform_indices = #map1}, {transform_indices = #map1}, {transform_indices = #map1}, {transform_indices = #map1}, {transform_indices = #map1}, {transform_indices = #map1}, {transform_indices = #map1}, {transform_indices = #map1}, {transform_indices = #map1}, {transform_indices = #map1}, {transform_indices = #map1}, {transform_indices = #map1}, {transform_indices = #map1}, {transform_indices = #map1}, {transform_indices = #map1}, {transform_indices = #map1}, {transform_indices = #map1}, {transform_indices = #map1}, {transform_indices = #map1}, {transform_indices = #map1}]} {
    %mul3A = arith.constant 16 : i32
    %mul3A_0 = arith.muli %arg0, %mul3A : i32
    %add3A = arith.addi %mul3A_0, %arg1 : i32
    "tpu.region"() ({
      %run_scoped3A = tpu.sem_alloc : memref<!tpu.dma_semaphore, #tpu.memory_space<semaphore_mem>>
      %dma_start3A = arith.constant 0 : i32
      %dma_start3A_299 = arith.constant 0 : i32
      %dma_start3A_300 = tpu.memref_slice %arg2[%add3A, %dma_start3A, %dma_start3A_299] : memref<32x79x128xi32, #tpu.memory_space<hbm>> -> memref<1x79x128xi32, #tpu.memory_space<hbm>>
      %dma_start3A_301 = tpu.memref_squeeze %dma_start3A_300 : memref<1x79x128xi32, #tpu.memory_space<hbm>> -> memref<79x128xi32, #tpu.memory_space<hbm>>
      %dma_start3A_302 = arith.constant 0 : i32
      %dma_start3A_303 = arith.constant 0 : i32
      %dma_start3A_304 = tpu.memref_slice %arg2[%add3A, %dma_start3A_302, %dma_start3A_303] : memref<32x79x128xi32, #tpu.memory_space<hbm>> -> memref<1x79x128xi32, #tpu.memory_space<hbm>>
      %dma_start3A_305 = tpu.memref_squeeze %dma_start3A_304 : memref<1x79x128xi32, #tpu.memory_space<hbm>> -> memref<79x128xi32, #tpu.memory_space<hbm>>
      tpu.enqueue_dma source(%dma_start3A_305 : memref<79x128xi32, #tpu.memory_space<hbm>>) target(%arg29 : memref<79x128xi32, #tpu.memory_space<vmem>>) target_semaphore(%run_scoped3A : memref<!tpu.dma_semaphore, #tpu.memory_space<semaphore_mem>>)
      %dma_wait3A = arith.constant 0 : i32
      %dma_wait3A_306 = arith.constant 0 : i32
      %dma_wait3A_307 = tpu.memref_slice %arg2[%add3A, %dma_wait3A, %dma_wait3A_306] : memref<32x79x128xi32, #tpu.memory_space<hbm>> -> memref<1x79x128xi32, #tpu.memory_space<hbm>>
      %dma_wait3A_308 = tpu.memref_squeeze %dma_wait3A_307 : memref<1x79x128xi32, #tpu.memory_space<hbm>> -> memref<79x128xi32, #tpu.memory_space<hbm>>
      %dma_wait3A_309 = arith.constant 0 : i32
      %dma_wait3A_310 = arith.constant 0 : i32
      %dma_wait3A_311 = tpu.memref_slice %arg2[%add3A, %dma_wait3A_309, %dma_wait3A_310] : memref<32x79x128xi32, #tpu.memory_space<hbm>> -> memref<1x79x128xi32, #tpu.memory_space<hbm>>
      %dma_wait3A_312 = tpu.memref_squeeze %dma_wait3A_311 : memref<1x79x128xi32, #tpu.memory_space<hbm>> -> memref<79x128xi32, #tpu.memory_space<hbm>>
      tpu.wait_dma2 semaphore(%run_scoped3A : memref<!tpu.dma_semaphore, #tpu.memory_space<semaphore_mem>>) src(%dma_wait3A_312 : memref<79x128xi32, #tpu.memory_space<hbm>>) dst(%arg29 : memref<79x128xi32, #tpu.memory_space<vmem>>)
      tpu.yield
    }) : () -> ()
    "tpu.region"() ({
      %run_scoped3A = tpu.sem_alloc : memref<!tpu.dma_semaphore, #tpu.memory_space<semaphore_mem>>
      %dma_start3A = arith.constant 0 : i32
      %dma_start3A_299 = arith.constant 0 : i32
      %dma_start3A_300 = tpu.memref_slice %arg3[%add3A, %dma_start3A, %dma_start3A_299] : memref<32x79x128xi32, #tpu.memory_space<hbm>> -> memref<1x79x128xi32, #tpu.memory_space<hbm>>
      %dma_start3A_301 = tpu.memref_squeeze %dma_start3A_300 : memref<1x79x128xi32, #tpu.memory_space<hbm>> -> memref<79x128xi32, #tpu.memory_space<hbm>>
      %dma_start3A_302 = arith.constant 0 : i32
      %dma_start3A_303 = arith.constant 0 : i32
      %dma_start3A_304 = tpu.memref_slice %arg3[%add3A, %dma_start3A_302, %dma_start3A_303] : memref<32x79x128xi32, #tpu.memory_space<hbm>> -> memref<1x79x128xi32, #tpu.memory_space<hbm>>
      %dma_start3A_305 = tpu.memref_squeeze %dma_start3A_304 : memref<1x79x128xi32, #tpu.memory_space<hbm>> -> memref<79x128xi32, #tpu.memory_space<hbm>>
      tpu.enqueue_dma source(%dma_start3A_305 : memref<79x128xi32, #tpu.memory_space<hbm>>) target(%arg30 : memref<79x128xi32, #tpu.memory_space<vmem>>) target_semaphore(%run_scoped3A : memref<!tpu.dma_semaphore, #tpu.memory_space<semaphore_mem>>)
      %dma_wait3A = arith.constant 0 : i32
      %dma_wait3A_306 = arith.constant 0 : i32
      %dma_wait3A_307 = tpu.memref_slice %arg3[%add3A, %dma_wait3A, %dma_wait3A_306] : memref<32x79x128xi32, #tpu.memory_space<hbm>> -> memref<1x79x128xi32, #tpu.memory_space<hbm>>
      %dma_wait3A_308 = tpu.memref_squeeze %dma_wait3A_307 : memref<1x79x128xi32, #tpu.memory_space<hbm>> -> memref<79x128xi32, #tpu.memory_space<hbm>>
      %dma_wait3A_309 = arith.constant 0 : i32
      %dma_wait3A_310 = arith.constant 0 : i32
      %dma_wait3A_311 = tpu.memref_slice %arg3[%add3A, %dma_wait3A_309, %dma_wait3A_310] : memref<32x79x128xi32, #tpu.memory_space<hbm>> -> memref<1x79x128xi32, #tpu.memory_space<hbm>>
      %dma_wait3A_312 = tpu.memref_squeeze %dma_wait3A_311 : memref<1x79x128xi32, #tpu.memory_space<hbm>> -> memref<79x128xi32, #tpu.memory_space<hbm>>
      tpu.wait_dma2 semaphore(%run_scoped3A : memref<!tpu.dma_semaphore, #tpu.memory_space<semaphore_mem>>) src(%dma_wait3A_312 : memref<79x128xi32, #tpu.memory_space<hbm>>) dst(%arg30 : memref<79x128xi32, #tpu.memory_space<vmem>>)
      tpu.yield
    }) : () -> ()
    %eq3A = arith.constant 0 : i32
    %eq3A_1 = arith.cmpi eq, %arg1, %eq3A : i32
    %convert_element_type3A = arith.extui %eq3A_1 : i1 to i32
    %cond3A = arith.constant 0 : i32
    %cond3A_2 = arith.cmpi ne, %convert_element_type3A, %cond3A : i32
    scf.if %cond3A_2 {
      "tpu.region"() ({
        %run_scoped3A = tpu.sem_alloc : memref<!tpu.dma_semaphore, #tpu.memory_space<semaphore_mem>>
        tpu.enqueue_dma source(%arg4 : memref<10240xf32, #tpu.memory_space<hbm>>) target(%arg39 : memref<10240xf32, #tpu.memory_space<vmem_shared>>) target_semaphore(%run_scoped3A : memref<!tpu.dma_semaphore, #tpu.memory_space<semaphore_mem>>)
        tpu.wait_dma2 semaphore(%run_scoped3A : memref<!tpu.dma_semaphore, #tpu.memory_space<semaphore_mem>>) src(%arg4 : memref<10240xf32, #tpu.memory_space<hbm>>) dst(%arg39 : memref<10240xf32, #tpu.memory_space<vmem_shared>>)
        tpu.yield
      }) : () -> ()
    } else {
    }
    %eq3A_3 = arith.constant 8 : i32
    %eq3A_4 = arith.cmpi eq, %arg1, %eq3A_3 : i32
    %eq3A_5 = arith.constant 0 : i32
    %eq3A_6 = arith.cmpi eq, %arg0, %eq3A_5 : i32
    %and3A = arith.andi %eq3A_4, %eq3A_6 : i1
    %convert_element_type3A_7 = arith.extui %and3A : i1 to i32
    %cond3A_8 = arith.constant 0 : i32
    %cond3A_9 = arith.cmpi ne, %convert_element_type3A_7, %cond3A_8 : i32
    scf.if %cond3A_9 {
      "tpu.region"() ({
        %run_scoped3A = tpu.sem_alloc : memref<!tpu.dma_semaphore, #tpu.memory_space<semaphore_mem>>
        tpu.enqueue_dma source(%arg4 : memref<10240xf32, #tpu.memory_space<hbm>>) target(%arg47 : memref<10240xf32, #tpu.memory_space<vmem_shared>>) target_semaphore(%run_scoped3A : memref<!tpu.dma_semaphore, #tpu.memory_space<semaphore_mem>>)
        tpu.wait_dma2 semaphore(%run_scoped3A : memref<!tpu.dma_semaphore, #tpu.memory_space<semaphore_mem>>) src(%arg4 : memref<10240xf32, #tpu.memory_space<hbm>>) dst(%arg47 : memref<10240xf32, #tpu.memory_space<vmem_shared>>)
        tpu.yield
      }) : () -> ()
    } else {
    }
    %eq3A_10 = arith.constant 8 : i32
    %eq3A_11 = arith.cmpi eq, %arg1, %eq3A_10 : i32
    %eq3A_12 = arith.constant 1 : i32
    %eq3A_13 = arith.cmpi eq, %arg0, %eq3A_12 : i32
    %and3A_14 = arith.andi %eq3A_11, %eq3A_13 : i1
    %convert_element_type3A_15 = arith.extui %and3A_14 : i1 to i32
    %cond3A_16 = arith.constant 0 : i32
    %cond3A_17 = arith.cmpi ne, %convert_element_type3A_15, %cond3A_16 : i32
    scf.if %cond3A_17 {
      "tpu.region"() ({
        %run_scoped3A = tpu.sem_alloc : memref<!tpu.dma_semaphore, #tpu.memory_space<semaphore_mem>>
        tpu.enqueue_dma source(%arg12 : memref<10240xf32, #tpu.memory_space<hbm>>) target(%arg47 : memref<10240xf32, #tpu.memory_space<vmem_shared>>) target_semaphore(%run_scoped3A : memref<!tpu.dma_semaphore, #tpu.memory_space<semaphore_mem>>)
        tpu.wait_dma2 semaphore(%run_scoped3A : memref<!tpu.dma_semaphore, #tpu.memory_space<semaphore_mem>>) src(%arg12 : memref<10240xf32, #tpu.memory_space<hbm>>) dst(%arg47 : memref<10240xf32, #tpu.memory_space<vmem_shared>>)
        tpu.yield
      }) : () -> ()
    } else {
    }
    %eq3A_18 = arith.constant 1 : i32
    %eq3A_19 = arith.cmpi eq, %arg1, %eq3A_18 : i32
    %convert_element_type3A_20 = arith.extui %eq3A_19 : i1 to i32
    %cond3A_21 = arith.constant 0 : i32
    %cond3A_22 = arith.cmpi ne, %convert_element_type3A_20, %cond3A_21 : i32
    scf.if %cond3A_22 {
      "tpu.region"() ({
        %run_scoped3A = tpu.sem_alloc : memref<!tpu.dma_semaphore, #tpu.memory_space<semaphore_mem>>
        tpu.enqueue_dma source(%arg5 : memref<10240xf32, #tpu.memory_space<hbm>>) target(%arg40 : memref<10240xf32, #tpu.memory_space<vmem_shared>>) target_semaphore(%run_scoped3A : memref<!tpu.dma_semaphore, #tpu.memory_space<semaphore_mem>>)
        tpu.wait_dma2 semaphore(%run_scoped3A : memref<!tpu.dma_semaphore, #tpu.memory_space<semaphore_mem>>) src(%arg5 : memref<10240xf32, #tpu.memory_space<hbm>>) dst(%arg40 : memref<10240xf32, #tpu.memory_space<vmem_shared>>)
        tpu.yield
      }) : () -> ()
    } else {
    }
    %eq3A_23 = arith.constant 9 : i32
    %eq3A_24 = arith.cmpi eq, %arg1, %eq3A_23 : i32
    %eq3A_25 = arith.constant 0 : i32
    %eq3A_26 = arith.cmpi eq, %arg0, %eq3A_25 : i32
    %and3A_27 = arith.andi %eq3A_24, %eq3A_26 : i1
    %convert_element_type3A_28 = arith.extui %and3A_27 : i1 to i32
    %cond3A_29 = arith.constant 0 : i32
    %cond3A_30 = arith.cmpi ne, %convert_element_type3A_28, %cond3A_29 : i32
    scf.if %cond3A_30 {
      "tpu.region"() ({
        %run_scoped3A = tpu.sem_alloc : memref<!tpu.dma_semaphore, #tpu.memory_space<semaphore_mem>>
        tpu.enqueue_dma source(%arg5 : memref<10240xf32, #tpu.memory_space<hbm>>) target(%arg48 : memref<10240xf32, #tpu.memory_space<vmem_shared>>) target_semaphore(%run_scoped3A : memref<!tpu.dma_semaphore, #tpu.memory_space<semaphore_mem>>)
        tpu.wait_dma2 semaphore(%run_scoped3A : memref<!tpu.dma_semaphore, #tpu.memory_space<semaphore_mem>>) src(%arg5 : memref<10240xf32, #tpu.memory_space<hbm>>) dst(%arg48 : memref<10240xf32, #tpu.memory_space<vmem_shared>>)
        tpu.yield
      }) : () -> ()
    } else {
    }
    %eq3A_31 = arith.constant 9 : i32
    %eq3A_32 = arith.cmpi eq, %arg1, %eq3A_31 : i32
    %eq3A_33 = arith.constant 1 : i32
    %eq3A_34 = arith.cmpi eq, %arg0, %eq3A_33 : i32
    %and3A_35 = arith.andi %eq3A_32, %eq3A_34 : i1
    %convert_element_type3A_36 = arith.extui %and3A_35 : i1 to i32
    %cond3A_37 = arith.constant 0 : i32
    %cond3A_38 = arith.cmpi ne, %convert_element_type3A_36, %cond3A_37 : i32
    scf.if %cond3A_38 {
      "tpu.region"() ({
        %run_scoped3A = tpu.sem_alloc : memref<!tpu.dma_semaphore, #tpu.memory_space<semaphore_mem>>
        tpu.enqueue_dma source(%arg12 : memref<10240xf32, #tpu.memory_space<hbm>>) target(%arg48 : memref<10240xf32, #tpu.memory_space<vmem_shared>>) target_semaphore(%run_scoped3A : memref<!tpu.dma_semaphore, #tpu.memory_space<semaphore_mem>>)
        tpu.wait_dma2 semaphore(%run_scoped3A : memref<!tpu.dma_semaphore, #tpu.memory_space<semaphore_mem>>) src(%arg12 : memref<10240xf32, #tpu.memory_space<hbm>>) dst(%arg48 : memref<10240xf32, #tpu.memory_space<vmem_shared>>)
        tpu.yield
      }) : () -> ()
    } else {
    }
    %eq3A_39 = arith.constant 2 : i32
    %eq3A_40 = arith.cmpi eq, %arg1, %eq3A_39 : i32
    %convert_element_type3A_41 = arith.extui %eq3A_40 : i1 to i32
    %cond3A_42 = arith.constant 0 : i32
    %cond3A_43 = arith.cmpi ne, %convert_element_type3A_41, %cond3A_42 : i32
    scf.if %cond3A_43 {
      "tpu.region"() ({
        %run_scoped3A = tpu.sem_alloc : memref<!tpu.dma_semaphore, #tpu.memory_space<semaphore_mem>>
        tpu.enqueue_dma source(%arg6 : memref<10240xf32, #tpu.memory_space<hbm>>) target(%arg41 : memref<10240xf32, #tpu.memory_space<vmem_shared>>) target_semaphore(%run_scoped3A : memref<!tpu.dma_semaphore, #tpu.memory_space<semaphore_mem>>)
        tpu.wait_dma2 semaphore(%run_scoped3A : memref<!tpu.dma_semaphore, #tpu.memory_space<semaphore_mem>>) src(%arg6 : memref<10240xf32, #tpu.memory_space<hbm>>) dst(%arg41 : memref<10240xf32, #tpu.memory_space<vmem_shared>>)
        tpu.yield
      }) : () -> ()
    } else {
    }
    %eq3A_44 = arith.constant 10 : i32
    %eq3A_45 = arith.cmpi eq, %arg1, %eq3A_44 : i32
    %eq3A_46 = arith.constant 0 : i32
    %eq3A_47 = arith.cmpi eq, %arg0, %eq3A_46 : i32
    %and3A_48 = arith.andi %eq3A_45, %eq3A_47 : i1
    %convert_element_type3A_49 = arith.extui %and3A_48 : i1 to i32
    %cond3A_50 = arith.constant 0 : i32
    %cond3A_51 = arith.cmpi ne, %convert_element_type3A_49, %cond3A_50 : i32
    scf.if %cond3A_51 {
      "tpu.region"() ({
        %run_scoped3A = tpu.sem_alloc : memref<!tpu.dma_semaphore, #tpu.memory_space<semaphore_mem>>
        tpu.enqueue_dma source(%arg6 : memref<10240xf32, #tpu.memory_space<hbm>>) target(%arg49 : memref<10240xf32, #tpu.memory_space<vmem_shared>>) target_semaphore(%run_scoped3A : memref<!tpu.dma_semaphore, #tpu.memory_space<semaphore_mem>>)
        tpu.wait_dma2 semaphore(%run_scoped3A : memref<!tpu.dma_semaphore, #tpu.memory_space<semaphore_mem>>) src(%arg6 : memref<10240xf32, #tpu.memory_space<hbm>>) dst(%arg49 : memref<10240xf32, #tpu.memory_space<vmem_shared>>)
        tpu.yield
      }) : () -> ()
    } else {
    }
    %eq3A_52 = arith.constant 10 : i32
    %eq3A_53 = arith.cmpi eq, %arg1, %eq3A_52 : i32
    %eq3A_54 = arith.constant 1 : i32
    %eq3A_55 = arith.cmpi eq, %arg0, %eq3A_54 : i32
    %and3A_56 = arith.andi %eq3A_53, %eq3A_55 : i1
    %convert_element_type3A_57 = arith.extui %and3A_56 : i1 to i32
    %cond3A_58 = arith.constant 0 : i32
    %cond3A_59 = arith.cmpi ne, %convert_element_type3A_57, %cond3A_58 : i32
    scf.if %cond3A_59 {
      "tpu.region"() ({
        %run_scoped3A = tpu.sem_alloc : memref<!tpu.dma_semaphore, #tpu.memory_space<semaphore_mem>>
        tpu.enqueue_dma source(%arg12 : memref<10240xf32, #tpu.memory_space<hbm>>) target(%arg49 : memref<10240xf32, #tpu.memory_space<vmem_shared>>) target_semaphore(%run_scoped3A : memref<!tpu.dma_semaphore, #tpu.memory_space<semaphore_mem>>)
        tpu.wait_dma2 semaphore(%run_scoped3A : memref<!tpu.dma_semaphore, #tpu.memory_space<semaphore_mem>>) src(%arg12 : memref<10240xf32, #tpu.memory_space<hbm>>) dst(%arg49 : memref<10240xf32, #tpu.memory_space<vmem_shared>>)
        tpu.yield
      }) : () -> ()
    } else {
    }
    %eq3A_60 = arith.constant 3 : i32
    %eq3A_61 = arith.cmpi eq, %arg1, %eq3A_60 : i32
    %convert_element_type3A_62 = arith.extui %eq3A_61 : i1 to i32
    %cond3A_63 = arith.constant 0 : i32
    %cond3A_64 = arith.cmpi ne, %convert_element_type3A_62, %cond3A_63 : i32
    scf.if %cond3A_64 {
      "tpu.region"() ({
        %run_scoped3A = tpu.sem_alloc : memref<!tpu.dma_semaphore, #tpu.memory_space<semaphore_mem>>
        tpu.enqueue_dma source(%arg7 : memref<10240xf32, #tpu.memory_space<hbm>>) target(%arg42 : memref<10240xf32, #tpu.memory_space<vmem_shared>>) target_semaphore(%run_scoped3A : memref<!tpu.dma_semaphore, #tpu.memory_space<semaphore_mem>>)
        tpu.wait_dma2 semaphore(%run_scoped3A : memref<!tpu.dma_semaphore, #tpu.memory_space<semaphore_mem>>) src(%arg7 : memref<10240xf32, #tpu.memory_space<hbm>>) dst(%arg42 : memref<10240xf32, #tpu.memory_space<vmem_shared>>)
        tpu.yield
      }) : () -> ()
    } else {
    }
    %eq3A_65 = arith.constant 11 : i32
    %eq3A_66 = arith.cmpi eq, %arg1, %eq3A_65 : i32
    %eq3A_67 = arith.constant 0 : i32
    %eq3A_68 = arith.cmpi eq, %arg0, %eq3A_67 : i32
    %and3A_69 = arith.andi %eq3A_66, %eq3A_68 : i1
    %convert_element_type3A_70 = arith.extui %and3A_69 : i1 to i32
    %cond3A_71 = arith.constant 0 : i32
    %cond3A_72 = arith.cmpi ne, %convert_element_type3A_70, %cond3A_71 : i32
    scf.if %cond3A_72 {
      "tpu.region"() ({
        %run_scoped3A = tpu.sem_alloc : memref<!tpu.dma_semaphore, #tpu.memory_space<semaphore_mem>>
        tpu.enqueue_dma source(%arg7 : memref<10240xf32, #tpu.memory_space<hbm>>) target(%arg50 : memref<10240xf32, #tpu.memory_space<vmem_shared>>) target_semaphore(%run_scoped3A : memref<!tpu.dma_semaphore, #tpu.memory_space<semaphore_mem>>)
        tpu.wait_dma2 semaphore(%run_scoped3A : memref<!tpu.dma_semaphore, #tpu.memory_space<semaphore_mem>>) src(%arg7 : memref<10240xf32, #tpu.memory_space<hbm>>) dst(%arg50 : memref<10240xf32, #tpu.memory_space<vmem_shared>>)
        tpu.yield
      }) : () -> ()
    } else {
    }
    %eq3A_73 = arith.constant 11 : i32
    %eq3A_74 = arith.cmpi eq, %arg1, %eq3A_73 : i32
    %eq3A_75 = arith.constant 1 : i32
    %eq3A_76 = arith.cmpi eq, %arg0, %eq3A_75 : i32
    %and3A_77 = arith.andi %eq3A_74, %eq3A_76 : i1
    %convert_element_type3A_78 = arith.extui %and3A_77 : i1 to i32
    %cond3A_79 = arith.constant 0 : i32
    %cond3A_80 = arith.cmpi ne, %convert_element_type3A_78, %cond3A_79 : i32
    scf.if %cond3A_80 {
      "tpu.region"() ({
        %run_scoped3A = tpu.sem_alloc : memref<!tpu.dma_semaphore, #tpu.memory_space<semaphore_mem>>
        tpu.enqueue_dma source(%arg12 : memref<10240xf32, #tpu.memory_space<hbm>>) target(%arg50 : memref<10240xf32, #tpu.memory_space<vmem_shared>>) target_semaphore(%run_scoped3A : memref<!tpu.dma_semaphore, #tpu.memory_space<semaphore_mem>>)
        tpu.wait_dma2 semaphore(%run_scoped3A : memref<!tpu.dma_semaphore, #tpu.memory_space<semaphore_mem>>) src(%arg12 : memref<10240xf32, #tpu.memory_space<hbm>>) dst(%arg50 : memref<10240xf32, #tpu.memory_space<vmem_shared>>)
        tpu.yield
      }) : () -> ()
    } else {
    }
    %eq3A_81 = arith.constant 4 : i32
    %eq3A_82 = arith.cmpi eq, %arg1, %eq3A_81 : i32
    %convert_element_type3A_83 = arith.extui %eq3A_82 : i1 to i32
    %cond3A_84 = arith.constant 0 : i32
    %cond3A_85 = arith.cmpi ne, %convert_element_type3A_83, %cond3A_84 : i32
    scf.if %cond3A_85 {
      "tpu.region"() ({
        %run_scoped3A = tpu.sem_alloc : memref<!tpu.dma_semaphore, #tpu.memory_space<semaphore_mem>>
        tpu.enqueue_dma source(%arg8 : memref<10240xf32, #tpu.memory_space<hbm>>) target(%arg43 : memref<10240xf32, #tpu.memory_space<vmem_shared>>) target_semaphore(%run_scoped3A : memref<!tpu.dma_semaphore, #tpu.memory_space<semaphore_mem>>)
        tpu.wait_dma2 semaphore(%run_scoped3A : memref<!tpu.dma_semaphore, #tpu.memory_space<semaphore_mem>>) src(%arg8 : memref<10240xf32, #tpu.memory_space<hbm>>) dst(%arg43 : memref<10240xf32, #tpu.memory_space<vmem_shared>>)
        tpu.yield
      }) : () -> ()
    } else {
    }
    %eq3A_86 = arith.constant 12 : i32
    %eq3A_87 = arith.cmpi eq, %arg1, %eq3A_86 : i32
    %eq3A_88 = arith.constant 0 : i32
    %eq3A_89 = arith.cmpi eq, %arg0, %eq3A_88 : i32
    %and3A_90 = arith.andi %eq3A_87, %eq3A_89 : i1
    %convert_element_type3A_91 = arith.extui %and3A_90 : i1 to i32
    %cond3A_92 = arith.constant 0 : i32
    %cond3A_93 = arith.cmpi ne, %convert_element_type3A_91, %cond3A_92 : i32
    scf.if %cond3A_93 {
      "tpu.region"() ({
        %run_scoped3A = tpu.sem_alloc : memref<!tpu.dma_semaphore, #tpu.memory_space<semaphore_mem>>
        tpu.enqueue_dma source(%arg8 : memref<10240xf32, #tpu.memory_space<hbm>>) target(%arg51 : memref<10240xf32, #tpu.memory_space<vmem_shared>>) target_semaphore(%run_scoped3A : memref<!tpu.dma_semaphore, #tpu.memory_space<semaphore_mem>>)
        tpu.wait_dma2 semaphore(%run_scoped3A : memref<!tpu.dma_semaphore, #tpu.memory_space<semaphore_mem>>) src(%arg8 : memref<10240xf32, #tpu.memory_space<hbm>>) dst(%arg51 : memref<10240xf32, #tpu.memory_space<vmem_shared>>)
        tpu.yield
      }) : () -> ()
    } else {
    }
    %eq3A_94 = arith.constant 12 : i32
    %eq3A_95 = arith.cmpi eq, %arg1, %eq3A_94 : i32
    %eq3A_96 = arith.constant 1 : i32
    %eq3A_97 = arith.cmpi eq, %arg0, %eq3A_96 : i32
    %and3A_98 = arith.andi %eq3A_95, %eq3A_97 : i1
    %convert_element_type3A_99 = arith.extui %and3A_98 : i1 to i32
    %cond3A_100 = arith.constant 0 : i32
    %cond3A_101 = arith.cmpi ne, %convert_element_type3A_99, %cond3A_100 : i32
    scf.if %cond3A_101 {
      "tpu.region"() ({
        %run_scoped3A = tpu.sem_alloc : memref<!tpu.dma_semaphore, #tpu.memory_space<semaphore_mem>>
        tpu.enqueue_dma source(%arg12 : memref<10240xf32, #tpu.memory_space<hbm>>) target(%arg51 : memref<10240xf32, #tpu.memory_space<vmem_shared>>) target_semaphore(%run_scoped3A : memref<!tpu.dma_semaphore, #tpu.memory_space<semaphore_mem>>)
        tpu.wait_dma2 semaphore(%run_scoped3A : memref<!tpu.dma_semaphore, #tpu.memory_space<semaphore_mem>>) src(%arg12 : memref<10240xf32, #tpu.memory_space<hbm>>) dst(%arg51 : memref<10240xf32, #tpu.memory_space<vmem_shared>>)
        tpu.yield
      }) : () -> ()
    } else {
    }
    %eq3A_102 = arith.constant 5 : i32
    %eq3A_103 = arith.cmpi eq, %arg1, %eq3A_102 : i32
    %convert_element_type3A_104 = arith.extui %eq3A_103 : i1 to i32
    %cond3A_105 = arith.constant 0 : i32
    %cond3A_106 = arith.cmpi ne, %convert_element_type3A_104, %cond3A_105 : i32
    scf.if %cond3A_106 {
      "tpu.region"() ({
        %run_scoped3A = tpu.sem_alloc : memref<!tpu.dma_semaphore, #tpu.memory_space<semaphore_mem>>
        tpu.enqueue_dma source(%arg9 : memref<10240xf32, #tpu.memory_space<hbm>>) target(%arg44 : memref<10240xf32, #tpu.memory_space<vmem_shared>>) target_semaphore(%run_scoped3A : memref<!tpu.dma_semaphore, #tpu.memory_space<semaphore_mem>>)
        tpu.wait_dma2 semaphore(%run_scoped3A : memref<!tpu.dma_semaphore, #tpu.memory_space<semaphore_mem>>) src(%arg9 : memref<10240xf32, #tpu.memory_space<hbm>>) dst(%arg44 : memref<10240xf32, #tpu.memory_space<vmem_shared>>)
        tpu.yield
      }) : () -> ()
    } else {
    }
    %eq3A_107 = arith.constant 13 : i32
    %eq3A_108 = arith.cmpi eq, %arg1, %eq3A_107 : i32
    %eq3A_109 = arith.constant 0 : i32
    %eq3A_110 = arith.cmpi eq, %arg0, %eq3A_109 : i32
    %and3A_111 = arith.andi %eq3A_108, %eq3A_110 : i1
    %convert_element_type3A_112 = arith.extui %and3A_111 : i1 to i32
    %cond3A_113 = arith.constant 0 : i32
    %cond3A_114 = arith.cmpi ne, %convert_element_type3A_112, %cond3A_113 : i32
    scf.if %cond3A_114 {
      "tpu.region"() ({
        %run_scoped3A = tpu.sem_alloc : memref<!tpu.dma_semaphore, #tpu.memory_space<semaphore_mem>>
        tpu.enqueue_dma source(%arg9 : memref<10240xf32, #tpu.memory_space<hbm>>) target(%arg52 : memref<10240xf32, #tpu.memory_space<vmem_shared>>) target_semaphore(%run_scoped3A : memref<!tpu.dma_semaphore, #tpu.memory_space<semaphore_mem>>)
        tpu.wait_dma2 semaphore(%run_scoped3A : memref<!tpu.dma_semaphore, #tpu.memory_space<semaphore_mem>>) src(%arg9 : memref<10240xf32, #tpu.memory_space<hbm>>) dst(%arg52 : memref<10240xf32, #tpu.memory_space<vmem_shared>>)
        tpu.yield
      }) : () -> ()
    } else {
    }
    %eq3A_115 = arith.constant 13 : i32
    %eq3A_116 = arith.cmpi eq, %arg1, %eq3A_115 : i32
    %eq3A_117 = arith.constant 1 : i32
    %eq3A_118 = arith.cmpi eq, %arg0, %eq3A_117 : i32
    %and3A_119 = arith.andi %eq3A_116, %eq3A_118 : i1
    %convert_element_type3A_120 = arith.extui %and3A_119 : i1 to i32
    %cond3A_121 = arith.constant 0 : i32
    %cond3A_122 = arith.cmpi ne, %convert_element_type3A_120, %cond3A_121 : i32
    scf.if %cond3A_122 {
      "tpu.region"() ({
        %run_scoped3A = tpu.sem_alloc : memref<!tpu.dma_semaphore, #tpu.memory_space<semaphore_mem>>
        tpu.enqueue_dma source(%arg12 : memref<10240xf32, #tpu.memory_space<hbm>>) target(%arg52 : memref<10240xf32, #tpu.memory_space<vmem_shared>>) target_semaphore(%run_scoped3A : memref<!tpu.dma_semaphore, #tpu.memory_space<semaphore_mem>>)
        tpu.wait_dma2 semaphore(%run_scoped3A : memref<!tpu.dma_semaphore, #tpu.memory_space<semaphore_mem>>) src(%arg12 : memref<10240xf32, #tpu.memory_space<hbm>>) dst(%arg52 : memref<10240xf32, #tpu.memory_space<vmem_shared>>)
        tpu.yield
      }) : () -> ()
    } else {
    }
    %eq3A_123 = arith.constant 6 : i32
    %eq3A_124 = arith.cmpi eq, %arg1, %eq3A_123 : i32
    %convert_element_type3A_125 = arith.extui %eq3A_124 : i1 to i32
    %cond3A_126 = arith.constant 0 : i32
    %cond3A_127 = arith.cmpi ne, %convert_element_type3A_125, %cond3A_126 : i32
    scf.if %cond3A_127 {
      "tpu.region"() ({
        %run_scoped3A = tpu.sem_alloc : memref<!tpu.dma_semaphore, #tpu.memory_space<semaphore_mem>>
        tpu.enqueue_dma source(%arg10 : memref<10240xf32, #tpu.memory_space<hbm>>) target(%arg45 : memref<10240xf32, #tpu.memory_space<vmem_shared>>) target_semaphore(%run_scoped3A : memref<!tpu.dma_semaphore, #tpu.memory_space<semaphore_mem>>)
        tpu.wait_dma2 semaphore(%run_scoped3A : memref<!tpu.dma_semaphore, #tpu.memory_space<semaphore_mem>>) src(%arg10 : memref<10240xf32, #tpu.memory_space<hbm>>) dst(%arg45 : memref<10240xf32, #tpu.memory_space<vmem_shared>>)
        tpu.yield
      }) : () -> ()
    } else {
    }
    %eq3A_128 = arith.constant 14 : i32
    %eq3A_129 = arith.cmpi eq, %arg1, %eq3A_128 : i32
    %eq3A_130 = arith.constant 0 : i32
    %eq3A_131 = arith.cmpi eq, %arg0, %eq3A_130 : i32
    %and3A_132 = arith.andi %eq3A_129, %eq3A_131 : i1
    %convert_element_type3A_133 = arith.extui %and3A_132 : i1 to i32
    %cond3A_134 = arith.constant 0 : i32
    %cond3A_135 = arith.cmpi ne, %convert_element_type3A_133, %cond3A_134 : i32
    scf.if %cond3A_135 {
      "tpu.region"() ({
        %run_scoped3A = tpu.sem_alloc : memref<!tpu.dma_semaphore, #tpu.memory_space<semaphore_mem>>
        tpu.enqueue_dma source(%arg10 : memref<10240xf32, #tpu.memory_space<hbm>>) target(%arg53 : memref<10240xf32, #tpu.memory_space<vmem_shared>>) target_semaphore(%run_scoped3A : memref<!tpu.dma_semaphore, #tpu.memory_space<semaphore_mem>>)
        tpu.wait_dma2 semaphore(%run_scoped3A : memref<!tpu.dma_semaphore, #tpu.memory_space<semaphore_mem>>) src(%arg10 : memref<10240xf32, #tpu.memory_space<hbm>>) dst(%arg53 : memref<10240xf32, #tpu.memory_space<vmem_shared>>)
        tpu.yield
      }) : () -> ()
    } else {
    }
    %eq3A_136 = arith.constant 14 : i32
    %eq3A_137 = arith.cmpi eq, %arg1, %eq3A_136 : i32
    %eq3A_138 = arith.constant 1 : i32
    %eq3A_139 = arith.cmpi eq, %arg0, %eq3A_138 : i32
    %and3A_140 = arith.andi %eq3A_137, %eq3A_139 : i1
    %convert_element_type3A_141 = arith.extui %and3A_140 : i1 to i32
    %cond3A_142 = arith.constant 0 : i32
    %cond3A_143 = arith.cmpi ne, %convert_element_type3A_141, %cond3A_142 : i32
    scf.if %cond3A_143 {
      "tpu.region"() ({
        %run_scoped3A = tpu.sem_alloc : memref<!tpu.dma_semaphore, #tpu.memory_space<semaphore_mem>>
        tpu.enqueue_dma source(%arg12 : memref<10240xf32, #tpu.memory_space<hbm>>) target(%arg53 : memref<10240xf32, #tpu.memory_space<vmem_shared>>) target_semaphore(%run_scoped3A : memref<!tpu.dma_semaphore, #tpu.memory_space<semaphore_mem>>)
        tpu.wait_dma2 semaphore(%run_scoped3A : memref<!tpu.dma_semaphore, #tpu.memory_space<semaphore_mem>>) src(%arg12 : memref<10240xf32, #tpu.memory_space<hbm>>) dst(%arg53 : memref<10240xf32, #tpu.memory_space<vmem_shared>>)
        tpu.yield
      }) : () -> ()
    } else {
    }
    %eq3A_144 = arith.constant 7 : i32
    %eq3A_145 = arith.cmpi eq, %arg1, %eq3A_144 : i32
    %convert_element_type3A_146 = arith.extui %eq3A_145 : i1 to i32
    %cond3A_147 = arith.constant 0 : i32
    %cond3A_148 = arith.cmpi ne, %convert_element_type3A_146, %cond3A_147 : i32
    scf.if %cond3A_148 {
      "tpu.region"() ({
        %run_scoped3A = tpu.sem_alloc : memref<!tpu.dma_semaphore, #tpu.memory_space<semaphore_mem>>
        tpu.enqueue_dma source(%arg11 : memref<10240xf32, #tpu.memory_space<hbm>>) target(%arg46 : memref<10240xf32, #tpu.memory_space<vmem_shared>>) target_semaphore(%run_scoped3A : memref<!tpu.dma_semaphore, #tpu.memory_space<semaphore_mem>>)
        tpu.wait_dma2 semaphore(%run_scoped3A : memref<!tpu.dma_semaphore, #tpu.memory_space<semaphore_mem>>) src(%arg11 : memref<10240xf32, #tpu.memory_space<hbm>>) dst(%arg46 : memref<10240xf32, #tpu.memory_space<vmem_shared>>)
        tpu.yield
      }) : () -> ()
    } else {
    }
    %eq3A_149 = arith.constant 15 : i32
    %eq3A_150 = arith.cmpi eq, %arg1, %eq3A_149 : i32
    %eq3A_151 = arith.constant 0 : i32
    %eq3A_152 = arith.cmpi eq, %arg0, %eq3A_151 : i32
    %and3A_153 = arith.andi %eq3A_150, %eq3A_152 : i1
    %convert_element_type3A_154 = arith.extui %and3A_153 : i1 to i32
    %cond3A_155 = arith.constant 0 : i32
    %cond3A_156 = arith.cmpi ne, %convert_element_type3A_154, %cond3A_155 : i32
    scf.if %cond3A_156 {
      "tpu.region"() ({
        %run_scoped3A = tpu.sem_alloc : memref<!tpu.dma_semaphore, #tpu.memory_space<semaphore_mem>>
        tpu.enqueue_dma source(%arg11 : memref<10240xf32, #tpu.memory_space<hbm>>) target(%arg54 : memref<10240xf32, #tpu.memory_space<vmem_shared>>) target_semaphore(%run_scoped3A : memref<!tpu.dma_semaphore, #tpu.memory_space<semaphore_mem>>)
        tpu.wait_dma2 semaphore(%run_scoped3A : memref<!tpu.dma_semaphore, #tpu.memory_space<semaphore_mem>>) src(%arg11 : memref<10240xf32, #tpu.memory_space<hbm>>) dst(%arg54 : memref<10240xf32, #tpu.memory_space<vmem_shared>>)
        tpu.yield
      }) : () -> ()
    } else {
    }
    %eq3A_157 = arith.constant 15 : i32
    %eq3A_158 = arith.cmpi eq, %arg1, %eq3A_157 : i32
    %eq3A_159 = arith.constant 1 : i32
    %eq3A_160 = arith.cmpi eq, %arg0, %eq3A_159 : i32
    %and3A_161 = arith.andi %eq3A_158, %eq3A_160 : i1
    %convert_element_type3A_162 = arith.extui %and3A_161 : i1 to i32
    %cond3A_163 = arith.constant 0 : i32
    %cond3A_164 = arith.cmpi ne, %convert_element_type3A_162, %cond3A_163 : i32
    scf.if %cond3A_164 {
      "tpu.region"() ({
        %run_scoped3A = tpu.sem_alloc : memref<!tpu.dma_semaphore, #tpu.memory_space<semaphore_mem>>
        tpu.enqueue_dma source(%arg12 : memref<10240xf32, #tpu.memory_space<hbm>>) target(%arg54 : memref<10240xf32, #tpu.memory_space<vmem_shared>>) target_semaphore(%run_scoped3A : memref<!tpu.dma_semaphore, #tpu.memory_space<semaphore_mem>>)
        tpu.wait_dma2 semaphore(%run_scoped3A : memref<!tpu.dma_semaphore, #tpu.memory_space<semaphore_mem>>) src(%arg12 : memref<10240xf32, #tpu.memory_space<hbm>>) dst(%arg54 : memref<10240xf32, #tpu.memory_space<vmem_shared>>)
        tpu.yield
      }) : () -> ()
    } else {
    }
    %barrier3A = arith.constant 0 : index
    tpu.barrier barrier_id(%barrier3A)
    %scan3A = arith.constant 0 : i32
    %scan3A_165 = arith.constant 0 : i32
    %scan3A_166 = arith.constant 79 : i32
    %scan3A_167 = arith.addi %scan3A_165, %scan3A_166 : i32
    %scan3A_168 = arith.constant 1 : i32
    scf.for %scan3A_299 = %scan3A_165 to %scan3A_167 step %scan3A_168  : i32 {
      %dma_start3A = arith.constant 0 : i32
      %dma_start3A_300 = tpu.memref_slice %arg29[%scan3A_299, %dma_start3A] : memref<79x128xi32, #tpu.memory_space<vmem>> -> memref<1x128xi32, #tpu.memory_space<vmem>>
      %dma_start3A_301 = tpu.memref_squeeze %dma_start3A_300 : memref<1x128xi32, #tpu.memory_space<vmem>> -> memref<128xi32, #tpu.memory_space<vmem>>
      %dma_start3A_302 = arith.constant 0 : i32
      %dma_start3A_303 = tpu.memref_slice %arg39[%dma_start3A_302] : memref<10240xf32, #tpu.memory_space<vmem_shared>> -> memref<10240xf32, #tpu.memory_space<vmem_shared>>
      tpu.enqueue_indirect_dma source(%dma_start3A_303 : memref<10240xf32, #tpu.memory_space<vmem_shared>>) target(%arg31 : memref<128xf32, #tpu.memory_space<vmem>>) offsets(%dma_start3A_301 : memref<128xi32, #tpu.memory_space<vmem>>) semaphore(%arg55 : memref<!tpu.dma_semaphore, #tpu.memory_space<semaphore_mem>>)
      %dma_start3A_304 = arith.constant 0 : i32
      %dma_start3A_305 = tpu.memref_slice %arg29[%scan3A_299, %dma_start3A_304] : memref<79x128xi32, #tpu.memory_space<vmem>> -> memref<1x128xi32, #tpu.memory_space<vmem>>
      %dma_start3A_306 = tpu.memref_squeeze %dma_start3A_305 : memref<1x128xi32, #tpu.memory_space<vmem>> -> memref<128xi32, #tpu.memory_space<vmem>>
      %dma_start3A_307 = arith.constant 0 : i32
      %dma_start3A_308 = tpu.memref_slice %arg40[%dma_start3A_307] : memref<10240xf32, #tpu.memory_space<vmem_shared>> -> memref<10240xf32, #tpu.memory_space<vmem_shared>>
      tpu.enqueue_indirect_dma source(%dma_start3A_308 : memref<10240xf32, #tpu.memory_space<vmem_shared>>) target(%arg32 : memref<128xf32, #tpu.memory_space<vmem>>) offsets(%dma_start3A_306 : memref<128xi32, #tpu.memory_space<vmem>>) semaphore(%arg55 : memref<!tpu.dma_semaphore, #tpu.memory_space<semaphore_mem>>)
      %dma_start3A_309 = arith.constant 0 : i32
      %dma_start3A_310 = tpu.memref_slice %arg29[%scan3A_299, %dma_start3A_309] : memref<79x128xi32, #tpu.memory_space<vmem>> -> memref<1x128xi32, #tpu.memory_space<vmem>>
      %dma_start3A_311 = tpu.memref_squeeze %dma_start3A_310 : memref<1x128xi32, #tpu.memory_space<vmem>> -> memref<128xi32, #tpu.memory_space<vmem>>
      %dma_start3A_312 = arith.constant 0 : i32
      %dma_start3A_313 = tpu.memref_slice %arg41[%dma_start3A_312] : memref<10240xf32, #tpu.memory_space<vmem_shared>> -> memref<10240xf32, #tpu.memory_space<vmem_shared>>
      tpu.enqueue_indirect_dma source(%dma_start3A_313 : memref<10240xf32, #tpu.memory_space<vmem_shared>>) target(%arg33 : memref<128xf32, #tpu.memory_space<vmem>>) offsets(%dma_start3A_311 : memref<128xi32, #tpu.memory_space<vmem>>) semaphore(%arg55 : memref<!tpu.dma_semaphore, #tpu.memory_space<semaphore_mem>>)
      %dma_start3A_314 = arith.constant 0 : i32
      %dma_start3A_315 = tpu.memref_slice %arg29[%scan3A_299, %dma_start3A_314] : memref<79x128xi32, #tpu.memory_space<vmem>> -> memref<1x128xi32, #tpu.memory_space<vmem>>
      %dma_start3A_316 = tpu.memref_squeeze %dma_start3A_315 : memref<1x128xi32, #tpu.memory_space<vmem>> -> memref<128xi32, #tpu.memory_space<vmem>>
      %dma_start3A_317 = arith.constant 0 : i32
      %dma_start3A_318 = tpu.memref_slice %arg42[%dma_start3A_317] : memref<10240xf32, #tpu.memory_space<vmem_shared>> -> memref<10240xf32, #tpu.memory_space<vmem_shared>>
      tpu.enqueue_indirect_dma source(%dma_start3A_318 : memref<10240xf32, #tpu.memory_space<vmem_shared>>) target(%arg34 : memref<128xf32, #tpu.memory_space<vmem>>) offsets(%dma_start3A_316 : memref<128xi32, #tpu.memory_space<vmem>>) semaphore(%arg55 : memref<!tpu.dma_semaphore, #tpu.memory_space<semaphore_mem>>)
      %dma_start3A_319 = arith.constant 0 : i32
      %dma_start3A_320 = tpu.memref_slice %arg29[%scan3A_299, %dma_start3A_319] : memref<79x128xi32, #tpu.memory_space<vmem>> -> memref<1x128xi32, #tpu.memory_space<vmem>>
      %dma_start3A_321 = tpu.memref_squeeze %dma_start3A_320 : memref<1x128xi32, #tpu.memory_space<vmem>> -> memref<128xi32, #tpu.memory_space<vmem>>
      %dma_start3A_322 = arith.constant 0 : i32
      %dma_start3A_323 = tpu.memref_slice %arg43[%dma_start3A_322] : memref<10240xf32, #tpu.memory_space<vmem_shared>> -> memref<10240xf32, #tpu.memory_space<vmem_shared>>
      tpu.enqueue_indirect_dma source(%dma_start3A_323 : memref<10240xf32, #tpu.memory_space<vmem_shared>>) target(%arg35 : memref<128xf32, #tpu.memory_space<vmem>>) offsets(%dma_start3A_321 : memref<128xi32, #tpu.memory_space<vmem>>) semaphore(%arg55 : memref<!tpu.dma_semaphore, #tpu.memory_space<semaphore_mem>>)
      %dma_start3A_324 = arith.constant 0 : i32
      %dma_start3A_325 = tpu.memref_slice %arg29[%scan3A_299, %dma_start3A_324] : memref<79x128xi32, #tpu.memory_space<vmem>> -> memref<1x128xi32, #tpu.memory_space<vmem>>
      %dma_start3A_326 = tpu.memref_squeeze %dma_start3A_325 : memref<1x128xi32, #tpu.memory_space<vmem>> -> memref<128xi32, #tpu.memory_space<vmem>>
      %dma_start3A_327 = arith.constant 0 : i32
      %dma_start3A_328 = tpu.memref_slice %arg44[%dma_start3A_327] : memref<10240xf32, #tpu.memory_space<vmem_shared>> -> memref<10240xf32, #tpu.memory_space<vmem_shared>>
      tpu.enqueue_indirect_dma source(%dma_start3A_328 : memref<10240xf32, #tpu.memory_space<vmem_shared>>) target(%arg36 : memref<128xf32, #tpu.memory_space<vmem>>) offsets(%dma_start3A_326 : memref<128xi32, #tpu.memory_space<vmem>>) semaphore(%arg55 : memref<!tpu.dma_semaphore, #tpu.memory_space<semaphore_mem>>)
      %dma_start3A_329 = arith.constant 0 : i32
      %dma_start3A_330 = tpu.memref_slice %arg29[%scan3A_299, %dma_start3A_329] : memref<79x128xi32, #tpu.memory_space<vmem>> -> memref<1x128xi32, #tpu.memory_space<vmem>>
      %dma_start3A_331 = tpu.memref_squeeze %dma_start3A_330 : memref<1x128xi32, #tpu.memory_space<vmem>> -> memref<128xi32, #tpu.memory_space<vmem>>
      %dma_start3A_332 = arith.constant 0 : i32
      %dma_start3A_333 = tpu.memref_slice %arg45[%dma_start3A_332] : memref<10240xf32, #tpu.memory_space<vmem_shared>> -> memref<10240xf32, #tpu.memory_space<vmem_shared>>
      tpu.enqueue_indirect_dma source(%dma_start3A_333 : memref<10240xf32, #tpu.memory_space<vmem_shared>>) target(%arg37 : memref<128xf32, #tpu.memory_space<vmem>>) offsets(%dma_start3A_331 : memref<128xi32, #tpu.memory_space<vmem>>) semaphore(%arg55 : memref<!tpu.dma_semaphore, #tpu.memory_space<semaphore_mem>>)
      %dma_start3A_334 = arith.constant 0 : i32
      %dma_start3A_335 = tpu.memref_slice %arg29[%scan3A_299, %dma_start3A_334] : memref<79x128xi32, #tpu.memory_space<vmem>> -> memref<1x128xi32, #tpu.memory_space<vmem>>
      %dma_start3A_336 = tpu.memref_squeeze %dma_start3A_335 : memref<1x128xi32, #tpu.memory_space<vmem>> -> memref<128xi32, #tpu.memory_space<vmem>>
      %dma_start3A_337 = arith.constant 0 : i32
      %dma_start3A_338 = tpu.memref_slice %arg46[%dma_start3A_337] : memref<10240xf32, #tpu.memory_space<vmem_shared>> -> memref<10240xf32, #tpu.memory_space<vmem_shared>>
      tpu.enqueue_indirect_dma source(%dma_start3A_338 : memref<10240xf32, #tpu.memory_space<vmem_shared>>) target(%arg38 : memref<128xf32, #tpu.memory_space<vmem>>) offsets(%dma_start3A_336 : memref<128xi32, #tpu.memory_space<vmem>>) semaphore(%arg55 : memref<!tpu.dma_semaphore, #tpu.memory_space<semaphore_mem>>)
      %dma_wait3A = arith.constant 0 : i32
      %dma_wait3A_339 = tpu.memref_slice %arg29[%scan3A_299, %dma_wait3A] : memref<79x128xi32, #tpu.memory_space<vmem>> -> memref<1x128xi32, #tpu.memory_space<vmem>>
      %dma_wait3A_340 = tpu.memref_squeeze %dma_wait3A_339 : memref<1x128xi32, #tpu.memory_space<vmem>> -> memref<128xi32, #tpu.memory_space<vmem>>
      %dma_wait3A_341 = arith.constant 0 : i32
      %dma_wait3A_342 = tpu.memref_slice %arg39[%dma_wait3A_341] : memref<10240xf32, #tpu.memory_space<vmem_shared>> -> memref<10240xf32, #tpu.memory_space<vmem_shared>>
      tpu.wait_indirect_dma semaphore(%arg55 : memref<!tpu.dma_semaphore, #tpu.memory_space<semaphore_mem>>) src(%dma_wait3A_342 : memref<10240xf32, #tpu.memory_space<vmem_shared>>) dst(%arg31 : memref<128xf32, #tpu.memory_space<vmem>>)
      %dma_wait3A_343 = arith.constant 0 : i32
      %dma_wait3A_344 = tpu.memref_slice %arg29[%scan3A_299, %dma_wait3A_343] : memref<79x128xi32, #tpu.memory_space<vmem>> -> memref<1x128xi32, #tpu.memory_space<vmem>>
      %dma_wait3A_345 = tpu.memref_squeeze %dma_wait3A_344 : memref<1x128xi32, #tpu.memory_space<vmem>> -> memref<128xi32, #tpu.memory_space<vmem>>
      %dma_wait3A_346 = arith.constant 0 : i32
      %dma_wait3A_347 = tpu.memref_slice %arg40[%dma_wait3A_346] : memref<10240xf32, #tpu.memory_space<vmem_shared>> -> memref<10240xf32, #tpu.memory_space<vmem_shared>>
      tpu.wait_indirect_dma semaphore(%arg55 : memref<!tpu.dma_semaphore, #tpu.memory_space<semaphore_mem>>) src(%dma_wait3A_347 : memref<10240xf32, #tpu.memory_space<vmem_shared>>) dst(%arg32 : memref<128xf32, #tpu.memory_space<vmem>>)
      %dma_wait3A_348 = arith.constant 0 : i32
      %dma_wait3A_349 = tpu.memref_slice %arg29[%scan3A_299, %dma_wait3A_348] : memref<79x128xi32, #tpu.memory_space<vmem>> -> memref<1x128xi32, #tpu.memory_space<vmem>>
      %dma_wait3A_350 = tpu.memref_squeeze %dma_wait3A_349 : memref<1x128xi32, #tpu.memory_space<vmem>> -> memref<128xi32, #tpu.memory_space<vmem>>
      %dma_wait3A_351 = arith.constant 0 : i32
      %dma_wait3A_352 = tpu.memref_slice %arg41[%dma_wait3A_351] : memref<10240xf32, #tpu.memory_space<vmem_shared>> -> memref<10240xf32, #tpu.memory_space<vmem_shared>>
      tpu.wait_indirect_dma semaphore(%arg55 : memref<!tpu.dma_semaphore, #tpu.memory_space<semaphore_mem>>) src(%dma_wait3A_352 : memref<10240xf32, #tpu.memory_space<vmem_shared>>) dst(%arg33 : memref<128xf32, #tpu.memory_space<vmem>>)
      %dma_wait3A_353 = arith.constant 0 : i32
      %dma_wait3A_354 = tpu.memref_slice %arg29[%scan3A_299, %dma_wait3A_353] : memref<79x128xi32, #tpu.memory_space<vmem>> -> memref<1x128xi32, #tpu.memory_space<vmem>>
      %dma_wait3A_355 = tpu.memref_squeeze %dma_wait3A_354 : memref<1x128xi32, #tpu.memory_space<vmem>> -> memref<128xi32, #tpu.memory_space<vmem>>
      %dma_wait3A_356 = arith.constant 0 : i32
      %dma_wait3A_357 = tpu.memref_slice %arg42[%dma_wait3A_356] : memref<10240xf32, #tpu.memory_space<vmem_shared>> -> memref<10240xf32, #tpu.memory_space<vmem_shared>>
      tpu.wait_indirect_dma semaphore(%arg55 : memref<!tpu.dma_semaphore, #tpu.memory_space<semaphore_mem>>) src(%dma_wait3A_357 : memref<10240xf32, #tpu.memory_space<vmem_shared>>) dst(%arg34 : memref<128xf32, #tpu.memory_space<vmem>>)
      %dma_wait3A_358 = arith.constant 0 : i32
      %dma_wait3A_359 = tpu.memref_slice %arg29[%scan3A_299, %dma_wait3A_358] : memref<79x128xi32, #tpu.memory_space<vmem>> -> memref<1x128xi32, #tpu.memory_space<vmem>>
      %dma_wait3A_360 = tpu.memref_squeeze %dma_wait3A_359 : memref<1x128xi32, #tpu.memory_space<vmem>> -> memref<128xi32, #tpu.memory_space<vmem>>
      %dma_wait3A_361 = arith.constant 0 : i32
      %dma_wait3A_362 = tpu.memref_slice %arg43[%dma_wait3A_361] : memref<10240xf32, #tpu.memory_space<vmem_shared>> -> memref<10240xf32, #tpu.memory_space<vmem_shared>>
      tpu.wait_indirect_dma semaphore(%arg55 : memref<!tpu.dma_semaphore, #tpu.memory_space<semaphore_mem>>) src(%dma_wait3A_362 : memref<10240xf32, #tpu.memory_space<vmem_shared>>) dst(%arg35 : memref<128xf32, #tpu.memory_space<vmem>>)
      %dma_wait3A_363 = arith.constant 0 : i32
      %dma_wait3A_364 = tpu.memref_slice %arg29[%scan3A_299, %dma_wait3A_363] : memref<79x128xi32, #tpu.memory_space<vmem>> -> memref<1x128xi32, #tpu.memory_space<vmem>>
      %dma_wait3A_365 = tpu.memref_squeeze %dma_wait3A_364 : memref<1x128xi32, #tpu.memory_space<vmem>> -> memref<128xi32, #tpu.memory_space<vmem>>
      %dma_wait3A_366 = arith.constant 0 : i32
      %dma_wait3A_367 = tpu.memref_slice %arg44[%dma_wait3A_366] : memref<10240xf32, #tpu.memory_space<vmem_shared>> -> memref<10240xf32, #tpu.memory_space<vmem_shared>>
      tpu.wait_indirect_dma semaphore(%arg55 : memref<!tpu.dma_semaphore, #tpu.memory_space<semaphore_mem>>) src(%dma_wait3A_367 : memref<10240xf32, #tpu.memory_space<vmem_shared>>) dst(%arg36 : memref<128xf32, #tpu.memory_space<vmem>>)
      %dma_wait3A_368 = arith.constant 0 : i32
      %dma_wait3A_369 = tpu.memref_slice %arg29[%scan3A_299, %dma_wait3A_368] : memref<79x128xi32, #tpu.memory_space<vmem>> -> memref<1x128xi32, #tpu.memory_space<vmem>>
      %dma_wait3A_370 = tpu.memref_squeeze %dma_wait3A_369 : memref<1x128xi32, #tpu.memory_space<vmem>> -> memref<128xi32, #tpu.memory_space<vmem>>
      %dma_wait3A_371 = arith.constant 0 : i32
      %dma_wait3A_372 = tpu.memref_slice %arg45[%dma_wait3A_371] : memref<10240xf32, #tpu.memory_space<vmem_shared>> -> memref<10240xf32, #tpu.memory_space<vmem_shared>>
      tpu.wait_indirect_dma semaphore(%arg55 : memref<!tpu.dma_semaphore, #tpu.memory_space<semaphore_mem>>) src(%dma_wait3A_372 : memref<10240xf32, #tpu.memory_space<vmem_shared>>) dst(%arg37 : memref<128xf32, #tpu.memory_space<vmem>>)
      %dma_wait3A_373 = arith.constant 0 : i32
      %dma_wait3A_374 = tpu.memref_slice %arg29[%scan3A_299, %dma_wait3A_373] : memref<79x128xi32, #tpu.memory_space<vmem>> -> memref<1x128xi32, #tpu.memory_space<vmem>>
      %dma_wait3A_375 = tpu.memref_squeeze %dma_wait3A_374 : memref<1x128xi32, #tpu.memory_space<vmem>> -> memref<128xi32, #tpu.memory_space<vmem>>
      %dma_wait3A_376 = arith.constant 0 : i32
      %dma_wait3A_377 = tpu.memref_slice %arg46[%dma_wait3A_376] : memref<10240xf32, #tpu.memory_space<vmem_shared>> -> memref<10240xf32, #tpu.memory_space<vmem_shared>>
      tpu.wait_indirect_dma semaphore(%arg55 : memref<!tpu.dma_semaphore, #tpu.memory_space<semaphore_mem>>) src(%dma_wait3A_377 : memref<10240xf32, #tpu.memory_space<vmem_shared>>) dst(%arg38 : memref<128xf32, #tpu.memory_space<vmem>>)
      %dma_start3A_378 = arith.constant 0 : i32
      %dma_start3A_379 = tpu.memref_slice %arg30[%scan3A_299, %dma_start3A_378] : memref<79x128xi32, #tpu.memory_space<vmem>> -> memref<1x128xi32, #tpu.memory_space<vmem>>
      %dma_start3A_380 = tpu.memref_squeeze %dma_start3A_379 : memref<1x128xi32, #tpu.memory_space<vmem>> -> memref<128xi32, #tpu.memory_space<vmem>>
      %dma_start3A_381 = arith.constant 0 : i32
      %dma_start3A_382 = tpu.memref_slice %arg47[%dma_start3A_381] : memref<10240xf32, #tpu.memory_space<vmem_shared>> -> memref<10240xf32, #tpu.memory_space<vmem_shared>>
      tpu.enqueue_indirect_dma source(%arg31 : memref<128xf32, #tpu.memory_space<vmem>>) target(%dma_start3A_382 : memref<10240xf32, #tpu.memory_space<vmem_shared>>) offsets(%dma_start3A_380 : memref<128xi32, #tpu.memory_space<vmem>>) semaphore(%arg55 : memref<!tpu.dma_semaphore, #tpu.memory_space<semaphore_mem>>) {add = true}
      %dma_start3A_383 = arith.constant 0 : i32
      %dma_start3A_384 = tpu.memref_slice %arg30[%scan3A_299, %dma_start3A_383] : memref<79x128xi32, #tpu.memory_space<vmem>> -> memref<1x128xi32, #tpu.memory_space<vmem>>
      %dma_start3A_385 = tpu.memref_squeeze %dma_start3A_384 : memref<1x128xi32, #tpu.memory_space<vmem>> -> memref<128xi32, #tpu.memory_space<vmem>>
      %dma_start3A_386 = arith.constant 0 : i32
      %dma_start3A_387 = tpu.memref_slice %arg48[%dma_start3A_386] : memref<10240xf32, #tpu.memory_space<vmem_shared>> -> memref<10240xf32, #tpu.memory_space<vmem_shared>>
      tpu.enqueue_indirect_dma source(%arg32 : memref<128xf32, #tpu.memory_space<vmem>>) target(%dma_start3A_387 : memref<10240xf32, #tpu.memory_space<vmem_shared>>) offsets(%dma_start3A_385 : memref<128xi32, #tpu.memory_space<vmem>>) semaphore(%arg55 : memref<!tpu.dma_semaphore, #tpu.memory_space<semaphore_mem>>) {add = true}
      %dma_start3A_388 = arith.constant 0 : i32
      %dma_start3A_389 = tpu.memref_slice %arg30[%scan3A_299, %dma_start3A_388] : memref<79x128xi32, #tpu.memory_space<vmem>> -> memref<1x128xi32, #tpu.memory_space<vmem>>
      %dma_start3A_390 = tpu.memref_squeeze %dma_start3A_389 : memref<1x128xi32, #tpu.memory_space<vmem>> -> memref<128xi32, #tpu.memory_space<vmem>>
      %dma_start3A_391 = arith.constant 0 : i32
      %dma_start3A_392 = tpu.memref_slice %arg49[%dma_start3A_391] : memref<10240xf32, #tpu.memory_space<vmem_shared>> -> memref<10240xf32, #tpu.memory_space<vmem_shared>>
      tpu.enqueue_indirect_dma source(%arg33 : memref<128xf32, #tpu.memory_space<vmem>>) target(%dma_start3A_392 : memref<10240xf32, #tpu.memory_space<vmem_shared>>) offsets(%dma_start3A_390 : memref<128xi32, #tpu.memory_space<vmem>>) semaphore(%arg55 : memref<!tpu.dma_semaphore, #tpu.memory_space<semaphore_mem>>) {add = true}
      %dma_start3A_393 = arith.constant 0 : i32
      %dma_start3A_394 = tpu.memref_slice %arg30[%scan3A_299, %dma_start3A_393] : memref<79x128xi32, #tpu.memory_space<vmem>> -> memref<1x128xi32, #tpu.memory_space<vmem>>
      %dma_start3A_395 = tpu.memref_squeeze %dma_start3A_394 : memref<1x128xi32, #tpu.memory_space<vmem>> -> memref<128xi32, #tpu.memory_space<vmem>>
      %dma_start3A_396 = arith.constant 0 : i32
      %dma_start3A_397 = tpu.memref_slice %arg50[%dma_start3A_396] : memref<10240xf32, #tpu.memory_space<vmem_shared>> -> memref<10240xf32, #tpu.memory_space<vmem_shared>>
      tpu.enqueue_indirect_dma source(%arg34 : memref<128xf32, #tpu.memory_space<vmem>>) target(%dma_start3A_397 : memref<10240xf32, #tpu.memory_space<vmem_shared>>) offsets(%dma_start3A_395 : memref<128xi32, #tpu.memory_space<vmem>>) semaphore(%arg55 : memref<!tpu.dma_semaphore, #tpu.memory_space<semaphore_mem>>) {add = true}
      %dma_start3A_398 = arith.constant 0 : i32
      %dma_start3A_399 = tpu.memref_slice %arg30[%scan3A_299, %dma_start3A_398] : memref<79x128xi32, #tpu.memory_space<vmem>> -> memref<1x128xi32, #tpu.memory_space<vmem>>
      %dma_start3A_400 = tpu.memref_squeeze %dma_start3A_399 : memref<1x128xi32, #tpu.memory_space<vmem>> -> memref<128xi32, #tpu.memory_space<vmem>>
      %dma_start3A_401 = arith.constant 0 : i32
      %dma_start3A_402 = tpu.memref_slice %arg51[%dma_start3A_401] : memref<10240xf32, #tpu.memory_space<vmem_shared>> -> memref<10240xf32, #tpu.memory_space<vmem_shared>>
      tpu.enqueue_indirect_dma source(%arg35 : memref<128xf32, #tpu.memory_space<vmem>>) target(%dma_start3A_402 : memref<10240xf32, #tpu.memory_space<vmem_shared>>) offsets(%dma_start3A_400 : memref<128xi32, #tpu.memory_space<vmem>>) semaphore(%arg55 : memref<!tpu.dma_semaphore, #tpu.memory_space<semaphore_mem>>) {add = true}
      %dma_start3A_403 = arith.constant 0 : i32
      %dma_start3A_404 = tpu.memref_slice %arg30[%scan3A_299, %dma_start3A_403] : memref<79x128xi32, #tpu.memory_space<vmem>> -> memref<1x128xi32, #tpu.memory_space<vmem>>
      %dma_start3A_405 = tpu.memref_squeeze %dma_start3A_404 : memref<1x128xi32, #tpu.memory_space<vmem>> -> memref<128xi32, #tpu.memory_space<vmem>>
      %dma_start3A_406 = arith.constant 0 : i32
      %dma_start3A_407 = tpu.memref_slice %arg52[%dma_start3A_406] : memref<10240xf32, #tpu.memory_space<vmem_shared>> -> memref<10240xf32, #tpu.memory_space<vmem_shared>>
      tpu.enqueue_indirect_dma source(%arg36 : memref<128xf32, #tpu.memory_space<vmem>>) target(%dma_start3A_407 : memref<10240xf32, #tpu.memory_space<vmem_shared>>) offsets(%dma_start3A_405 : memref<128xi32, #tpu.memory_space<vmem>>) semaphore(%arg55 : memref<!tpu.dma_semaphore, #tpu.memory_space<semaphore_mem>>) {add = true}
      %dma_start3A_408 = arith.constant 0 : i32
      %dma_start3A_409 = tpu.memref_slice %arg30[%scan3A_299, %dma_start3A_408] : memref<79x128xi32, #tpu.memory_space<vmem>> -> memref<1x128xi32, #tpu.memory_space<vmem>>
      %dma_start3A_410 = tpu.memref_squeeze %dma_start3A_409 : memref<1x128xi32, #tpu.memory_space<vmem>> -> memref<128xi32, #tpu.memory_space<vmem>>
      %dma_start3A_411 = arith.constant 0 : i32
      %dma_start3A_412 = tpu.memref_slice %arg53[%dma_start3A_411] : memref<10240xf32, #tpu.memory_space<vmem_shared>> -> memref<10240xf32, #tpu.memory_space<vmem_shared>>
      tpu.enqueue_indirect_dma source(%arg37 : memref<128xf32, #tpu.memory_space<vmem>>) target(%dma_start3A_412 : memref<10240xf32, #tpu.memory_space<vmem_shared>>) offsets(%dma_start3A_410 : memref<128xi32, #tpu.memory_space<vmem>>) semaphore(%arg55 : memref<!tpu.dma_semaphore, #tpu.memory_space<semaphore_mem>>) {add = true}
      %dma_start3A_413 = arith.constant 0 : i32
      %dma_start3A_414 = tpu.memref_slice %arg30[%scan3A_299, %dma_start3A_413] : memref<79x128xi32, #tpu.memory_space<vmem>> -> memref<1x128xi32, #tpu.memory_space<vmem>>
      %dma_start3A_415 = tpu.memref_squeeze %dma_start3A_414 : memref<1x128xi32, #tpu.memory_space<vmem>> -> memref<128xi32, #tpu.memory_space<vmem>>
      %dma_start3A_416 = arith.constant 0 : i32
      %dma_start3A_417 = tpu.memref_slice %arg54[%dma_start3A_416] : memref<10240xf32, #tpu.memory_space<vmem_shared>> -> memref<10240xf32, #tpu.memory_space<vmem_shared>>
      tpu.enqueue_indirect_dma source(%arg38 : memref<128xf32, #tpu.memory_space<vmem>>) target(%dma_start3A_417 : memref<10240xf32, #tpu.memory_space<vmem_shared>>) offsets(%dma_start3A_415 : memref<128xi32, #tpu.memory_space<vmem>>) semaphore(%arg55 : memref<!tpu.dma_semaphore, #tpu.memory_space<semaphore_mem>>) {add = true}
      %dma_wait3A_418 = arith.constant 0 : i32
      %dma_wait3A_419 = tpu.memref_slice %arg30[%scan3A_299, %dma_wait3A_418] : memref<79x128xi32, #tpu.memory_space<vmem>> -> memref<1x128xi32, #tpu.memory_space<vmem>>
      %dma_wait3A_420 = tpu.memref_squeeze %dma_wait3A_419 : memref<1x128xi32, #tpu.memory_space<vmem>> -> memref<128xi32, #tpu.memory_space<vmem>>
      %dma_wait3A_421 = arith.constant 0 : i32
      %dma_wait3A_422 = tpu.memref_slice %arg47[%dma_wait3A_421] : memref<10240xf32, #tpu.memory_space<vmem_shared>> -> memref<10240xf32, #tpu.memory_space<vmem_shared>>
      tpu.wait_indirect_dma semaphore(%arg55 : memref<!tpu.dma_semaphore, #tpu.memory_space<semaphore_mem>>) src(%arg31 : memref<128xf32, #tpu.memory_space<vmem>>) dst(%dma_wait3A_422 : memref<10240xf32, #tpu.memory_space<vmem_shared>>)
      %dma_wait3A_423 = arith.constant 0 : i32
      %dma_wait3A_424 = tpu.memref_slice %arg30[%scan3A_299, %dma_wait3A_423] : memref<79x128xi32, #tpu.memory_space<vmem>> -> memref<1x128xi32, #tpu.memory_space<vmem>>
      %dma_wait3A_425 = tpu.memref_squeeze %dma_wait3A_424 : memref<1x128xi32, #tpu.memory_space<vmem>> -> memref<128xi32, #tpu.memory_space<vmem>>
      %dma_wait3A_426 = arith.constant 0 : i32
      %dma_wait3A_427 = tpu.memref_slice %arg48[%dma_wait3A_426] : memref<10240xf32, #tpu.memory_space<vmem_shared>> -> memref<10240xf32, #tpu.memory_space<vmem_shared>>
      tpu.wait_indirect_dma semaphore(%arg55 : memref<!tpu.dma_semaphore, #tpu.memory_space<semaphore_mem>>) src(%arg32 : memref<128xf32, #tpu.memory_space<vmem>>) dst(%dma_wait3A_427 : memref<10240xf32, #tpu.memory_space<vmem_shared>>)
      %dma_wait3A_428 = arith.constant 0 : i32
      %dma_wait3A_429 = tpu.memref_slice %arg30[%scan3A_299, %dma_wait3A_428] : memref<79x128xi32, #tpu.memory_space<vmem>> -> memref<1x128xi32, #tpu.memory_space<vmem>>
      %dma_wait3A_430 = tpu.memref_squeeze %dma_wait3A_429 : memref<1x128xi32, #tpu.memory_space<vmem>> -> memref<128xi32, #tpu.memory_space<vmem>>
      %dma_wait3A_431 = arith.constant 0 : i32
      %dma_wait3A_432 = tpu.memref_slice %arg49[%dma_wait3A_431] : memref<10240xf32, #tpu.memory_space<vmem_shared>> -> memref<10240xf32, #tpu.memory_space<vmem_shared>>
      tpu.wait_indirect_dma semaphore(%arg55 : memref<!tpu.dma_semaphore, #tpu.memory_space<semaphore_mem>>) src(%arg33 : memref<128xf32, #tpu.memory_space<vmem>>) dst(%dma_wait3A_432 : memref<10240xf32, #tpu.memory_space<vmem_shared>>)
      %dma_wait3A_433 = arith.constant 0 : i32
      %dma_wait3A_434 = tpu.memref_slice %arg30[%scan3A_299, %dma_wait3A_433] : memref<79x128xi32, #tpu.memory_space<vmem>> -> memref<1x128xi32, #tpu.memory_space<vmem>>
      %dma_wait3A_435 = tpu.memref_squeeze %dma_wait3A_434 : memref<1x128xi32, #tpu.memory_space<vmem>> -> memref<128xi32, #tpu.memory_space<vmem>>
      %dma_wait3A_436 = arith.constant 0 : i32
      %dma_wait3A_437 = tpu.memref_slice %arg50[%dma_wait3A_436] : memref<10240xf32, #tpu.memory_space<vmem_shared>> -> memref<10240xf32, #tpu.memory_space<vmem_shared>>
      tpu.wait_indirect_dma semaphore(%arg55 : memref<!tpu.dma_semaphore, #tpu.memory_space<semaphore_mem>>) src(%arg34 : memref<128xf32, #tpu.memory_space<vmem>>) dst(%dma_wait3A_437 : memref<10240xf32, #tpu.memory_space<vmem_shared>>)
      %dma_wait3A_438 = arith.constant 0 : i32
      %dma_wait3A_439 = tpu.memref_slice %arg30[%scan3A_299, %dma_wait3A_438] : memref<79x128xi32, #tpu.memory_space<vmem>> -> memref<1x128xi32, #tpu.memory_space<vmem>>
      %dma_wait3A_440 = tpu.memref_squeeze %dma_wait3A_439 : memref<1x128xi32, #tpu.memory_space<vmem>> -> memref<128xi32, #tpu.memory_space<vmem>>
      %dma_wait3A_441 = arith.constant 0 : i32
      %dma_wait3A_442 = tpu.memref_slice %arg51[%dma_wait3A_441] : memref<10240xf32, #tpu.memory_space<vmem_shared>> -> memref<10240xf32, #tpu.memory_space<vmem_shared>>
      tpu.wait_indirect_dma semaphore(%arg55 : memref<!tpu.dma_semaphore, #tpu.memory_space<semaphore_mem>>) src(%arg35 : memref<128xf32, #tpu.memory_space<vmem>>) dst(%dma_wait3A_442 : memref<10240xf32, #tpu.memory_space<vmem_shared>>)
      %dma_wait3A_443 = arith.constant 0 : i32
      %dma_wait3A_444 = tpu.memref_slice %arg30[%scan3A_299, %dma_wait3A_443] : memref<79x128xi32, #tpu.memory_space<vmem>> -> memref<1x128xi32, #tpu.memory_space<vmem>>
      %dma_wait3A_445 = tpu.memref_squeeze %dma_wait3A_444 : memref<1x128xi32, #tpu.memory_space<vmem>> -> memref<128xi32, #tpu.memory_space<vmem>>
      %dma_wait3A_446 = arith.constant 0 : i32
      %dma_wait3A_447 = tpu.memref_slice %arg52[%dma_wait3A_446] : memref<10240xf32, #tpu.memory_space<vmem_shared>> -> memref<10240xf32, #tpu.memory_space<vmem_shared>>
      tpu.wait_indirect_dma semaphore(%arg55 : memref<!tpu.dma_semaphore, #tpu.memory_space<semaphore_mem>>) src(%arg36 : memref<128xf32, #tpu.memory_space<vmem>>) dst(%dma_wait3A_447 : memref<10240xf32, #tpu.memory_space<vmem_shared>>)
      %dma_wait3A_448 = arith.constant 0 : i32
      %dma_wait3A_449 = tpu.memref_slice %arg30[%scan3A_299, %dma_wait3A_448] : memref<79x128xi32, #tpu.memory_space<vmem>> -> memref<1x128xi32, #tpu.memory_space<vmem>>
      %dma_wait3A_450 = tpu.memref_squeeze %dma_wait3A_449 : memref<1x128xi32, #tpu.memory_space<vmem>> -> memref<128xi32, #tpu.memory_space<vmem>>
      %dma_wait3A_451 = arith.constant 0 : i32
      %dma_wait3A_452 = tpu.memref_slice %arg53[%dma_wait3A_451] : memref<10240xf32, #tpu.memory_space<vmem_shared>> -> memref<10240xf32, #tpu.memory_space<vmem_shared>>
      tpu.wait_indirect_dma semaphore(%arg55 : memref<!tpu.dma_semaphore, #tpu.memory_space<semaphore_mem>>) src(%arg37 : memref<128xf32, #tpu.memory_space<vmem>>) dst(%dma_wait3A_452 : memref<10240xf32, #tpu.memory_space<vmem_shared>>)
      %dma_wait3A_453 = arith.constant 0 : i32
      %dma_wait3A_454 = tpu.memref_slice %arg30[%scan3A_299, %dma_wait3A_453] : memref<79x128xi32, #tpu.memory_space<vmem>> -> memref<1x128xi32, #tpu.memory_space<vmem>>
      %dma_wait3A_455 = tpu.memref_squeeze %dma_wait3A_454 : memref<1x128xi32, #tpu.memory_space<vmem>> -> memref<128xi32, #tpu.memory_space<vmem>>
      %dma_wait3A_456 = arith.constant 0 : i32
      %dma_wait3A_457 = tpu.memref_slice %arg54[%dma_wait3A_456] : memref<10240xf32, #tpu.memory_space<vmem_shared>> -> memref<10240xf32, #tpu.memory_space<vmem_shared>>
      tpu.wait_indirect_dma semaphore(%arg55 : memref<!tpu.dma_semaphore, #tpu.memory_space<semaphore_mem>>) src(%arg38 : memref<128xf32, #tpu.memory_space<vmem>>) dst(%dma_wait3A_457 : memref<10240xf32, #tpu.memory_space<vmem_shared>>)
    }
    %scan3A_169 = arith.constant 79 : i32
    %barrier3A_170 = arith.constant 0 : index
    tpu.barrier barrier_id(%barrier3A_170)
    %eq3A_171 = arith.constant 0 : i32
    %eq3A_172 = arith.cmpi eq, %arg0, %eq3A_171 : i32
    %eq3A_173 = arith.constant 0 : i32
    %eq3A_174 = arith.cmpi eq, %arg1, %eq3A_173 : i32
    %and3A_175 = arith.andi %eq3A_172, %eq3A_174 : i1
    %convert_element_type3A_176 = arith.extui %and3A_175 : i1 to i32
    %cond3A_177 = arith.constant 0 : i32
    %cond3A_178 = arith.cmpi ne, %convert_element_type3A_176, %cond3A_177 : i32
    scf.if %cond3A_178 {
      "tpu.region"() ({
        %run_scoped3A = tpu.sem_alloc : memref<!tpu.dma_semaphore, #tpu.memory_space<semaphore_mem>>
        tpu.enqueue_dma source(%arg47 : memref<10240xf32, #tpu.memory_space<vmem_shared>>) target(%arg13 : memref<10240xf32, #tpu.memory_space<hbm>>) target_semaphore(%run_scoped3A : memref<!tpu.dma_semaphore, #tpu.memory_space<semaphore_mem>>)
        tpu.wait_dma2 semaphore(%run_scoped3A : memref<!tpu.dma_semaphore, #tpu.memory_space<semaphore_mem>>) src(%arg47 : memref<10240xf32, #tpu.memory_space<vmem_shared>>) dst(%arg13 : memref<10240xf32, #tpu.memory_space<hbm>>)
        tpu.yield
      }) : () -> ()
    } else {
    }
    %eq3A_179 = arith.constant 0 : i32
    %eq3A_180 = arith.cmpi eq, %arg0, %eq3A_179 : i32
    %eq3A_181 = arith.constant 1 : i32
    %eq3A_182 = arith.cmpi eq, %arg1, %eq3A_181 : i32
    %and3A_183 = arith.andi %eq3A_180, %eq3A_182 : i1
    %convert_element_type3A_184 = arith.extui %and3A_183 : i1 to i32
    %cond3A_185 = arith.constant 0 : i32
    %cond3A_186 = arith.cmpi ne, %convert_element_type3A_184, %cond3A_185 : i32
    scf.if %cond3A_186 {
      "tpu.region"() ({
        %run_scoped3A = tpu.sem_alloc : memref<!tpu.dma_semaphore, #tpu.memory_space<semaphore_mem>>
        tpu.enqueue_dma source(%arg48 : memref<10240xf32, #tpu.memory_space<vmem_shared>>) target(%arg14 : memref<10240xf32, #tpu.memory_space<hbm>>) target_semaphore(%run_scoped3A : memref<!tpu.dma_semaphore, #tpu.memory_space<semaphore_mem>>)
        tpu.wait_dma2 semaphore(%run_scoped3A : memref<!tpu.dma_semaphore, #tpu.memory_space<semaphore_mem>>) src(%arg48 : memref<10240xf32, #tpu.memory_space<vmem_shared>>) dst(%arg14 : memref<10240xf32, #tpu.memory_space<hbm>>)
        tpu.yield
      }) : () -> ()
    } else {
    }
    %eq3A_187 = arith.constant 0 : i32
    %eq3A_188 = arith.cmpi eq, %arg0, %eq3A_187 : i32
    %eq3A_189 = arith.constant 2 : i32
    %eq3A_190 = arith.cmpi eq, %arg1, %eq3A_189 : i32
    %and3A_191 = arith.andi %eq3A_188, %eq3A_190 : i1
    %convert_element_type3A_192 = arith.extui %and3A_191 : i1 to i32
    %cond3A_193 = arith.constant 0 : i32
    %cond3A_194 = arith.cmpi ne, %convert_element_type3A_192, %cond3A_193 : i32
    scf.if %cond3A_194 {
      "tpu.region"() ({
        %run_scoped3A = tpu.sem_alloc : memref<!tpu.dma_semaphore, #tpu.memory_space<semaphore_mem>>
        tpu.enqueue_dma source(%arg49 : memref<10240xf32, #tpu.memory_space<vmem_shared>>) target(%arg15 : memref<10240xf32, #tpu.memory_space<hbm>>) target_semaphore(%run_scoped3A : memref<!tpu.dma_semaphore, #tpu.memory_space<semaphore_mem>>)
        tpu.wait_dma2 semaphore(%run_scoped3A : memref<!tpu.dma_semaphore, #tpu.memory_space<semaphore_mem>>) src(%arg49 : memref<10240xf32, #tpu.memory_space<vmem_shared>>) dst(%arg15 : memref<10240xf32, #tpu.memory_space<hbm>>)
        tpu.yield
      }) : () -> ()
    } else {
    }
    %eq3A_195 = arith.constant 0 : i32
    %eq3A_196 = arith.cmpi eq, %arg0, %eq3A_195 : i32
    %eq3A_197 = arith.constant 3 : i32
    %eq3A_198 = arith.cmpi eq, %arg1, %eq3A_197 : i32
    %and3A_199 = arith.andi %eq3A_196, %eq3A_198 : i1
    %convert_element_type3A_200 = arith.extui %and3A_199 : i1 to i32
    %cond3A_201 = arith.constant 0 : i32
    %cond3A_202 = arith.cmpi ne, %convert_element_type3A_200, %cond3A_201 : i32
    scf.if %cond3A_202 {
      "tpu.region"() ({
        %run_scoped3A = tpu.sem_alloc : memref<!tpu.dma_semaphore, #tpu.memory_space<semaphore_mem>>
        tpu.enqueue_dma source(%arg50 : memref<10240xf32, #tpu.memory_space<vmem_shared>>) target(%arg16 : memref<10240xf32, #tpu.memory_space<hbm>>) target_semaphore(%run_scoped3A : memref<!tpu.dma_semaphore, #tpu.memory_space<semaphore_mem>>)
        tpu.wait_dma2 semaphore(%run_scoped3A : memref<!tpu.dma_semaphore, #tpu.memory_space<semaphore_mem>>) src(%arg50 : memref<10240xf32, #tpu.memory_space<vmem_shared>>) dst(%arg16 : memref<10240xf32, #tpu.memory_space<hbm>>)
        tpu.yield
      }) : () -> ()
    } else {
    }
    %eq3A_203 = arith.constant 0 : i32
    %eq3A_204 = arith.cmpi eq, %arg0, %eq3A_203 : i32
    %eq3A_205 = arith.constant 4 : i32
    %eq3A_206 = arith.cmpi eq, %arg1, %eq3A_205 : i32
    %and3A_207 = arith.andi %eq3A_204, %eq3A_206 : i1
    %convert_element_type3A_208 = arith.extui %and3A_207 : i1 to i32
    %cond3A_209 = arith.constant 0 : i32
    %cond3A_210 = arith.cmpi ne, %convert_element_type3A_208, %cond3A_209 : i32
    scf.if %cond3A_210 {
      "tpu.region"() ({
        %run_scoped3A = tpu.sem_alloc : memref<!tpu.dma_semaphore, #tpu.memory_space<semaphore_mem>>
        tpu.enqueue_dma source(%arg51 : memref<10240xf32, #tpu.memory_space<vmem_shared>>) target(%arg17 : memref<10240xf32, #tpu.memory_space<hbm>>) target_semaphore(%run_scoped3A : memref<!tpu.dma_semaphore, #tpu.memory_space<semaphore_mem>>)
        tpu.wait_dma2 semaphore(%run_scoped3A : memref<!tpu.dma_semaphore, #tpu.memory_space<semaphore_mem>>) src(%arg51 : memref<10240xf32, #tpu.memory_space<vmem_shared>>) dst(%arg17 : memref<10240xf32, #tpu.memory_space<hbm>>)
        tpu.yield
      }) : () -> ()
    } else {
    }
    %eq3A_211 = arith.constant 0 : i32
    %eq3A_212 = arith.cmpi eq, %arg0, %eq3A_211 : i32
    %eq3A_213 = arith.constant 5 : i32
    %eq3A_214 = arith.cmpi eq, %arg1, %eq3A_213 : i32
    %and3A_215 = arith.andi %eq3A_212, %eq3A_214 : i1
    %convert_element_type3A_216 = arith.extui %and3A_215 : i1 to i32
    %cond3A_217 = arith.constant 0 : i32
    %cond3A_218 = arith.cmpi ne, %convert_element_type3A_216, %cond3A_217 : i32
    scf.if %cond3A_218 {
      "tpu.region"() ({
        %run_scoped3A = tpu.sem_alloc : memref<!tpu.dma_semaphore, #tpu.memory_space<semaphore_mem>>
        tpu.enqueue_dma source(%arg52 : memref<10240xf32, #tpu.memory_space<vmem_shared>>) target(%arg18 : memref<10240xf32, #tpu.memory_space<hbm>>) target_semaphore(%run_scoped3A : memref<!tpu.dma_semaphore, #tpu.memory_space<semaphore_mem>>)
        tpu.wait_dma2 semaphore(%run_scoped3A : memref<!tpu.dma_semaphore, #tpu.memory_space<semaphore_mem>>) src(%arg52 : memref<10240xf32, #tpu.memory_space<vmem_shared>>) dst(%arg18 : memref<10240xf32, #tpu.memory_space<hbm>>)
        tpu.yield
      }) : () -> ()
    } else {
    }
    %eq3A_219 = arith.constant 0 : i32
    %eq3A_220 = arith.cmpi eq, %arg0, %eq3A_219 : i32
    %eq3A_221 = arith.constant 6 : i32
    %eq3A_222 = arith.cmpi eq, %arg1, %eq3A_221 : i32
    %and3A_223 = arith.andi %eq3A_220, %eq3A_222 : i1
    %convert_element_type3A_224 = arith.extui %and3A_223 : i1 to i32
    %cond3A_225 = arith.constant 0 : i32
    %cond3A_226 = arith.cmpi ne, %convert_element_type3A_224, %cond3A_225 : i32
    scf.if %cond3A_226 {
      "tpu.region"() ({
        %run_scoped3A = tpu.sem_alloc : memref<!tpu.dma_semaphore, #tpu.memory_space<semaphore_mem>>
        tpu.enqueue_dma source(%arg53 : memref<10240xf32, #tpu.memory_space<vmem_shared>>) target(%arg19 : memref<10240xf32, #tpu.memory_space<hbm>>) target_semaphore(%run_scoped3A : memref<!tpu.dma_semaphore, #tpu.memory_space<semaphore_mem>>)
        tpu.wait_dma2 semaphore(%run_scoped3A : memref<!tpu.dma_semaphore, #tpu.memory_space<semaphore_mem>>) src(%arg53 : memref<10240xf32, #tpu.memory_space<vmem_shared>>) dst(%arg19 : memref<10240xf32, #tpu.memory_space<hbm>>)
        tpu.yield
      }) : () -> ()
    } else {
    }
    %eq3A_227 = arith.constant 0 : i32
    %eq3A_228 = arith.cmpi eq, %arg0, %eq3A_227 : i32
    %eq3A_229 = arith.constant 7 : i32
    %eq3A_230 = arith.cmpi eq, %arg1, %eq3A_229 : i32
    %and3A_231 = arith.andi %eq3A_228, %eq3A_230 : i1
    %convert_element_type3A_232 = arith.extui %and3A_231 : i1 to i32
    %cond3A_233 = arith.constant 0 : i32
    %cond3A_234 = arith.cmpi ne, %convert_element_type3A_232, %cond3A_233 : i32
    scf.if %cond3A_234 {
      "tpu.region"() ({
        %run_scoped3A = tpu.sem_alloc : memref<!tpu.dma_semaphore, #tpu.memory_space<semaphore_mem>>
        tpu.enqueue_dma source(%arg54 : memref<10240xf32, #tpu.memory_space<vmem_shared>>) target(%arg20 : memref<10240xf32, #tpu.memory_space<hbm>>) target_semaphore(%run_scoped3A : memref<!tpu.dma_semaphore, #tpu.memory_space<semaphore_mem>>)
        tpu.wait_dma2 semaphore(%run_scoped3A : memref<!tpu.dma_semaphore, #tpu.memory_space<semaphore_mem>>) src(%arg54 : memref<10240xf32, #tpu.memory_space<vmem_shared>>) dst(%arg20 : memref<10240xf32, #tpu.memory_space<hbm>>)
        tpu.yield
      }) : () -> ()
    } else {
    }
    %eq3A_235 = arith.constant 1 : i32
    %eq3A_236 = arith.cmpi eq, %arg0, %eq3A_235 : i32
    %eq3A_237 = arith.constant 0 : i32
    %eq3A_238 = arith.cmpi eq, %arg1, %eq3A_237 : i32
    %and3A_239 = arith.andi %eq3A_236, %eq3A_238 : i1
    %convert_element_type3A_240 = arith.extui %and3A_239 : i1 to i32
    %cond3A_241 = arith.constant 0 : i32
    %cond3A_242 = arith.cmpi ne, %convert_element_type3A_240, %cond3A_241 : i32
    scf.if %cond3A_242 {
      "tpu.region"() ({
        %run_scoped3A = tpu.sem_alloc : memref<!tpu.dma_semaphore, #tpu.memory_space<semaphore_mem>>
        tpu.enqueue_dma source(%arg47 : memref<10240xf32, #tpu.memory_space<vmem_shared>>) target(%arg21 : memref<10240xf32, #tpu.memory_space<hbm>>) target_semaphore(%run_scoped3A : memref<!tpu.dma_semaphore, #tpu.memory_space<semaphore_mem>>)
        tpu.wait_dma2 semaphore(%run_scoped3A : memref<!tpu.dma_semaphore, #tpu.memory_space<semaphore_mem>>) src(%arg47 : memref<10240xf32, #tpu.memory_space<vmem_shared>>) dst(%arg21 : memref<10240xf32, #tpu.memory_space<hbm>>)
        tpu.yield
      }) : () -> ()
    } else {
    }
    %eq3A_243 = arith.constant 1 : i32
    %eq3A_244 = arith.cmpi eq, %arg0, %eq3A_243 : i32
    %eq3A_245 = arith.constant 1 : i32
    %eq3A_246 = arith.cmpi eq, %arg1, %eq3A_245 : i32
    %and3A_247 = arith.andi %eq3A_244, %eq3A_246 : i1
    %convert_element_type3A_248 = arith.extui %and3A_247 : i1 to i32
    %cond3A_249 = arith.constant 0 : i32
    %cond3A_250 = arith.cmpi ne, %convert_element_type3A_248, %cond3A_249 : i32
    scf.if %cond3A_250 {
      "tpu.region"() ({
        %run_scoped3A = tpu.sem_alloc : memref<!tpu.dma_semaphore, #tpu.memory_space<semaphore_mem>>
        tpu.enqueue_dma source(%arg48 : memref<10240xf32, #tpu.memory_space<vmem_shared>>) target(%arg22 : memref<10240xf32, #tpu.memory_space<hbm>>) target_semaphore(%run_scoped3A : memref<!tpu.dma_semaphore, #tpu.memory_space<semaphore_mem>>)
        tpu.wait_dma2 semaphore(%run_scoped3A : memref<!tpu.dma_semaphore, #tpu.memory_space<semaphore_mem>>) src(%arg48 : memref<10240xf32, #tpu.memory_space<vmem_shared>>) dst(%arg22 : memref<10240xf32, #tpu.memory_space<hbm>>)
        tpu.yield
      }) : () -> ()
    } else {
    }
    %eq3A_251 = arith.constant 1 : i32
    %eq3A_252 = arith.cmpi eq, %arg0, %eq3A_251 : i32
    %eq3A_253 = arith.constant 2 : i32
    %eq3A_254 = arith.cmpi eq, %arg1, %eq3A_253 : i32
    %and3A_255 = arith.andi %eq3A_252, %eq3A_254 : i1
    %convert_element_type3A_256 = arith.extui %and3A_255 : i1 to i32
    %cond3A_257 = arith.constant 0 : i32
    %cond3A_258 = arith.cmpi ne, %convert_element_type3A_256, %cond3A_257 : i32
    scf.if %cond3A_258 {
      "tpu.region"() ({
        %run_scoped3A = tpu.sem_alloc : memref<!tpu.dma_semaphore, #tpu.memory_space<semaphore_mem>>
        tpu.enqueue_dma source(%arg49 : memref<10240xf32, #tpu.memory_space<vmem_shared>>) target(%arg23 : memref<10240xf32, #tpu.memory_space<hbm>>) target_semaphore(%run_scoped3A : memref<!tpu.dma_semaphore, #tpu.memory_space<semaphore_mem>>)
        tpu.wait_dma2 semaphore(%run_scoped3A : memref<!tpu.dma_semaphore, #tpu.memory_space<semaphore_mem>>) src(%arg49 : memref<10240xf32, #tpu.memory_space<vmem_shared>>) dst(%arg23 : memref<10240xf32, #tpu.memory_space<hbm>>)
        tpu.yield
      }) : () -> ()
    } else {
    }
    %eq3A_259 = arith.constant 1 : i32
    %eq3A_260 = arith.cmpi eq, %arg0, %eq3A_259 : i32
    %eq3A_261 = arith.constant 3 : i32
    %eq3A_262 = arith.cmpi eq, %arg1, %eq3A_261 : i32
    %and3A_263 = arith.andi %eq3A_260, %eq3A_262 : i1
    %convert_element_type3A_264 = arith.extui %and3A_263 : i1 to i32
    %cond3A_265 = arith.constant 0 : i32
    %cond3A_266 = arith.cmpi ne, %convert_element_type3A_264, %cond3A_265 : i32
    scf.if %cond3A_266 {
      "tpu.region"() ({
        %run_scoped3A = tpu.sem_alloc : memref<!tpu.dma_semaphore, #tpu.memory_space<semaphore_mem>>
        tpu.enqueue_dma source(%arg50 : memref<10240xf32, #tpu.memory_space<vmem_shared>>) target(%arg24 : memref<10240xf32, #tpu.memory_space<hbm>>) target_semaphore(%run_scoped3A : memref<!tpu.dma_semaphore, #tpu.memory_space<semaphore_mem>>)
        tpu.wait_dma2 semaphore(%run_scoped3A : memref<!tpu.dma_semaphore, #tpu.memory_space<semaphore_mem>>) src(%arg50 : memref<10240xf32, #tpu.memory_space<vmem_shared>>) dst(%arg24 : memref<10240xf32, #tpu.memory_space<hbm>>)
        tpu.yield
      }) : () -> ()
    } else {
    }
    %eq3A_267 = arith.constant 1 : i32
    %eq3A_268 = arith.cmpi eq, %arg0, %eq3A_267 : i32
    %eq3A_269 = arith.constant 4 : i32
    %eq3A_270 = arith.cmpi eq, %arg1, %eq3A_269 : i32
    %and3A_271 = arith.andi %eq3A_268, %eq3A_270 : i1
    %convert_element_type3A_272 = arith.extui %and3A_271 : i1 to i32
    %cond3A_273 = arith.constant 0 : i32
    %cond3A_274 = arith.cmpi ne, %convert_element_type3A_272, %cond3A_273 : i32
    scf.if %cond3A_274 {
      "tpu.region"() ({
        %run_scoped3A = tpu.sem_alloc : memref<!tpu.dma_semaphore, #tpu.memory_space<semaphore_mem>>
        tpu.enqueue_dma source(%arg51 : memref<10240xf32, #tpu.memory_space<vmem_shared>>) target(%arg25 : memref<10240xf32, #tpu.memory_space<hbm>>) target_semaphore(%run_scoped3A : memref<!tpu.dma_semaphore, #tpu.memory_space<semaphore_mem>>)
        tpu.wait_dma2 semaphore(%run_scoped3A : memref<!tpu.dma_semaphore, #tpu.memory_space<semaphore_mem>>) src(%arg51 : memref<10240xf32, #tpu.memory_space<vmem_shared>>) dst(%arg25 : memref<10240xf32, #tpu.memory_space<hbm>>)
        tpu.yield
      }) : () -> ()
    } else {
    }
    %eq3A_275 = arith.constant 1 : i32
    %eq3A_276 = arith.cmpi eq, %arg0, %eq3A_275 : i32
    %eq3A_277 = arith.constant 5 : i32
    %eq3A_278 = arith.cmpi eq, %arg1, %eq3A_277 : i32
    %and3A_279 = arith.andi %eq3A_276, %eq3A_278 : i1
    %convert_element_type3A_280 = arith.extui %and3A_279 : i1 to i32
    %cond3A_281 = arith.constant 0 : i32
    %cond3A_282 = arith.cmpi ne, %convert_element_type3A_280, %cond3A_281 : i32
    scf.if %cond3A_282 {
      "tpu.region"() ({
        %run_scoped3A = tpu.sem_alloc : memref<!tpu.dma_semaphore, #tpu.memory_space<semaphore_mem>>
        tpu.enqueue_dma source(%arg52 : memref<10240xf32, #tpu.memory_space<vmem_shared>>) target(%arg26 : memref<10240xf32, #tpu.memory_space<hbm>>) target_semaphore(%run_scoped3A : memref<!tpu.dma_semaphore, #tpu.memory_space<semaphore_mem>>)
        tpu.wait_dma2 semaphore(%run_scoped3A : memref<!tpu.dma_semaphore, #tpu.memory_space<semaphore_mem>>) src(%arg52 : memref<10240xf32, #tpu.memory_space<vmem_shared>>) dst(%arg26 : memref<10240xf32, #tpu.memory_space<hbm>>)
        tpu.yield
      }) : () -> ()
    } else {
    }
    %eq3A_283 = arith.constant 1 : i32
    %eq3A_284 = arith.cmpi eq, %arg0, %eq3A_283 : i32
    %eq3A_285 = arith.constant 6 : i32
    %eq3A_286 = arith.cmpi eq, %arg1, %eq3A_285 : i32
    %and3A_287 = arith.andi %eq3A_284, %eq3A_286 : i1
    %convert_element_type3A_288 = arith.extui %and3A_287 : i1 to i32
    %cond3A_289 = arith.constant 0 : i32
    %cond3A_290 = arith.cmpi ne, %convert_element_type3A_288, %cond3A_289 : i32
    scf.if %cond3A_290 {
      "tpu.region"() ({
        %run_scoped3A = tpu.sem_alloc : memref<!tpu.dma_semaphore, #tpu.memory_space<semaphore_mem>>
        tpu.enqueue_dma source(%arg53 : memref<10240xf32, #tpu.memory_space<vmem_shared>>) target(%arg27 : memref<10240xf32, #tpu.memory_space<hbm>>) target_semaphore(%run_scoped3A : memref<!tpu.dma_semaphore, #tpu.memory_space<semaphore_mem>>)
        tpu.wait_dma2 semaphore(%run_scoped3A : memref<!tpu.dma_semaphore, #tpu.memory_space<semaphore_mem>>) src(%arg53 : memref<10240xf32, #tpu.memory_space<vmem_shared>>) dst(%arg27 : memref<10240xf32, #tpu.memory_space<hbm>>)
        tpu.yield
      }) : () -> ()
    } else {
    }
    %eq3A_291 = arith.constant 1 : i32
    %eq3A_292 = arith.cmpi eq, %arg0, %eq3A_291 : i32
    %eq3A_293 = arith.constant 7 : i32
    %eq3A_294 = arith.cmpi eq, %arg1, %eq3A_293 : i32
    %and3A_295 = arith.andi %eq3A_292, %eq3A_294 : i1
    %convert_element_type3A_296 = arith.extui %and3A_295 : i1 to i32
    %cond3A_297 = arith.constant 0 : i32
    %cond3A_298 = arith.cmpi ne, %convert_element_type3A_296, %cond3A_297 : i32
    scf.if %cond3A_298 {
      "tpu.region"() ({
        %run_scoped3A = tpu.sem_alloc : memref<!tpu.dma_semaphore, #tpu.memory_space<semaphore_mem>>
        tpu.enqueue_dma source(%arg54 : memref<10240xf32, #tpu.memory_space<vmem_shared>>) target(%arg28 : memref<10240xf32, #tpu.memory_space<hbm>>) target_semaphore(%run_scoped3A : memref<!tpu.dma_semaphore, #tpu.memory_space<semaphore_mem>>)
        tpu.wait_dma2 semaphore(%run_scoped3A : memref<!tpu.dma_semaphore, #tpu.memory_space<semaphore_mem>>) src(%arg54 : memref<10240xf32, #tpu.memory_space<vmem_shared>>) dst(%arg28 : memref<10240xf32, #tpu.memory_space<hbm>>)
        tpu.yield
      }) : () -> ()
    } else {
    }
    return
  }
}

module attributes {stable_mosaic.version = 14 : i64} {
  func.func @_tc_mm_body(%arg0: memref<10240x128xf32, #tpu.memory_space<vmem>>, %arg1: memref<128x8xf32, #tpu.memory_space<vmem>>, %arg2: memref<8x10240xf32, #tpu.memory_space<vmem>>) attributes {dimension_semantics = [], scalar_prefetch = 0 : i64, scratch_operands = 0 : i64, tpu.core_type = #tpu.core_type<tc>} {
    %get3A = arith.constant 0 : index
    %get3A_0 = arith.constant 0 : index
    %get3A_1 = vector.load %arg1[%get3A, %get3A_0] : memref<128x8xf32, #tpu.memory_space<vmem>>, vector<128x8xf32>
    %get3A_2 = arith.constant 0 : index
    %get3A_3 = arith.constant 0 : index
    %get3A_4 = vector.load %arg0[%get3A_2, %get3A_3] : memref<10240x128xf32, #tpu.memory_space<vmem>>, vector<10240x128xf32>
    %dot_general3A = arith.constant dense<0.000000e+00> : vector<8x10240xf32>
    %dot_general3A_5 = tpu.matmul %get3A_1, %get3A_4, %dot_general3A {dimension_numbers = #tpu.dot_dimension_numbers<[0], [1], [1], [0], [0, 1, 1, 0], [], []>, transpose_lhs_hint = false} : vector<128x8xf32>, vector<10240x128xf32>, vector<8x10240xf32> -> vector<8x10240xf32>
    %swap3A = arith.constant 0 : index
    %swap3A_6 = arith.constant 0 : index
    %swap3A_7 = vector.load %arg2[%swap3A, %swap3A_6] : memref<8x10240xf32, #tpu.memory_space<vmem>>, vector<8x10240xf32>
    tpu.vector_store %arg2[%swap3A, %swap3A_6], %dot_general3A_5 {strides = array<i32>} : memref<8x10240xf32, #tpu.memory_space<vmem>>, vector<8x10240xf32>,
    return
  }
}

module attributes {stable_mosaic.version = 14 : i64} {
  func.func @_tc_scale_body(%arg0: memref<8x10240xf32, #tpu.memory_space<vmem>>, %arg1: memref<2x10240xf32, #tpu.memory_space<vmem>>, %arg2: memref<8x10240xf32, #tpu.memory_space<vmem>>, %arg3: memref<1x10240xf32, #tpu.memory_space<vmem>>) attributes {dimension_semantics = [], scalar_prefetch = 0 : i64, scratch_operands = 0 : i64, tpu.core_type = #tpu.core_type<tc>} {
    %get3A = arith.constant 0 : index
    %get3A_0 = arith.constant 0 : index
    %get3A_1 = vector.load %arg1[%get3A, %get3A_0] : memref<2x10240xf32, #tpu.memory_space<vmem>>, vector<2x10240xf32>
    %slice3A = vector.extract_strided_slice %get3A_1 {offsets = [0, 0], sizes = [1, 10240], strides = [1, 1]} : vector<2x10240xf32> to vector<1x10240xf32>
    %slice3A_2 = vector.extract_strided_slice %get3A_1 {offsets = [1, 0], sizes = [1, 10240], strides = [1, 1]} : vector<2x10240xf32> to vector<1x10240xf32>
    %add3A = arith.addf %slice3A, %slice3A_2 : vector<1x10240xf32>
    %add3A_3 = arith.constant 1.000000e+00 : f32
    %add3A_4 = vector.broadcast %add3A_3 : f32 to vector<1x10240xf32>
    %add3A_5 = arith.addf %add3A, %add3A_4 : vector<1x10240xf32>
    %rsqrt3A = math.rsqrt %add3A_5 : vector<1x10240xf32>
    %get3A_6 = arith.constant 0 : index
    %get3A_7 = arith.constant 0 : index
    %get3A_8 = vector.load %arg0[%get3A_6, %get3A_7] : memref<8x10240xf32, #tpu.memory_space<vmem>>, vector<8x10240xf32>
    %mul3A = vector.broadcast %rsqrt3A : vector<1x10240xf32> to vector<8x10240xf32>
    %mul3A_9 = arith.mulf %mul3A, %get3A_8 : vector<8x10240xf32>
    %swap3A = arith.constant 0 : index
    %swap3A_10 = arith.constant 0 : index
    %swap3A_11 = vector.load %arg2[%swap3A, %swap3A_10] : memref<8x10240xf32, #tpu.memory_space<vmem>>, vector<8x10240xf32>
    tpu.vector_store %arg2[%swap3A, %swap3A_10], %mul3A_9 {strides = array<i32>} : memref<8x10240xf32, #tpu.memory_space<vmem>>, vector<8x10240xf32>,
    %swap3A_12 = arith.constant 0 : index
    %swap3A_13 = arith.constant 0 : index
    %swap3A_14 = vector.load %arg3[%swap3A_12, %swap3A_13] : memref<1x10240xf32, #tpu.memory_space<vmem>>, vector<1x10240xf32>
    tpu.vector_store %arg3[%swap3A_12, %swap3A_13], %rsqrt3A {strides = array<i32>} : memref<1x10240xf32, #tpu.memory_space<vmem>>, vector<1x10240xf32>,
    return
  }
}

module attributes {stable_mosaic.version = 14 : i64} {
  func.func @_tc_mid_body(%arg0: memref<2x8x10240xf32, #tpu.memory_space<vmem>>, %arg1: memref<1x10240xf32, #tpu.memory_space<vmem>>, %arg2: memref<8x1xf32, #tpu.memory_space<vmem>>, %arg3: memref<8x2xf32, #tpu.memory_space<vmem>>, %arg4: memref<2x10240xf32, #tpu.memory_space<vmem>>) attributes {dimension_semantics = [], scalar_prefetch = 0 : i64, scratch_operands = 0 : i64, tpu.core_type = #tpu.core_type<tc>} {
    %get3A = arith.constant 0 : index
    %get3A_0 = arith.constant 0 : index
    %get3A_1 = arith.constant 0 : index
    %get3A_2 = vector.load %arg0[%get3A, %get3A_0, %get3A_1] : memref<2x8x10240xf32, #tpu.memory_space<vmem>>, vector<2x8x10240xf32>
    %get3A_3 = arith.constant 0 : index
    %get3A_4 = arith.constant 0 : index
    %get3A_5 = vector.load %arg1[%get3A_3, %get3A_4] : memref<1x10240xf32, #tpu.memory_space<vmem>>, vector<1x10240xf32>
    %slice3A = vector.extract_strided_slice %get3A_2 {offsets = [0, 0, 0], sizes = [1, 8, 10240], strides = [1, 1, 1]} : vector<2x8x10240xf32> to vector<1x8x10240xf32>
    %squeeze3A = vector.shape_cast %slice3A : vector<1x8x10240xf32> to vector<8x10240xf32>
    %slice3A_6 = vector.extract_strided_slice %get3A_2 {offsets = [1, 0, 0], sizes = [1, 8, 10240], strides = [1, 1, 1]} : vector<2x8x10240xf32> to vector<1x8x10240xf32>
    %squeeze3A_7 = vector.shape_cast %slice3A_6 : vector<1x8x10240xf32> to vector<8x10240xf32>
    %add3A = arith.addf %squeeze3A, %squeeze3A_7 : vector<8x10240xf32>
    %mul3A = vector.broadcast %get3A_5 : vector<1x10240xf32> to vector<8x10240xf32>
    %mul3A_8 = arith.mulf %mul3A, %add3A : vector<8x10240xf32>
    %get3A_9 = arith.constant 0 : index
    %get3A_10 = arith.constant 0 : index
    %get3A_11 = vector.load %arg2[%get3A_9, %get3A_10] : memref<8x1xf32, #tpu.memory_space<vmem>>, vector<8x1xf32>
    %add3A_12 = vector.broadcast %get3A_11 : vector<8x1xf32> to vector<8x10240xf32>
    %add3A_13 = arith.addf %mul3A_8, %add3A_12 : vector<8x10240xf32>
    %tanh3A = math.tanh %add3A_13 : vector<8x10240xf32>
    %get3A_14 = arith.constant 0 : index
    %get3A_15 = arith.constant 0 : index
    %get3A_16 = vector.load %arg3[%get3A_14, %get3A_15] : memref<8x2xf32, #tpu.memory_space<vmem>>, vector<8x2xf32>
    %dot_general3A = arith.constant dense<0.000000e+00> : vector<2x10240xf32>
    %dot_general3A_17 = tpu.matmul %get3A_16, %tanh3A, %dot_general3A {dimension_numbers = #tpu.dot_dimension_numbers<[0], [0], [1], [1], [0, 1, 1, 1], [], []>, transpose_lhs_hint = false} : vector<8x2xf32>, vector<8x10240xf32>, vector<2x10240xf32> -> vector<2x10240xf32>
    %mul3A_18 = vector.broadcast %get3A_5 : vector<1x10240xf32> to vector<2x10240xf32>
    %mul3A_19 = arith.mulf %mul3A_18, %dot_general3A_17 : vector<2x10240xf32>
    %swap3A = arith.constant 0 : index
    %swap3A_20 = arith.constant 0 : index
    %swap3A_21 = vector.load %arg4[%swap3A, %swap3A_20] : memref<2x10240xf32, #tpu.memory_space<vmem>>, vector<2x10240xf32>
    tpu.vector_store %arg4[%swap3A, %swap3A_20], %mul3A_19 {strides = array<i32>} : memref<2x10240xf32, #tpu.memory_space<vmem>>, vector<2x10240xf32>,
    return
  }
}

module attributes {stable_mosaic.version = 14 : i64} {
  func.func @_tc_post_body(%arg0: memref<2x2x10240xf32, #tpu.memory_space<vmem>>, %arg1: memref<1x10240xf32, #tpu.memory_space<vmem>>, %arg2: memref<2x1xf32, #tpu.memory_space<vmem>>, %arg3: memref<2x1xf32, #tpu.memory_space<vmem>>, %arg4: memref<1x1xf32, #tpu.memory_space<vmem>>, %arg5: memref<1x10240xf32, #tpu.memory_space<vmem>>) attributes {dimension_semantics = [], scalar_prefetch = 0 : i64, scratch_operands = 0 : i64, tpu.core_type = #tpu.core_type<tc>} {
    %get3A = arith.constant 0 : index
    %get3A_0 = arith.constant 0 : index
    %get3A_1 = arith.constant 0 : index
    %get3A_2 = vector.load %arg0[%get3A, %get3A_0, %get3A_1] : memref<2x2x10240xf32, #tpu.memory_space<vmem>>, vector<2x2x10240xf32>
    %get3A_3 = arith.constant 0 : index
    %get3A_4 = arith.constant 0 : index
    %get3A_5 = vector.load %arg1[%get3A_3, %get3A_4] : memref<1x10240xf32, #tpu.memory_space<vmem>>, vector<1x10240xf32>
    %slice3A = vector.extract_strided_slice %get3A_2 {offsets = [0, 0, 0], sizes = [1, 2, 10240], strides = [1, 1, 1]} : vector<2x2x10240xf32> to vector<1x2x10240xf32>
    %squeeze3A = vector.shape_cast %slice3A : vector<1x2x10240xf32> to vector<2x10240xf32>
    %slice3A_6 = vector.extract_strided_slice %get3A_2 {offsets = [1, 0, 0], sizes = [1, 2, 10240], strides = [1, 1, 1]} : vector<2x2x10240xf32> to vector<1x2x10240xf32>
    %squeeze3A_7 = vector.shape_cast %slice3A_6 : vector<1x2x10240xf32> to vector<2x10240xf32>
    %add3A = arith.addf %squeeze3A, %squeeze3A_7 : vector<2x10240xf32>
    %mul3A = vector.broadcast %get3A_5 : vector<1x10240xf32> to vector<2x10240xf32>
    %mul3A_8 = arith.mulf %mul3A, %add3A : vector<2x10240xf32>
    %get3A_9 = arith.constant 0 : index
    %get3A_10 = arith.constant 0 : index
    %get3A_11 = vector.load %arg2[%get3A_9, %get3A_10] : memref<2x1xf32, #tpu.memory_space<vmem>>, vector<2x1xf32>
    %add3A_12 = vector.broadcast %get3A_11 : vector<2x1xf32> to vector<2x10240xf32>
    %add3A_13 = arith.addf %mul3A_8, %add3A_12 : vector<2x10240xf32>
    %tanh3A = math.tanh %add3A_13 : vector<2x10240xf32>
    %get3A_14 = arith.constant 0 : index
    %get3A_15 = arith.constant 0 : index
    %get3A_16 = vector.load %arg3[%get3A_14, %get3A_15] : memref<2x1xf32, #tpu.memory_space<vmem>>, vector<2x1xf32>
    %dot_general3A = arith.constant dense<0.000000e+00> : vector<1x10240xf32>
    %dot_general3A_17 = tpu.matmul %get3A_16, %tanh3A, %dot_general3A {dimension_numbers = #tpu.dot_dimension_numbers<[0], [0], [1], [1], [0, 1, 1, 1], [], []>, transpose_lhs_hint = false} : vector<2x1xf32>, vector<2x10240xf32>, vector<1x10240xf32> -> vector<1x10240xf32>
    %get3A_18 = arith.constant 0 : index
    %get3A_19 = arith.constant 0 : index
    %get3A_20 = vector.load %arg4[%get3A_18, %get3A_19] : memref<1x1xf32, #tpu.memory_space<vmem>>, vector<1x1xf32>
    %add3A_21 = vector.broadcast %get3A_20 : vector<1x1xf32> to vector<1x10240xf32>
    %add3A_22 = arith.addf %dot_general3A_17, %add3A_21 : vector<1x10240xf32>
    %logistic3A = arith.negf %add3A_22 : vector<1x10240xf32>
    %logistic3A_23 = math.exp %logistic3A : vector<1x10240xf32>
    %logistic3A_24 = arith.constant 1.000000e+00 : f32
    %logistic3A_25 = vector.broadcast %logistic3A_24 : f32 to vector<1x10240xf32>
    %logistic3A_26 = arith.addf %logistic3A_25, %logistic3A_23 : vector<1x10240xf32>
    %logistic3A_27 = arith.divf %logistic3A_25, %logistic3A_26 : vector<1x10240xf32>
    %swap3A = arith.constant 0 : index
    %swap3A_28 = arith.constant 0 : index
    %swap3A_29 = vector.load %arg5[%swap3A, %swap3A_28] : memref<1x10240xf32, #tpu.memory_space<vmem>>, vector<1x10240xf32>
    tpu.vector_store %arg5[%swap3A, %swap3A_28], %logistic3A_27 {strides = array<i32>} : memref<1x10240xf32, #tpu.memory_space<vmem>>, vector<1x10240xf32>,
    return
  }
}

</mosaic_0001>

<sc_bundles>
// kernel: kernel.12.cloned.1.call-start
scs
__scs_entry_jumppad:
0x0: {  	(pc) =	sbr.rel $0x88, $3  }
0x1: {  	(tag) =	ssettag $0x0;
	lr =	simm.s32 $0x1  }
0x2: {  	[smem:$0x3F99] =	sst lr;
	_ =	strace $0xD0000000  }
0x3: {  	_ = 	snop  }
0x4: {  	_ = 	snop  }
0x5: {  	_ = 	snop  }
0x6: {  	_ = 	snop  }
0x7: {  	_ = 	snop  }
__scs_overlays_trampoline_lowered:
0x8: {  	[smem:$0x3FA8] =	sst s0  }
0x9: {  	[smem:$0x3FA9] =	sst s1  }
0xa: {  	[smem:$0x3FAA] =	sst s2  }
0xb: {  	[smem:$0x3FAB] =	sst s3  }
0xc: {  	[smem:$0x3FAC] =	sst s4  }
0xd: {  	[smem:$0x3FAD] =	sst s5  }
0xe: {  	[smem:$0x3FAE] =	sst s6  }
0xf: {  	[smem:$0x3FAF] =	sst s7  }
0x10: {  	[smem:$0x3FB0] =	sst s8  }
0x11: {  	[smem:$0x3FB1] =	sst s9;
	s0 =	simm.s32 @!p0 $0x0  }
0x12: {  	s1 =	sld [smem:$0x3F97];
	s0 =	simm.s32 @p0 $0x1  }
0x13: {  	[smem:$0x3FB2] =	sst s0;
	s0 =	simm.s32 @!p1 $0x0  }
0x14: {  	s2 =	sld [smem:$0x3F96];
	s0 =	simm.s32 @p1 $0x1  }
0x15: {  	[smem:$0x3FB3] =	sst s0;
	s0 =	simm.s32 @!p2 $0x0  }
0x16: {  	s3 =	sld [smem:$0x3FDB];
	s0 =	simm.s32 @p2 $0x1  }
0x17: {  	s4 =	simm.s32 $0x1BF5;
	[smem:$0x3FB5] =	sst s0  }
0x18: {  	s0 =	sld [smem:$0x3F98];
	_ =	swait.ge [sflag:s4], $0x0  }
0x19: {  	s7 =	sld [smem:$0x3F99]  }
0x1a: {  	s8 =	sadd.s32 $0xFFFFE003, lr  }
0x1b: {  	s9 =	sadd.s32 $0xFFFFFEF7, lr;
	s5 =	simm.s32 $0xFFFFFFFF;
	p2 =	slt.u32 s8, $0xFFFFF086  }
0x1c: {  	p1 =	slt.u32 s9, $0xF7A;
	s5 =	simm.s32 @!p2 $0x0  }
0x1d: {  	s5 =	simm.s32 @p1 $0x1;
	p0 =	seq.s32 s7, s2  }
0x1e: {  	s7 =	smul.u32 @!p0 $0xF7A, s2;
	p2 =	seq.s32 @!p0 s5, $0x0  }
0x1f: {  	s9 =	smul.u32 $0xF7A, s1;
	s8 =	simm.s32 @!p0 $0x1BF5;
	p2 =	por !p2, p0  }
0x20: {  	[sflag:s8] =	ssyncset.s32 @!p0 $0xFFFFF086;
	s6 =	sadd.s32 @!p0 s3, s7;
	s7 =	simm.s32 @!p0 $0x108  }
0x21: {  	s3 =	sadd.s32 s3, s9;
	s6 =	sadd.s32 @!p0 $0x88, s6;
	s7 =	simm.s32 @p2 $0x1082  }
0x22: {  	[simem:s7], [sflag:s8] =	dma.local @!p0 [hbm:s6], $0xF7A  }
0x23: {  	s9 =	sor.u32 $0xD0000000, s2;
	s6 =	simm.s32 $0x108;
	_ =	swait.ge @!p0 [sflag:s8], $0x0  }
0x24: {  	s3 =	sadd.s32 $0x88, s3;
	s6 =	simm.s32 @!p1 $0x1082;
	[sflag:s4] =	ssyncset.s32 $0xFFFFF086  }
0x25: {  	[simem:s6], [sflag:s4] =	dma.local [hbm:s3], $0xF7A  }
0x26: {  	[smem:$0x3F99] =	sst s1;
	(tag) =	ssettag s2;
	_ =	strace s9  }
0x27: {  	s1 =	sld [smem:$0x3FA9]  }
0x28: {  	s2 =	sld [smem:$0x3FAA]  }
0x29: {  	s4 =	sld [smem:$0x3FAC]  }
0x2a: {  	p0 =	seq.s32 s5, $0x0;
	s5 =	sld [smem:$0x3FAD]  }
0x2b: {  	s6 =	sld [smem:$0x3FAE]  }
0x2c: {  	s7 =	sld [smem:$0x3FAF]  }
0x2d: {  	s3 =	simm.s32 $0x108;
	s8 =	sld [smem:$0x3FB0]  }
0x2e: {  	s3 =	simm.s32 @!p0 $0x1082;
	s9 =	sld [smem:$0x3FB1]  }
0x2f: {  	lr =	sadd.s32 s0, s3;
	s0 =	sld [smem:$0x3FA8]  }
0x30: {  	s3 =	sld [smem:$0x3FAB]  }
0x31: {  	[smem:$0x3FB4] =	sst s10  }
0x32: {  	s10 =	sld [smem:$0x3FB2];
	_ =	sdelay $0x3  }
0x33: {  	p0 =	seq.s32 s10, $0x1;
	s10 =	sld [smem:$0x3FB4];
	_ =	sdelay $0x3  }
0x34: {  	[smem:$0x3FB4] =	sst s10  }
0x35: {  	s10 =	sld [smem:$0x3FB3];
	_ =	sdelay $0x3  }
0x36: {  	p1 =	seq.s32 s10, $0x1;
	s10 =	sld [smem:$0x3FB4];
	_ =	sdelay $0x3  }
0x37: {  	[smem:$0x3FB4] =	sst s10  }
0x38: {  	s10 =	sld [smem:$0x3FB5]  }
0x39: {  	_ = 	snop;
	(pc) =	sbr.ind lr, $3  }
0x3a: {  	_ = 	snop  }
0x3b: {  	_ = 	snop  }
0x3c: {  	p2 =	seq.s32 s10, $0x1;
	s10 =	sld [smem:$0x3FB4]  }
0x3d: {  	_ =	shalt  }
0x3e: {  	_ =	shalt  }
0x3f: {  	_ =	shalt  }
0x40: {  	_ =	shalt  }
0x41: {  	_ =	shalt  }
0x42: {  	_ =	shalt  }
0x43: {  	_ =	shalt  }
0x44: {  	_ =	shalt  }
0x45: {  	_ =	shalt  }
0x46: {  	_ =	shalt  }
0x47: {  	_ =	shalt  }
0x48: {  	_ =	shalt  }
0x49: {  	_ =	shalt  }
0x4a: {  	_ =	shalt  }
0x4b: {  	_ =	shalt  }
0x4c: {  	_ =	shalt  }
0x4d: {  	_ =	shalt  }
0x4e: {  	_ =	shalt  }
0x4f: {  	_ =	shalt  }
0x50: {  	_ =	shalt  }
0x51: {  	_ =	shalt  }
0x52: {  	_ =	shalt  }
0x53: {  	_ =	shalt  }
0x54: {  	_ =	shalt  }
0x55: {  	_ =	shalt  }
0x56: {  	_ =	shalt  }
0x57: {  	_ =	shalt  }
0x58: {  	_ =	shalt  }
0x59: {  	_ =	shalt  }
0x5a: {  	_ =	shalt  }
0x5b: {  	_ =	shalt  }
0x5c: {  	_ =	shalt  }
0x5d: {  	_ =	shalt  }
0x5e: {  	_ =	shalt  }
0x5f: {  	_ =	shalt  }
0x60: {  	_ =	shalt  }
0x61: {  	_ =	shalt  }
0x62: {  	_ =	shalt  }
0x63: {  	_ =	shalt  }
0x64: {  	_ =	shalt  }
0x65: {  	_ =	shalt  }
0x66: {  	_ =	shalt  }
0x67: {  	_ =	shalt  }
0x68: {  	_ =	shalt  }
0x69: {  	_ =	shalt  }
0x6a: {  	_ =	shalt  }
0x6b: {  	_ =	shalt  }
0x6c: {  	_ =	shalt  }
0x6d: {  	_ =	shalt  }
0x6e: {  	_ =	shalt  }
0x6f: {  	_ =	shalt  }
0x70: {  	_ =	shalt  }
0x71: {  	_ =	shalt  }
0x72: {  	_ =	shalt  }
0x73: {  	_ =	shalt  }
0x74: {  	_ =	shalt  }
0x75: {  	_ =	shalt  }
0x76: {  	_ =	shalt  }
0x77: {  	_ =	shalt  }
0x78: {  	_ =	shalt  }
0x79: {  	_ =	shalt  }
0x7a: {  	_ =	shalt  }
0x7b: {  	_ =	shalt  }
0x7c: {  	_ =	shalt  }
0x7d: {  	_ =	shalt  }
0x7e: {  	_ =	shalt  }
0x7f: {  	_ =	shalt  }
0x80: {  	_ =	shalt  }
0x81: {  	_ =	shalt  }
0x82: {  	_ =	shalt  }
0x83: {  	_ =	shalt  }
0x84: {  	_ =	shalt  }
0x85: {  	_ =	shalt  }
0x86: {  	_ =	shalt  }
0x87: {  	_ =	shalt  }
.Lfunc_end0:
.L_simem_size_0:
called_computation.1_lowered:
.L_overlay_start_0:
0x88: {  	s2 =	sld [smem:$0x3FD9]  }
0x89: {  	s3 =	sld [smem:$0x3FFE];
	_ =	sdelay $0x1  }
0x8a: {  	s1 =	srdreg.scid  }
0x8b: {  	s0 =	sand.u32 $0x1, s1  }
0x8c: {  	s11 =	sshll.u32 s0, $0xA;
	s2 =	sadd.s32 s3, s2  }
0x8d: {  	s2 =	sadd.s32 s2, s11  }
0x8e: {  	[smem:$0x3FC0] =	sst s2  }
0x8f: {  	_ = 	snop  }
0x90: {  	(tm) =	ssettm $0x1  }
0x91: {  	s12 =	sld [smem:$0x3FFB];
	_ =	sdelay $0x3  }
0x92: {  	_ =	strace s12  }
0x93: {  	s2 =	sld [smem:$0x3FFC];
	_ =	sdelay $0x3  }
0x94: {  	_ =	strace s2  }
0x95: {  	s2 =	sld [smem:$0x3FFD];
	_ =	sdelay $0x3  }
0x96: {  	_ =	strace s2  }
0x97: {  	_ =	strace $0x8FFFFFFF  }
0x98: {  	s13 =	sld [smem:$0x3FDB];
	_ =	sdelay $0x1  }
0x99: {  	s14 =	simm.s32 $_scs_section_size  }
0x9a: {  	s4 =	simm.s32 $_size__tile_task_arg_handler_lowered;
	s5 =	simm.s32 $_tile_task_arg_handler_lowered  }
0x9b: {  	s17 =	simm.s32 $0x1BFF;
	s16 =	sshll.u32 s5, $0x1;
	s3 =	sadd.s32 s14, s13  }
0x9c: {  	s6 =	simm.s32 $0x60;
	s15 =	sshll.u32 s4, $0x1;
	s4 =	sadd.s32 s16, s3  }
0x9d: {  	[timem:s6], [sflag:s17] =	dma.local [hbm:s4], s15  }
0x9e: {  	_ =	swait.ge [sflag:s17], s15  }
0x9f: {  	s18 =	simm.s32 $_tile_overlayer_lowered;
	s2 =	ssub.s32 $0x0, s15;
	[sflag:s17] =	ssyncset.done $0x0  }
0xa0: {  	s19 =	simm.s32 $_size__tile_overlayer_lowered;
	s4 =	sshll.u32 s18, $0x1;
	[sflag:s17] =	ssyncadd.s32 s2  }
0xa1: {  	s21 =	simm.s32 $0x0;
	s20 =	sshll.u32 s19, $0x1;
	s4 =	sadd.s32 s4, s3  }
0xa2: {  	[timem:s21], [sflag:s17] =	dma.local [hbm:s4], s20  }
0xa3: {  	_ =	swait.ge [sflag:s17], s20  }
0xa4: {  	s22 =	ssub.s32 $0x0, s20;
	[sflag:s17] =	ssyncset.done $0x0  }
0xa5: {  	[sflag:s17] =	ssyncadd.s32 s22;
	_ =	sdelay $0x1  }
0xa6: {  	s23 =	simm.s32 $0x1B8B  }
0xa7: {  	_ =	swait.ge [sflag:s23], $0x1  }
0xa8: {  	[sflag:s23] =	ssyncset.done $0x0  }
0xa9: {  	s25 =	simm.s32 $0x1B8E;
	s24 =	sld [smem:$0x3FFE];
	[sflag:s23] =	ssyncadd.s32 $0xFFFFFFFF  }
0xaa: {  	s26 =	simm.s32 $execute0_lowered;
	[smem:$0x3FD2] =	sst s25  }
0xab: {  	s5 =	sshll.u32 s26, $0x1;
	_ =	strace $0x80000049;
	[dreg:$0x1] =	wrdreg $0xFFFFFFFF  }
0xac: {  	s28 =	simm.s32 $_size_execute0_lowered;
	s3 =	sadd.s32 s3, s5;
	[dreg:$0x0] =	wrdreg $0x0  }
0xad: {  	s5 =	sshll.u32 s28, $0x1;
	[dreg:$0x2] =	wrdreg s3  }
0xae: {  	[dreg:$0x3] =	wrdreg s5  }
0xaf: {  	[dreg:$0x4] =	wrdreg $0xC0  }
0xb0: {  	_ =	task [dreg:s21], $0x5FFFF  }
0xb1: {  	[dreg:$0x1] =	wrdreg $0xFFFFFFFF  }
0xb2: {  	[dreg:$0x0] =	wrdreg $0x30  }
0xb3: {  	[dreg:$0x2] =	wrdreg $0x0  }
0xb4: {  	[dreg:$0x3] =	wrdreg $0x77000  }
0xb5: {  	[dreg:$0x4] =	wrdreg $0x65800  }
0xb6: {  	[dreg:$0x5] =	wrdreg $0x79800  }
0xb7: {  	[dreg:$0x6] =	wrdreg $0x9  }
0xb8: {  	_ =	task [dreg:s21], $0x7FFFF  }
0xb9: {  	[dreg:$0x1] =	wrdreg $0xFFFFFFFF  }
0xba: {  	[dreg:$0x0] =	wrdreg $0x60  }
0xbb: {  	[dreg:$0x2] =	wrdreg s24  }
0xbc: {  	[dreg:$0x3] =	wrdreg $0x54000  }
0xbd: {  	[dreg:$0x4] =	wrdreg $0x68000  }
0xbe: {  	[dreg:$0x5] =	wrdreg $0x56800  }
0xbf: {  	[dreg:$0x6] =	wrdreg $0x6A800  }
0xc0: {  	[dreg:$0x7] =	wrdreg $0x59000  }
0xc1: {  	[dreg:$0x8] =	wrdreg $0x6D000  }
0xc2: {  	[dreg:$0x9] =	wrdreg $0x5B800  }
0xc3: {  	[dreg:$0xa] =	wrdreg $0x6F800  }
0xc4: {  	[dreg:$0xb] =	wrdreg $0x5E000  }
0xc5: {  	[dreg:$0xc] =	wrdreg $0x72000  }
0xc6: {  	[dreg:$0xd] =	wrdreg $0x60800  }
0xc7: {  	[dreg:$0xe] =	wrdreg $0x74800  }
0xc8: {  	[dreg:$0xf] =	wrdreg $0x63000  }
0xc9: {  	_ =	task.clear_ibuf [dreg:s21], $0x10FFFF;
	_ =	strace $0x90000049  }
0xca: {  	s29 =	simm.s32 $0x9;
	_ =	strace $0x8000004B  }
0xcb: {  	_ =	swait.ge [sflag:s29], $0x1  }
0xcc: {  	[sflag:s29] =	ssyncadd.s32 $0xFFFFFFFF  }
0xcd: {  	_ =	strace $0x9000004B  }
0xce: {  	_ =	sfence  }
0xcf: {  	s30 =	sld [smem:$0x0];
	_ =	sdelay $0x2  }
0xd0: {  	s31 =	sshll.u32 s1, $0xD;
	s1 =	sshrl.u32 s1, $0x2  }
0xd1: {  	s4 =	sand.u32 $0x4000, s31;
	s1 =	sadd.s32 s1, s30  }
0xd2: {  	s0 =	sor.u32 s4, s0;
	s1 =	sshll.u32 s1, $0x11  }
0xd3: {  	s0 =	sor.u32 s1, s0  }
0xd4: {  	s0 =	sadd.s32 $0x8F2B, s0  }
0xd5: {  	[sflag:s0] =	ssyncadd.remote.s32 $0x1  }
0xd6: {  	_ =	sfence.sel $0xFFFF  }
0xd7: {  	[dreg:$0x0] =	wrdreg $0xFFFFFFFF;
	(pc) =	sbr.abs _section_cstart, $3  }
0xd8: {  	[dreg:$0x1] =	wrdreg $0xFFFFFFFF  }
0xd9: {  	_ =	task.clear_ibuf [dreg:s21], $0x2FFFF;
	_ =	strace $0x9FFFFFFF  }
0xda: {  	(tm) =	ssettm $0x7FFFFFFF  }
0xdb: {  	_ =	shalt  }
tec
_tile_task_arg_handler_lowered:
.L_overlay_start_1:
0x0: {  	(tag) =	ssettag $0x1  }
0x1: {  	s0 =	rddreg [dreg:$0x0]  }
0x2: {  	s1 =	rddreg [dreg:$0x1]  }
0x3: {  	s2 =	rddreg [dreg:$0x2]  }
0x4: {  	s3 =	rddreg [dreg:$0x3]  }
0x5: {  	s4 =	rddreg [dreg:$0x4]  }
0x6: {  	s5 =	rddreg [dreg:$0x5]  }
0x7: {  	s6 =	rddreg [dreg:$0x6]  }
0x8: {  	s7 =	rddreg [dreg:$0x7]  }
0x9: {  	s8 =	rddreg [dreg:$0x8]  }
0xa: {  	s9 =	rddreg [dreg:$0x9]  }
0xb: {  	s10 =	rddreg [dreg:$0xa]  }
0xc: {  	s11 =	rddreg [dreg:$0xb]  }
0xd: {  	s12 =	rddreg [dreg:$0xc]  }
0xe: {  	s13 =	rddreg [dreg:$0xd]  }
0xf: {  	[smem:s0] =	sst s1  }
0x10: {  	[smem:s0+$0x1] =	sst s2  }
0x11: {  	[smem:s0+$0x2] =	sst s3  }
0x12: {  	[smem:s0+$0x3] =	sst s4  }
0x13: {  	[smem:s0+$0x4] =	sst s5  }
0x14: {  	[smem:s0+$0x5] =	sst s6  }
0x15: {  	[smem:s0+$0x6] =	sst s7  }
0x16: {  	[smem:s0+$0x7] =	sst s8  }
0x17: {  	[smem:s0+$0x8] =	sst s9  }
0x18: {  	[smem:s0+$0x9] =	sst s10  }
0x19: {  	[smem:s0+$0xA] =	sst s11  }
0x1a: {  	[smem:s0+$0xB] =	sst s12  }
0x1b: {  	[smem:s0+$0xC] =	sst s13;
	_ =	shalt  }
.Lfunc_end2:
execute0_lowered:
.L_overlay_start_2:
0x1c: {  	(tag) =	ssettag $0x2  }
0x1d: {  	s13 =	rddreg [dreg:$0x0]  }
0x1e: {  	s0 =	rddreg [dreg:$0x1]  }
0x1f: {  	s1 =	rddreg [dreg:$0x2]  }
0x20: {  	s2 =	rddreg [dreg:$0x3]  }
0x21: {  	s3 =	rddreg [dreg:$0x4]  }
0x22: {  	s4 =	rddreg [dreg:$0x5]  }
0x23: {  	s5 =	rddreg [dreg:$0x6]  }
0x24: {  	s6 =	rddreg [dreg:$0x7]  }
0x25: {  	s7 =	rddreg [dreg:$0x8]  }
0x26: {  	s8 =	rddreg [dreg:$0x9]  }
0x27: {  	s9 =	rddreg [dreg:$0xa]  }
0x28: {  	s10 =	rddreg [dreg:$0xb]  }
0x29: {  	s11 =	rddreg [dreg:$0xc]  }
0x2a: {  	s12 =	rddreg [dreg:$0xd];
	s15 =	simm.s32 $0x0  }
0x2b: {  	s14 =	srdreg.scid;
	[smem:$0x7FF] =	sst s15  }
0x2c: {  	s15 =	sand.u32 $0x1, s14;
	s14 =	sld [smem:$0x0]  }
0x2d: {  	s19 =	sld [smem:$0x3]  }
0x2e: {  	s17 =	sld [smem:$0x1]  }
0x2f: {  	s18 =	sld [smem:$0x2]  }
0x30: {  	s21 =	sadd.s32 $0x19A00, s13;
	[dreg:$0xe] =	wrdreg s19  }
0x31: {  	s28 =	sadd.s32 $0x19400, s13;
	_ =	strace $0x8000004A;
	[dreg:$0xf] =	wrdreg s21  }
0x32: {  	s23 =	sadd.s32 $0x18E00, s13;
	[dreg:$0x10] =	wrdreg s28  }
0x33: {  	s24 =	sadd.s32 $0x18800, s13;
	s26 =	ssub.s32 $0x2, s15;
	[dreg:$0x11] =	wrdreg s23  }
0x34: {  	s25 =	sadd.s32 $0x18200, s13;
	s20 =	sshrl.u32 s26, $0x1;
	[dreg:$0x12] =	wrdreg s24  }
0x35: {  	s19 =	ssub.s32 s26, s20;
	s26 =	sadd.s32 $0x17C00, s13;
	[dreg:$0x13] =	wrdreg s25  }
0x36: {  	[dreg:$0x14] =	wrdreg s26;
	s28 =	sadd.s32 $0x17600, s13  }
0x37: {  	s21 =	sadd.s32 $0xCC00, s13;
	[dreg:$0x15] =	wrdreg s28  }
0x38: {  	s23 =	sadd.s32 $0x1A000, s13;
	[dreg:$0x16] =	wrdreg s21  }
0x39: {  	s22 =	stileid.u32;
	s24 =	sadd.s32 $0x1A600, s13;
	[dreg:$0x18] =	wrdreg s23  }
0x3a: {  	s30 =	simm.s32 $0x5000;
	s25 =	sadd.s32 $0x1AC00, s13;
	[dreg:$0x19] =	wrdreg s24  }
0x3b: {  	s16 =	sshll.u32 s15, $0x4;
	s26 =	sadd.s32 $0x1B200, s13;
	[dreg:$0x1a] =	wrdreg s25  }
0x3c: {  	s16 =	sor.u32 s22, s16;
	[dreg:$0x1b] =	wrdreg s26;
	s21 =	sadd.s32 $0x1B800, s13  }
0x3d: {  	s16 =	smul.u32 $0x500, s16;
	s23 =	sadd.s32 $0x1BE00, s13;
	[dreg:$0x1c] =	wrdreg s21  }
0x3e: {  	p0 =	seq.s32 s22, $0x8;
	s24 =	sadd.s32 $0x1C400, s13;
	[dreg:$0x1d] =	wrdreg s23  }
0x3f: {  	s16 =	sadd.s32 s16, s13;
	s25 =	sadd.s32 $0x1CA00, s13;
	[dreg:$0x1e] =	wrdreg s24  }
0x40: {  	s28 =	sadd.s32 $0xC600, s13;
	s26 =	sadd.s32 $0x1D000, s13;
	[dreg:$0x1f] =	wrdreg s25  }
0x41: {  	[smem:$0x7E0] =	sst s26;
	s21 =	sadd.s32 $0x1D600, s13;
	s23 =	sadd.s32 $0x1DC00, s13  }
0x42: {  	s24 =	sadd.s32 $0x1E200, s13;
	s25 =	sadd.s32 $0x1E800, s13;
	s26 =	sadd.s32 $0x1EE00, s13  }
0x43: {  	[smem:$0x7E1] =	sst s21;
	s21 =	sadd.s32 $0x1F400, s13;
	s13 =	sadd.s32 $0x1FA00, s13  }
0x44: {  	s29 =	simm.s32 $0x5300;
	[smem:$0x7E7] =	sst s13;
	s13 =	simm.s32 @!p0 $0x0  }
0x45: {  	p4 =	seq.s32 s22, $0x0;
	p1 =	seq.s32 s15, $0x0;
	s13 =	simm.s32 @p0 $0x1  }
0x46: {  	p3 =	seq.s32 s15, $0x1;
	[smem:$0x7E8] =	sst s13;
	s13 =	simm.s32 @!p1 $0x0  }
0x47: {  	p0 =	por !p0, !p1;
	s13 =	simm.s32 @p1 $0x1;
	p1 =	por !p4, !p3  }
0x48: {  	p6 =	seq.s32 s22, $0x1;
	p2 =	por !p0, !p0;
	p1 =	por !p1, !p1  }
0x49: {  	p0 =	por !p6, !p3;
	[smem:$0x7E9] =	sst s13;
	s13 =	simm.s32 @!p1 $0x0  }
0x4a: {  	p5 =	seq.s32 s22, $0x2;
	p0 =	por !p0, !p0;
	s13 =	simm.s32 @p1 $0x1  }
0x4b: {  	p5 =	por !p5, !p3;
	[smem:$0x7ED] =	sst s13;
	s13 =	simm.s32 @!p0 $0x0  }
0x4c: {  	p4 =	seq.s32 s22, $0x3;
	p1 =	por !p5, !p5;
	s13 =	simm.s32 @p0 $0x1  }
0x4d: {  	p0 =	por !p4, !p3;
	[smem:$0x7EE] =	sst s13;
	s13 =	simm.s32 @!p1 $0x0  }
0x4e: {  	p6 =	seq.s32 s22, $0x4;
	p0 =	por !p0, !p0;
	s13 =	simm.s32 @p1 $0x1  }
0x4f: {  	p4 =	por !p6, !p3;
	[smem:$0x7EF] =	sst s13;
	s13 =	simm.s32 @!p0 $0x0  }
0x50: {  	[dreg:$0x17] =	wrdreg s28;
	s13 =	simm.s32 @p0 $0x1;
	p0 =	por !p4, !p4  }
0x51: {  	p5 =	seq.s32 s22, $0x5;
	[smem:$0x7F0] =	sst s13;
	s13 =	simm.s32 @!p0 $0x0  }
0x52: {  	[smem:$0x7E2] =	sst s23;
	s13 =	simm.s32 @p0 $0x1;
	p0 =	por !p5, !p3  }
0x53: {  	[smem:$0x7E3] =	sst s24;
	p6 =	seq.s32 s22, $0x6;
	p0 =	por !p0, !p0  }
0x54: {  	p1 =	por !p6, !p3;
	[smem:$0x7F1] =	sst s13;
	s13 =	simm.s32 @!p0 $0x0  }
0x55: {  	p4 =	seq.s32 s22, $0x7;
	s13 =	simm.s32 @p0 $0x1;
	p0 =	por !p1, !p1  }
0x56: {  	p6 =	por !p4, !p3;
	[smem:$0x7F2] =	sst s13;
	s13 =	simm.s32 @!p0 $0x0  }
0x57: {  	[smem:$0x7E4] =	sst s25;
	s13 =	simm.s32 @p0 $0x1;
	p0 =	por !p6, !p6  }
0x58: {  	s31 =	simm.s32 $0x5380;
	[smem:$0x7F3] =	sst s13;
	s13 =	simm.s32 @!p0 $0x0  }
0x59: {  	[smem:$0x7E5] =	sst s26;
	s13 =	simm.s32 @p0 $0x1;
	p0 =	seq.s32 s22, $0x9  }
0x5a: {  	s20 =	simm.s32 $0x0;
	[smem:$0x7F4] =	sst s13;
	s13 =	simm.s32 @!p0 $0x0  }
0x5b: {  	s23 =	sadd.s32 $0xD600, s16;
	s13 =	simm.s32 @p0 $0x1;
	p0 =	seq.s32 s22, $0xA  }
0x5c: {  	s24 =	sadd.s32 $0x2600, s16;
	[smem:$0x7F6] =	sst s13;
	s13 =	simm.s32 @!p0 $0x0  }
0x5d: {  	[smem:$0x7E6] =	sst s21;
	s13 =	simm.s32 @p0 $0x1;
	p0 =	seq.s32 s22, $0xB  }
0x5e: {  	s25 =	sor.u32 s22, s15;
	[smem:$0x7F7] =	sst s13;
	s13 =	simm.s32 @!p0 $0x0  }
0x5f: {  	[smem:$0x7EA] =	sst s23;
	s13 =	simm.s32 @p0 $0x1;
	p0 =	seq.s32 s22, $0xC  }
0x60: {  	s26 =	smax.u32 s19, $0x1;
	[smem:$0x7F8] =	sst s13;
	s13 =	simm.s32 @!p0 $0x0  }
0x61: {  	[smem:$0x7EB] =	sst s24;
	s13 =	simm.s32 @p0 $0x1;
	p0 =	seq.s32 s22, $0xD  }
0x62: {  	s19 =	simm.s32 $0x5280;
	[smem:$0x7F9] =	sst s13;
	s13 =	simm.s32 @!p0 $0x0  }
0x63: {  	[smem:$0x7EC] =	sst s25;
	s13 =	simm.s32 @p0 $0x1;
	p0 =	seq.s32 s22, $0xE  }
0x64: {  	s16 =	simm.s32 $0x1;
	[smem:$0x7FA] =	sst s13;
	s13 =	simm.s32 @!p0 $0x0  }
0x65: {  	[smem:$0x7F5] =	sst s26;
	s13 =	simm.s32 @p0 $0x1;
	p0 =	seq.s32 s22, $0xF  }
0x66: {  	s24 =	simm.s32 $0x2;
	[smem:$0x7FB] =	sst s13;
	s13 =	simm.s32 @!p0 $0x0  }
0x67: {  	s25 =	simm.s32 $0x80;
	s13 =	simm.s32 @p0 $0x1;
	p0 =	sne.s32 s22, $0x0  }
0x68: {  	s23 =	simm.s32 $0x5080;
	[smem:$0x7FC] =	sst s13;
	s13 =	simm.s32 @!p0 $0x0  }
0x69: {  	s21 =	simm.s32 $0x5100;
	s26 =	simm.s32 $0x5180;
	s13 =	simm.s32 @p0 $0x1  }
0x6a: {  	p6 =	sne.s32 s22, $0x2;
	[smem:$0x7FD] =	sst s13;
	s13 =	simm.s32 $0x5200  }
.LBB3_1:
0x6b: {  	s28 =	sld [smem:$0x7EA];
	_ =	sdelay $0x1  }
0x6c: {  	[smem:$0x7DF] =	sst s20;
	s15 =	simm.s32 $0x0  }
0x6d: {  	[tilespmem:s15], [sflag:$0x2] =	stream.linear.gather [hbm4b:s28+s15], $0x2780, $0x38;
	[tilespmem:$0x7C00] =	vst v63  }
0x6e: {  	_ =	swait.ge [sflag:s24], $0x2780  }
0x6f: {  	s20 =	sld [smem:$0x7EB]  }
0x70: {  	[sflag:s24] =	ssyncset.done $0x0  }
0x71: {  	s28 =	simm.s32 $0x2800;
	[sflag:s24] =	ssyncadd.s32 $0xFFFFD880  }
0x72: {  	[tilespmem:s28], [sflag:$0x2] =	stream.linear.gather [hbm4b:s20+s15], $0x2780, $0x38;
	[tilespmem:$0x7C00] =	vst v63  }
0x73: {  	_ =	swait.ge [sflag:s24], $0x2780  }
0x74: {  	s28 =	sld [smem:$0x7FD];
	_ =	sdelay $0x2  }
0x75: {  	p0 =	seq.s32 s28, $0x1  }
.Ltmp0:
0x76: {  	_ = 	snop;
	(pc) =	sbr.rel @!p0 .LBB3_2-.Ltmp0, $3  }
0x77: {  	_ =	sdelay $0x1  }
0x78: {  	[sflag:s24] =	ssyncset.done $0x0  }
0x79: {  	[sflag:s24] =	ssyncadd.s32 $0xFFFFD880  }
0x7a: {  	s15 =	sshrl.u32 @p2 s1, $0x3;
	s20 =	simm.s32 @p2 $0x1E02;
	s28 =	rddreg [dreg:$0xf]  }
0x7b: {  	[spmem:s15], [sflag:s20] =	dma.local @p2 [hbm:s28], $0x500  }
0x7c: {  	s15 =	sld [smem:$0x7E8];
	_ =	sdelay $0x2  }
0x7d: {  	p0 =	por @p2 $0x1, $0x1;
	p1 =	seq.s32 s15, $0x1  }
0x7e: {  	p0 =	por @!p2 p1, p1  }
0x7f: {  	s15 =	simm.s32 @p2 $0x2;
	p0 =	por !p0, !p3  }
0x80: {  	s28 =	rddreg [dreg:$0x17];
	_ =	swait.ge @p2 [sflag:s15], $0x500;
	p0 =	por !p0, !p0  }
0x81: {  	[sflag:s15] =	ssyncset.done @p2 $0x0;
	s20 =	sshll.u32 @p0 s22, $0x6  }
0x82: {  	[sflag:s15] =	ssyncadd.s32 @p2 $0xFFFFFB00;
	s15 =	sor.u32 @p0 $0x1C02, s20;
	s20 =	sshrl.u32 @p0 s1, $0x3  }
0x83: {  	[spmem:s20], [sflag:s15] =	dma.local @p0 [hbm:s28], $0x500  }
0x84: {  	s15 =	simm.s32 @p0 $0x2  }
0x85: {  	p4 =	sne.s32 s22, $0x1;
	_ =	swait.ge @p0 [sflag:s15], $0x500  }
.Ltmp1:
0x86: {  	s28 =	sld [smem:$0x7E9];
	(pc) =	sbr.rel @p4 .LBB3_5-.Ltmp1, $4  }
0x87: {  	_ = 	snop  }
0x88: {  	[sflag:s15] =	ssyncset.done @p0 $0x0  }
0x89: {  	p1 =	por @p2 $0x1, $0x1;
	[sflag:s15] =	ssyncadd.s32 @p0 $0xFFFFFB00;
	p0 =	seq.s32 s28, $0x1  }
0x8a: {  	p1 =	por @!p2 p0, p0  }
0x8b: {  	s15 =	sshrl.u32 s2, $0x3;
	s20 =	rddreg [dreg:$0x10];
	s28 =	simm.s32 $0x1C42  }
0x8c: {  	[spmem:s15], [sflag:s28] =	dma.local [hbm:s20], $0x500  }
.Ltmp2:
0x8d: {  	_ = 	snop;
	(pc) =	sbr.rel .LBB3_14-.Ltmp2, $2  }
0x8e: {  	s15 =	sld [smem:$0x7F7];
	_ =	sdelay $0x2  }
0x8f: {  	p0 =	seq.s32 s15, $0x1  }
.LBB3_2:
0x90: {  	s15 =	sshrl.u32 s0, $0x3;
	s20 =	rddreg [dreg:$0xf];
	s28 =	simm.s32 $0x1C02  }
0x91: {  	[spmem:s15], [sflag:s28] =	dma.local [hbm:s20], $0x500  }
.Ltmp3:
0x92: {  	s15 =	sld [smem:$0x7E9];
	(pc) =	sbr.rel .LBB3_8-.Ltmp3, $2  }
0x93: {  	s28 =	sld [smem:$0x7F6];
	_ =	sdelay $0x2  }
0x94: {  	p1 =	seq.s32 s15, $0x1;
	p0 =	seq.s32 s28, $0x1  }
.LBB3_5:
0x95: {  	p0 =	sne.s32 s22, $0x9;
	p4 =	por !p1, !p1  }
0x96: {  	p0 =	por p0, p4  }
.Ltmp4:
0x97: {  	_ = 	snop;
	(pc) =	sbr.rel @p0 .LBB3_6-.Ltmp4, $1  }
0x98: {  	_ =	sdelay $0x3  }
0x99: {  	s15 =	sshrl.u32 s3, $0x3  }
0x9a: {  	s20 =	rddreg [dreg:$0x10];
	s28 =	simm.s32 $0x1E42;
	p0 =	por $0x1, $0x1  }
0x9b: {  	[spmem:s15], [sflag:s28] =	dma.local [hbm:s20], $0x500  }
.LBB3_8:
.Ltmp5:
0x9c: {  	(pc) =	sbr.rel .LBB3_9-.Ltmp5, $4  }
0x9d: {  	_ = 	snop  }
0x9e: {  	_ =	swait.ge [sflag:s24], $0x500  }
0x9f: {  	[sflag:s24] =	ssyncset.done $0x0  }
0xa0: {  	[sflag:s24] =	ssyncadd.s32 $0xFFFFFB00  }
.LBB3_6:
0xa1: {  	s15 =	sld [smem:$0x7F6];
	_ =	sdelay $0x2  }
0xa2: {  	p0 =	seq.s32 s15, $0x1  }
.LBB3_9:
0xa3: {  	p0 =	por !p0, !p3  }
0xa4: {  	p0 =	por !p0, !p0  }
0xa5: {  	s15 =	sshll.u32 @p0 s22, $0x6  }
0xa6: {  	s28 =	rddreg [dreg:$0x17];
	s20 =	sshrl.u32 @p0 s3, $0x3;
	s15 =	sor.u32 @p0 $0x1C02, s15  }
0xa7: {  	[spmem:s20], [sflag:s15] =	dma.local @p0 [hbm:s28], $0x500  }
.Ltmp6:
0xa8: {  	_ = 	snop;
	(pc) =	sbr.rel @p6 .LBB3_11-.Ltmp6, $4  }
0xa9: {  	s15 =	simm.s32 @p0 $0x2  }
0xaa: {  	_ =	swait.ge @p0 [sflag:s15], $0x500  }
0xab: {  	[sflag:s15] =	ssyncset.done @p0 $0x0  }
0xac: {  	[sflag:s15] =	ssyncadd.s32 @p0 $0xFFFFFB00  }
0xad: {  	s15 =	sshrl.u32 s4, $0x3;
	s20 =	rddreg [dreg:$0x11];
	s28 =	simm.s32 $0x1C82  }
0xae: {  	[spmem:s15], [sflag:s28] =	dma.local [hbm:s20], $0x500  }
.Ltmp7:
0xaf: {  	_ = 	snop;
	(pc) =	sbr.rel .LBB3_20-.Ltmp7, $2  }
0xb0: {  	s15 =	sld [smem:$0x7F8];
	_ =	sdelay $0x2  }
0xb1: {  	p0 =	seq.s32 s15, $0x1  }
.LBB3_11:
0xb2: {  	p0 =	sne.s32 s22, $0xA;
	p4 =	por !p1, !p1  }
0xb3: {  	p0 =	por p0, p4  }
.Ltmp8:
0xb4: {  	_ = 	snop;
	(pc) =	sbr.rel @p0 .LBB3_12-.Ltmp8, $1  }
0xb5: {  	_ =	sdelay $0x3  }
0xb6: {  	s15 =	sshrl.u32 s5, $0x3  }
0xb7: {  	s20 =	rddreg [dreg:$0x11];
	s28 =	simm.s32 $0x1E82;
	p0 =	por $0x1, $0x1  }
0xb8: {  	[spmem:s15], [sflag:s28] =	dma.local [hbm:s20], $0x500  }
.LBB3_14:
.Ltmp9:
0xb9: {  	(pc) =	sbr.rel .LBB3_15-.Ltmp9, $4  }
0xba: {  	_ = 	snop  }
0xbb: {  	_ =	swait.ge [sflag:s24], $0x500  }
0xbc: {  	[sflag:s24] =	ssyncset.done $0x0  }
0xbd: {  	[sflag:s24] =	ssyncadd.s32 $0xFFFFFB00  }
.LBB3_12:
0xbe: {  	s15 =	sld [smem:$0x7F7];
	_ =	sdelay $0x2  }
0xbf: {  	p0 =	seq.s32 s15, $0x1  }
.LBB3_15:
0xc0: {  	p0 =	por !p0, !p3  }
0xc1: {  	p0 =	por !p0, !p0  }
0xc2: {  	s28 =	rddreg [dreg:$0x17];
	s15 =	sshll.u32 @p0 s22, $0x6  }
0xc3: {  	p4 =	sne.s32 s22, $0x3;
	s20 =	sshrl.u32 @p0 s5, $0x3;
	s15 =	sor.u32 @p0 $0x1C02, s15  }
0xc4: {  	[spmem:s20], [sflag:s15] =	dma.local @p0 [hbm:s28], $0x500  }
.Ltmp10:
0xc5: {  	_ = 	snop;
	(pc) =	sbr.rel @p4 .LBB3_17-.Ltmp10, $4  }
0xc6: {  	s15 =	simm.s32 @p0 $0x2  }
0xc7: {  	_ =	swait.ge @p0 [sflag:s15], $0x500  }
0xc8: {  	[sflag:s15] =	ssyncset.done @p0 $0x0  }
0xc9: {  	[sflag:s15] =	ssyncadd.s32 @p0 $0xFFFFFB00  }
0xca: {  	s15 =	sshrl.u32 s6, $0x3;
	s20 =	rddreg [dreg:$0x12];
	s28 =	simm.s32 $0x1CC2  }
0xcb: {  	[spmem:s15], [sflag:s28] =	dma.local [hbm:s20], $0x500  }
.Ltmp11:
0xcc: {  	_ = 	snop;
	(pc) =	sbr.rel .LBB3_26-.Ltmp11, $2  }
0xcd: {  	s15 =	sld [smem:$0x7F9];
	_ =	sdelay $0x2  }
0xce: {  	p0 =	seq.s32 s15, $0x1  }
.LBB3_17:
0xcf: {  	p0 =	sne.s32 s22, $0xB;
	p4 =	por !p1, !p1  }
0xd0: {  	p0 =	por p0, p4  }
.Ltmp12:
0xd1: {  	_ = 	snop;
	(pc) =	sbr.rel @p0 .LBB3_18-.Ltmp12, $1  }
0xd2: {  	_ =	sdelay $0x3  }
0xd3: {  	s15 =	sshrl.u32 s7, $0x3  }
0xd4: {  	s20 =	rddreg [dreg:$0x12];
	s28 =	simm.s32 $0x1EC2;
	p0 =	por $0x1, $0x1  }
0xd5: {  	[spmem:s15], [sflag:s28] =	dma.local [hbm:s20], $0x500  }
.LBB3_20:
.Ltmp13:
0xd6: {  	(pc) =	sbr.rel .LBB3_21-.Ltmp13, $4  }
0xd7: {  	_ = 	snop  }
0xd8: {  	_ =	swait.ge [sflag:s24], $0x500  }
0xd9: {  	[sflag:s24] =	ssyncset.done $0x0  }
0xda: {  	[sflag:s24] =	ssyncadd.s32 $0xFFFFFB00  }
.LBB3_18:
0xdb: {  	s15 =	sld [smem:$0x7F8];
	_ =	sdelay $0x2  }
0xdc: {  	p0 =	seq.s32 s15, $0x1  }
.LBB3_21:
0xdd: {  	p0 =	por !p0, !p3  }
0xde: {  	p0 =	por !p0, !p0  }
0xdf: {  	s28 =	rddreg [dreg:$0x17];
	s15 =	sshll.u32 @p0 s22, $0x6  }
0xe0: {  	p4 =	sne.s32 s22, $0x4;
	s20 =	sshrl.u32 @p0 s7, $0x3;
	s15 =	sor.u32 @p0 $0x1C02, s15  }
0xe1: {  	[spmem:s20], [sflag:s15] =	dma.local @p0 [hbm:s28], $0x500  }
.Ltmp14:
0xe2: {  	_ = 	snop;
	(pc) =	sbr.rel @p4 .LBB3_23-.Ltmp14, $4  }
0xe3: {  	s15 =	simm.s32 @p0 $0x2  }
0xe4: {  	_ =	swait.ge @p0 [sflag:s15], $0x500  }
0xe5: {  	[sflag:s15] =	ssyncset.done @p0 $0x0  }
0xe6: {  	[sflag:s15] =	ssyncadd.s32 @p0 $0xFFFFFB00  }
0xe7: {  	s15 =	sshrl.u32 s8, $0x3;
	s20 =	rddreg [dreg:$0x13];
	s28 =	simm.s32 $0x1D02  }
0xe8: {  	[spmem:s15], [sflag:s28] =	dma.local [hbm:s20], $0x500  }
.Ltmp15:
0xe9: {  	_ = 	snop;
	(pc) =	sbr.rel .LBB3_32-.Ltmp15, $2  }
0xea: {  	s15 =	sld [smem:$0x7FA];
	_ =	sdelay $0x2  }
0xeb: {  	p0 =	seq.s32 s15, $0x1  }
.LBB3_23:
0xec: {  	p0 =	sne.s32 s22, $0xC;
	p4 =	por !p1, !p1  }
0xed: {  	p0 =	por p0, p4  }
.Ltmp16:
0xee: {  	_ = 	snop;
	(pc) =	sbr.rel @p0 .LBB3_24-.Ltmp16, $1  }
0xef: {  	_ =	sdelay $0x3  }
0xf0: {  	s15 =	sshrl.u32 s9, $0x3  }
0xf1: {  	s20 =	rddreg [dreg:$0x13];
	s28 =	simm.s32 $0x1F02;
	p0 =	por $0x1, $0x1  }
0xf2: {  	[spmem:s15], [sflag:s28] =	dma.local [hbm:s20], $0x500  }
.LBB3_26:
.Ltmp17:
0xf3: {  	(pc) =	sbr.rel .LBB3_27-.Ltmp17, $4  }
0xf4: {  	_ = 	snop  }
0xf5: {  	_ =	swait.ge [sflag:s24], $0x500  }
0xf6: {  	[sflag:s24] =	ssyncset.done $0x0  }
0xf7: {  	[sflag:s24] =	ssyncadd.s32 $0xFFFFFB00  }
.LBB3_24:
0xf8: {  	s15 =	sld [smem:$0x7F9];
	_ =	sdelay $0x2  }
0xf9: {  	p0 =	seq.s32 s15, $0x1  }
.LBB3_27:
0xfa: {  	p0 =	por !p0, !p3  }
0xfb: {  	p0 =	por !p0, !p0  }
0xfc: {  	s28 =	rddreg [dreg:$0x17];
	s15 =	sshll.u32 @p0 s22, $0x6  }
0xfd: {  	p4 =	sne.s32 s22, $0x5;
	s20 =	sshrl.u32 @p0 s9, $0x3;
	s15 =	sor.u32 @p0 $0x1C02, s15  }
0xfe: {  	[spmem:s20], [sflag:s15] =	dma.local @p0 [hbm:s28], $0x500  }
.Ltmp18:
0xff: {  	_ = 	snop;
	(pc) =	sbr.rel @p4 .LBB3_29-.Ltmp18, $4  }
0x100: {  	s15 =	simm.s32 @p0 $0x2  }
0x101: {  	_ =	swait.ge @p0 [sflag:s15], $0x500  }
0x102: {  	[sflag:s15] =	ssyncset.done @p0 $0x0  }
0x103: {  	[sflag:s15] =	ssyncadd.s32 @p0 $0xFFFFFB00  }
0x104: {  	s15 =	sshrl.u32 s10, $0x3;
	s20 =	rddreg [dreg:$0x14];
	s28 =	simm.s32 $0x1D42  }
0x105: {  	[spmem:s15], [sflag:s28] =	dma.local [hbm:s20], $0x500  }
.Ltmp19:
0x106: {  	_ = 	snop;
	(pc) =	sbr.rel .LBB3_38-.Ltmp19, $2  }
0x107: {  	s15 =	sld [smem:$0x7FB];
	_ =	sdelay $0x2  }
0x108: {  	p0 =	seq.s32 s15, $0x1  }
.LBB3_29:
0x109: {  	p0 =	sne.s32 s22, $0xD;
	p4 =	por !p1, !p1  }
0x10a: {  	p0 =	por p0, p4  }
.Ltmp20:
0x10b: {  	_ = 	snop;
	(pc) =	sbr.rel @p0 .LBB3_30-.Ltmp20, $1  }
0x10c: {  	_ =	sdelay $0x3  }
0x10d: {  	s15 =	sshrl.u32 s11, $0x3  }
0x10e: {  	s20 =	rddreg [dreg:$0x14];
	s28 =	simm.s32 $0x1F42;
	p0 =	por $0x1, $0x1  }
0x10f: {  	[spmem:s15], [sflag:s28] =	dma.local [hbm:s20], $0x500  }
.LBB3_32:
.Ltmp21:
0x110: {  	(pc) =	sbr.rel .LBB3_33-.Ltmp21, $4  }
0x111: {  	_ = 	snop  }
0x112: {  	_ =	swait.ge [sflag:s24], $0x500  }
0x113: {  	[sflag:s24] =	ssyncset.done $0x0  }
0x114: {  	[sflag:s24] =	ssyncadd.s32 $0xFFFFFB00  }
.LBB3_30:
0x115: {  	s15 =	sld [smem:$0x7FA];
	_ =	sdelay $0x2  }
0x116: {  	p0 =	seq.s32 s15, $0x1  }
.LBB3_33:
0x117: {  	p0 =	por !p0, !p3  }
0x118: {  	p0 =	por !p0, !p0  }
0x119: {  	s28 =	rddreg [dreg:$0x17];
	s15 =	sshll.u32 @p0 s22, $0x6  }
0x11a: {  	p4 =	sne.s32 s22, $0x6;
	s20 =	sshrl.u32 @p0 s11, $0x3;
	s15 =	sor.u32 @p0 $0x1C02, s15  }
0x11b: {  	[spmem:s20], [sflag:s15] =	dma.local @p0 [hbm:s28], $0x500  }
.Ltmp22:
0x11c: {  	_ = 	snop;
	(pc) =	sbr.rel @p4 .LBB3_35-.Ltmp22, $4  }
0x11d: {  	s15 =	simm.s32 @p0 $0x2  }
0x11e: {  	_ =	swait.ge @p0 [sflag:s15], $0x500  }
0x11f: {  	[sflag:s15] =	ssyncset.done @p0 $0x0  }
0x120: {  	[sflag:s15] =	ssyncadd.s32 @p0 $0xFFFFFB00  }
0x121: {  	s15 =	sshrl.u32 s12, $0x3;
	s20 =	rddreg [dreg:$0x15];
	s28 =	simm.s32 $0x1D82  }
0x122: {  	[spmem:s15], [sflag:s28] =	dma.local [hbm:s20], $0x500  }
.Ltmp23:
0x123: {  	_ = 	snop;
	(pc) =	sbr.rel .LBB3_44-.Ltmp23, $2  }
0x124: {  	s15 =	sld [smem:$0x7FC];
	_ =	sdelay $0x2  }
0x125: {  	p0 =	seq.s32 s15, $0x1  }
.LBB3_35:
0x126: {  	p0 =	sne.s32 s22, $0xE;
	p4 =	por !p1, !p1  }
0x127: {  	p0 =	por p0, p4  }
.Ltmp24:
0x128: {  	_ = 	snop;
	(pc) =	sbr.rel @p0 .LBB3_36-.Ltmp24, $1  }
0x129: {  	_ =	sdelay $0x3  }
0x12a: {  	s15 =	sshrl.u32 s14, $0x3  }
0x12b: {  	s20 =	rddreg [dreg:$0x15];
	s28 =	simm.s32 $0x1F82;
	p0 =	por $0x1, $0x1  }
0x12c: {  	[spmem:s15], [sflag:s28] =	dma.local [hbm:s20], $0x500  }
.LBB3_38:
.Ltmp25:
0x12d: {  	(pc) =	sbr.rel .LBB3_39-.Ltmp25, $4  }
0x12e: {  	_ = 	snop  }
0x12f: {  	_ =	swait.ge [sflag:s24], $0x500  }
0x130: {  	[sflag:s24] =	ssyncset.done $0x0  }
0x131: {  	[sflag:s24] =	ssyncadd.s32 $0xFFFFFB00  }
.LBB3_36:
0x132: {  	s15 =	sld [smem:$0x7FB];
	_ =	sdelay $0x2  }
0x133: {  	p0 =	seq.s32 s15, $0x1  }
.LBB3_39:
0x134: {  	p0 =	por !p0, !p3  }
0x135: {  	p0 =	por !p0, !p0  }
0x136: {  	s28 =	rddreg [dreg:$0x17];
	s15 =	sshll.u32 @p0 s22, $0x6  }
0x137: {  	p4 =	sne.s32 s22, $0x7;
	s20 =	sshrl.u32 @p0 s14, $0x3;
	s15 =	sor.u32 @p0 $0x1C02, s15  }
0x138: {  	[spmem:s20], [sflag:s15] =	dma.local @p0 [hbm:s28], $0x500  }
.Ltmp26:
0x139: {  	_ = 	snop;
	(pc) =	sbr.rel @p4 .LBB3_41-.Ltmp26, $4  }
0x13a: {  	s15 =	simm.s32 @p0 $0x2  }
0x13b: {  	_ =	swait.ge @p0 [sflag:s15], $0x500  }
0x13c: {  	[sflag:s15] =	ssyncset.done @p0 $0x0  }
0x13d: {  	[sflag:s15] =	ssyncadd.s32 @p0 $0xFFFFFB00  }
.Ltmp27:
0x13e: {  	(pc) =	sbr.rel .LBB3_47-.Ltmp27, $3  }
0x13f: {  	_ =	sdelay $0x1  }
0x140: {  	s15 =	sshrl.u32 s17, $0x3;
	s20 =	rddreg [dreg:$0x16];
	s22 =	simm.s32 $0x1DC2  }
0x141: {  	[spmem:s15], [sflag:s22] =	dma.local [hbm:s20], $0x500  }
.LBB3_41:
0x142: {  	p0 =	sne.s32 s22, $0xF;
	p4 =	por !p1, !p1  }
0x143: {  	p0 =	por p0, p4  }
.Ltmp28:
0x144: {  	_ = 	snop;
	(pc) =	sbr.rel @p0 .LBB3_42-.Ltmp28, $1  }
0x145: {  	_ =	sdelay $0x3  }
0x146: {  	s15 =	sshrl.u32 s18, $0x3  }
0x147: {  	s20 =	rddreg [dreg:$0x16];
	s28 =	simm.s32 $0x1FC2;
	p0 =	por $0x1, $0x1  }
0x148: {  	[spmem:s15], [sflag:s28] =	dma.local [hbm:s20], $0x500  }
.LBB3_44:
.Ltmp29:
0x149: {  	(pc) =	sbr.rel .LBB3_45-.Ltmp29, $4  }
0x14a: {  	_ = 	snop  }
0x14b: {  	_ =	swait.ge [sflag:s24], $0x500  }
0x14c: {  	[sflag:s24] =	ssyncset.done $0x0  }
0x14d: {  	[sflag:s24] =	ssyncadd.s32 $0xFFFFFB00  }
.LBB3_42:
0x14e: {  	s15 =	sld [smem:$0x7FC];
	_ =	sdelay $0x2  }
0x14f: {  	p0 =	seq.s32 s15, $0x1  }
.LBB3_45:
0x150: {  	p0 =	por !p0, !p3  }
0x151: {  	p0 =	por !p0, !p0  }
.Ltmp30:
0x152: {  	_ = 	snop;
	(pc) =	sbr.rel @!p0 .LBB3_48-.Ltmp30, $1  }
0x153: {  	_ =	sdelay $0x3  }
0x154: {  	s15 =	sshll.u32 s22, $0x6  }
0x155: {  	s20 =	sshrl.u32 s18, $0x3;
	s28 =	rddreg [dreg:$0x17];
	s15 =	sor.u32 $0x1C02, s15  }
0x156: {  	[spmem:s20], [sflag:s15] =	dma.local [hbm:s28], $0x500  }
.LBB3_47:
0x157: {  	_ =	swait.ge [sflag:s24], $0x500  }
0x158: {  	[sflag:s24] =	ssyncset.done $0x0  }
0x159: {  	[sflag:s24] =	ssyncadd.s32 $0xFFFFFB00  }
.LBB3_48:
0x15a: {  	[bflag:$0x0] =	sbarrier.arrive $0xFFFF;
	s15 =	simm.s32 $0x0  }
0x15b: {  	[tilespmem:s30], [sflag:$0x1] =	stream.indirect.gather [spmem:s0], $0x1, s15, s25, $0xb8;
	[tilespmem:$0x7C00] =	vst v63  }
0x15c: {  	_ = 	snop  }
0x15d: {  	[tilespmem:s23], [sflag:$0x1] =	stream.indirect.gather [spmem:s2], $0x1, s15, s25, $0xb8;
	[tilespmem:$0x7C00] =	vst v63  }
0x15e: {  	_ = 	snop  }
0x15f: {  	[tilespmem:s21], [sflag:$0x1] =	stream.indirect.gather [spmem:s4], $0x1, s15, s25, $0xb8;
	[tilespmem:$0x7C00] =	vst v63  }
0x160: {  	_ = 	snop  }
0x161: {  	[tilespmem:s26], [sflag:$0x1] =	stream.indirect.gather [spmem:s6], $0x1, s15, s25, $0xb8;
	[tilespmem:$0x7C00] =	vst v63  }
0x162: {  	_ = 	snop  }
0x163: {  	[tilespmem:s13], [sflag:$0x1] =	stream.indirect.gather [spmem:s8], $0x1, s15, s25, $0xb8;
	[tilespmem:$0x7C00] =	vst v63  }
0x164: {  	_ = 	snop  }
0x165: {  	[tilespmem:s19], [sflag:$0x1] =	stream.indirect.gather [spmem:s10], $0x1, s15, s25, $0xb8;
	[tilespmem:$0x7C00] =	vst v63  }
0x166: {  	_ = 	snop  }
0x167: {  	[tilespmem:s29], [sflag:$0x1] =	stream.indirect.gather [spmem:s12], $0x1, s15, s25, $0xb8;
	[tilespmem:$0x7C00] =	vst v63  }
0x168: {  	_ = 	snop  }
0x169: {  	[tilespmem:s31], [sflag:$0x1] =	stream.indirect.gather [spmem:s17], $0x1, s15, s25, $0xb8;
	[tilespmem:$0x7C00] =	vst v63  }
0x16a: {  	_ =	swait.ge [sflag:s16], $0x80  }
0x16b: {  	[sflag:s16] =	ssyncset.done $0x0  }
0x16c: {  	[sflag:s16] =	ssyncadd.s32 $0xFFFFFF80  }
0x16d: {  	_ =	swait.ge [sflag:s16], $0x80  }
0x16e: {  	[sflag:s16] =	ssyncset.done $0x0  }
0x16f: {  	[sflag:s16] =	ssyncadd.s32 $0xFFFFFF80  }
0x170: {  	_ =	swait.ge [sflag:s16], $0x80  }
0x171: {  	[sflag:s16] =	ssyncset.done $0x0  }
0x172: {  	[sflag:s16] =	ssyncadd.s32 $0xFFFFFF80  }
0x173: {  	_ =	swait.ge [sflag:s16], $0x80  }
0x174: {  	[sflag:s16] =	ssyncset.done $0x0  }
0x175: {  	[sflag:s16] =	ssyncadd.s32 $0xFFFFFF80  }
0x176: {  	_ =	swait.ge [sflag:s16], $0x80  }
0x177: {  	[sflag:s16] =	ssyncset.done $0x0  }
0x178: {  	[sflag:s16] =	ssyncadd.s32 $0xFFFFFF80  }
0x179: {  	_ =	swait.ge [sflag:s16], $0x80  }
0x17a: {  	[sflag:s16] =	ssyncset.done $0x0  }
0x17b: {  	[sflag:s16] =	ssyncadd.s32 $0xFFFFFF80  }
0x17c: {  	_ =	swait.ge [sflag:s16], $0x80  }
0x17d: {  	[sflag:s16] =	ssyncset.done $0x0  }
0x17e: {  	[sflag:s16] =	ssyncadd.s32 $0xFFFFFF80  }
0x17f: {  	_ =	swait.ge [sflag:s16], $0x80  }
0x180: {  	[sflag:s16] =	ssyncset.done $0x0  }
0x181: {  	s22 =	simm.s32 $0x2800;
	[sflag:s16] =	ssyncadd.s32 $0xFFFFFF80  }
0x182: {  	[spmem:s1] =	stream.indirect.scatter.add.f32 [tilespmem:s30], [sflag:$0x1], $0x1, s22, s25, $0xb8;
	[tilespmem:$0x7C00] =	vst v63  }
0x183: {  	_ = 	snop  }
0x184: {  	[spmem:s3] =	stream.indirect.scatter.add.f32 [tilespmem:s23], [sflag:$0x1], $0x1, s22, s25, $0xb8;
	[tilespmem:$0x7C00] =	vst v63  }
0x185: {  	_ = 	snop  }
0x186: {  	[spmem:s5] =	stream.indirect.scatter.add.f32 [tilespmem:s21], [sflag:$0x1], $0x1, s22, s25, $0xb8;
	[tilespmem:$0x7C00] =	vst v63  }
0x187: {  	_ = 	snop  }
0x188: {  	[spmem:s7] =	stream.indirect.scatter.add.f32 [tilespmem:s26], [sflag:$0x1], $0x1, s22, s25, $0xb8;
	[tilespmem:$0x7C00] =	vst v63  }
0x189: {  	_ = 	snop  }
0x18a: {  	[spmem:s9] =	stream.indirect.scatter.add.f32 [tilespmem:s13], [sflag:$0x1], $0x1, s22, s25, $0xb8;
	[tilespmem:$0x7C00] =	vst v63  }
0x18b: {  	_ = 	snop  }
0x18c: {  	[spmem:s11] =	stream.indirect.scatter.add.f32 [tilespmem:s19], [sflag:$0x1], $0x1, s22, s25, $0xb8;
	[tilespmem:$0x7C00] =	vst v63  }
0x18d: {  	_ = 	snop  }
0x18e: {  	[spmem:s14] =	stream.indirect.scatter.add.f32 [tilespmem:s29], [sflag:$0x1], $0x1, s22, s25, $0xb8;
	[tilespmem:$0x7C00] =	vst v63  }
0x18f: {  	_ = 	snop  }
0x190: {  	[spmem:s18] =	stream.indirect.scatter.add.f32 [tilespmem:s31], [sflag:$0x1], $0x1, s22, s25, $0xb8;
	[tilespmem:$0x7C00] =	vst v63  }
0x191: {  	_ =	swait.ge [sflag:s16], $0x80  }
0x192: {  	[sflag:s16] =	ssyncset.done $0x0  }
0x193: {  	[sflag:s16] =	ssyncadd.s32 $0xFFFFFF80  }
0x194: {  	_ =	swait.ge [sflag:s16], $0x80  }
0x195: {  	[sflag:s16] =	ssyncset.done $0x0  }
0x196: {  	[sflag:s16] =	ssyncadd.s32 $0xFFFFFF80  }
0x197: {  	_ =	swait.ge [sflag:s16], $0x80  }
0x198: {  	[sflag:s16] =	ssyncset.done $0x0  }
0x199: {  	[sflag:s16] =	ssyncadd.s32 $0xFFFFFF80  }
0x19a: {  	_ =	swait.ge [sflag:s16], $0x80  }
0x19b: {  	[sflag:s16] =	ssyncset.done $0x0  }
0x19c: {  	[sflag:s16] =	ssyncadd.s32 $0xFFFFFF80  }
0x19d: {  	_ =	swait.ge [sflag:s16], $0x80  }
0x19e: {  	[sflag:s16] =	ssyncset.done $0x0  }
0x19f: {  	[sflag:s16] =	ssyncadd.s32 $0xFFFFFF80  }
0x1a0: {  	_ =	swait.ge [sflag:s16], $0x80  }
0x1a1: {  	[sflag:s16] =	ssyncset.done $0x0  }
0x1a2: {  	[sflag:s16] =	ssyncadd.s32 $0xFFFFFF80  }
0x1a3: {  	_ =	swait.ge [sflag:s16], $0x80  }
0x1a4: {  	[sflag:s16] =	ssyncset.done $0x0  }
0x1a5: {  	[sflag:s16] =	ssyncadd.s32 $0xFFFFFF80  }
0x1a6: {  	_ =	swait.ge [sflag:s16], $0x80  }
0x1a7: {  	s28 =	simm.s32 $0x400;
	s22 =	simm.s32 $0x200;
	[sflag:s16] =	ssyncset.done $0x0  }
.LBB3_49:
0x1a8: {  	s15 =	sshra.s32 s22, $0x2  }
0x1a9: {  	[sflag:s16] =	ssyncadd.s32 $0xFFFFFF80;
	s22 =	smov.u32 s28;
	s20 =	sadd.s32 $0x200, s28  }
0x1aa: {  	[tilespmem:s30], [sflag:$0x1] =	stream.indirect.gather [spmem:s0], $0x1, s15, s25, $0xb8;
	[tilespmem:$0x7C00] =	vst v63  }
0x1ab: {  	p0 =	sne.s32 s28, $0x9C00  }
0x1ac: {  	[tilespmem:s23], [sflag:$0x1] =	stream.indirect.gather [spmem:s2], $0x1, s15, s25, $0xb8;
	[tilespmem:$0x7C00] =	vst v63  }
0x1ad: {  	_ = 	snop  }
0x1ae: {  	[tilespmem:s21], [sflag:$0x1] =	stream.indirect.gather [spmem:s4], $0x1, s15, s25, $0xb8;
	[tilespmem:$0x7C00] =	vst v63  }
0x1af: {  	_ = 	snop  }
0x1b0: {  	[tilespmem:s26], [sflag:$0x1] =	stream.indirect.gather [spmem:s6], $0x1, s15, s25, $0xb8;
	[tilespmem:$0x7C00] =	vst v63  }
0x1b1: {  	_ = 	snop  }
0x1b2: {  	[tilespmem:s13], [sflag:$0x1] =	stream.indirect.gather [spmem:s8], $0x1, s15, s25, $0xb8;
	[tilespmem:$0x7C00] =	vst v63  }
0x1b3: {  	_ = 	snop  }
0x1b4: {  	[tilespmem:s19], [sflag:$0x1] =	stream.indirect.gather [spmem:s10], $0x1, s15, s25, $0xb8;
	[tilespmem:$0x7C00] =	vst v63  }
0x1b5: {  	_ = 	snop  }
0x1b6: {  	[tilespmem:s29], [sflag:$0x1] =	stream.indirect.gather [spmem:s12], $0x1, s15, s25, $0xb8;
	[tilespmem:$0x7C00] =	vst v63  }
0x1b7: {  	_ = 	snop  }
0x1b8: {  	[tilespmem:s31], [sflag:$0x1] =	stream.indirect.gather [spmem:s17], $0x1, s15, s25, $0xb8;
	[tilespmem:$0x7C00] =	vst v63  }
0x1b9: {  	_ =	swait.ge [sflag:s16], $0x80  }
0x1ba: {  	[sflag:s16] =	ssyncset.done $0x0  }
0x1bb: {  	[sflag:s16] =	ssyncadd.s32 $0xFFFFFF80  }
0x1bc: {  	_ =	swait.ge [sflag:s16], $0x80  }
0x1bd: {  	[sflag:s16] =	ssyncset.done $0x0  }
0x1be: {  	[sflag:s16] =	ssyncadd.s32 $0xFFFFFF80  }
0x1bf: {  	_ =	swait.ge [sflag:s16], $0x80  }
0x1c0: {  	[sflag:s16] =	ssyncset.done $0x0  }
0x1c1: {  	[sflag:s16] =	ssyncadd.s32 $0xFFFFFF80  }
0x1c2: {  	_ =	swait.ge [sflag:s16], $0x80  }
0x1c3: {  	[sflag:s16] =	ssyncset.done $0x0  }
0x1c4: {  	[sflag:s16] =	ssyncadd.s32 $0xFFFFFF80  }
0x1c5: {  	_ =	swait.ge [sflag:s16], $0x80  }
0x1c6: {  	[sflag:s16] =	ssyncset.done $0x0  }
0x1c7: {  	[sflag:s16] =	ssyncadd.s32 $0xFFFFFF80  }
0x1c8: {  	_ =	swait.ge [sflag:s16], $0x80  }
0x1c9: {  	[sflag:s16] =	ssyncset.done $0x0  }
0x1ca: {  	[sflag:s16] =	ssyncadd.s32 $0xFFFFFF80  }
0x1cb: {  	_ =	swait.ge [sflag:s16], $0x80  }
0x1cc: {  	[sflag:s16] =	ssyncset.done $0x0  }
0x1cd: {  	[sflag:s16] =	ssyncadd.s32 $0xFFFFFF80  }
0x1ce: {  	_ =	swait.ge [sflag:s16], $0x80  }
0x1cf: {  	[sflag:s16] =	ssyncset.done $0x0  }
0x1d0: {  	s15 =	sadd.s32 $0x2800, s15;
	[sflag:s16] =	ssyncadd.s32 $0xFFFFFF80  }
0x1d1: {  	[spmem:s1] =	stream.indirect.scatter.add.f32 [tilespmem:s30], [sflag:$0x1], $0x1, s15, s25, $0xb8;
	[tilespmem:$0x7C00] =	vst v63  }
0x1d2: {  	_ = 	snop  }
0x1d3: {  	[spmem:s3] =	stream.indirect.scatter.add.f32 [tilespmem:s23], [sflag:$0x1], $0x1, s15, s25, $0xb8;
	[tilespmem:$0x7C00] =	vst v63  }
0x1d4: {  	_ = 	snop  }
0x1d5: {  	[spmem:s5] =	stream.indirect.scatter.add.f32 [tilespmem:s21], [sflag:$0x1], $0x1, s15, s25, $0xb8;
	[tilespmem:$0x7C00] =	vst v63  }
0x1d6: {  	_ = 	snop  }
0x1d7: {  	[spmem:s7] =	stream.indirect.scatter.add.f32 [tilespmem:s26], [sflag:$0x1], $0x1, s15, s25, $0xb8;
	[tilespmem:$0x7C00] =	vst v63  }
0x1d8: {  	_ = 	snop  }
0x1d9: {  	[spmem:s9] =	stream.indirect.scatter.add.f32 [tilespmem:s13], [sflag:$0x1], $0x1, s15, s25, $0xb8;
	[tilespmem:$0x7C00] =	vst v63  }
0x1da: {  	_ = 	snop  }
0x1db: {  	[spmem:s11] =	stream.indirect.scatter.add.f32 [tilespmem:s19], [sflag:$0x1], $0x1, s15, s25, $0xb8;
	[tilespmem:$0x7C00] =	vst v63  }
0x1dc: {  	_ = 	snop  }
0x1dd: {  	[spmem:s14] =	stream.indirect.scatter.add.f32 [tilespmem:s29], [sflag:$0x1], $0x1, s15, s25, $0xb8;
	[tilespmem:$0x7C00] =	vst v63  }
0x1de: {  	_ = 	snop  }
0x1df: {  	[spmem:s18] =	stream.indirect.scatter.add.f32 [tilespmem:s31], [sflag:$0x1], $0x1, s15, s25, $0xb8;
	[tilespmem:$0x7C00] =	vst v63  }
0x1e0: {  	_ =	swait.ge [sflag:s16], $0x80  }
0x1e1: {  	[sflag:s16] =	ssyncset.done $0x0  }
0x1e2: {  	[sflag:s16] =	ssyncadd.s32 $0xFFFFFF80  }
0x1e3: {  	_ =	swait.ge [sflag:s16], $0x80  }
0x1e4: {  	[sflag:s16] =	ssyncset.done $0x0  }
0x1e5: {  	[sflag:s16] =	ssyncadd.s32 $0xFFFFFF80  }
0x1e6: {  	_ =	swait.ge [sflag:s16], $0x80  }
0x1e7: {  	[sflag:s16] =	ssyncset.done $0x0  }
0x1e8: {  	[sflag:s16] =	ssyncadd.s32 $0xFFFFFF80  }
0x1e9: {  	_ =	swait.ge [sflag:s16], $0x80  }
0x1ea: {  	[sflag:s16] =	ssyncset.done $0x0  }
0x1eb: {  	[sflag:s16] =	ssyncadd.s32 $0xFFFFFF80  }
0x1ec: {  	_ =	swait.ge [sflag:s16], $0x80  }
0x1ed: {  	[sflag:s16] =	ssyncset.done $0x0  }
0x1ee: {  	[sflag:s16] =	ssyncadd.s32 $0xFFFFFF80  }
0x1ef: {  	_ =	swait.ge [sflag:s16], $0x80  }
0x1f0: {  	[sflag:s16] =	ssyncset.done $0x0  }
0x1f1: {  	[sflag:s16] =	ssyncadd.s32 $0xFFFFFF80  }
.Ltmp31:
0x1f2: {  	_ =	swait.ge [sflag:s16], $0x80;
	(pc) =	sbr.rel @p0 .LBB3_49-.Ltmp31, $4  }
0x1f3: {  	[sflag:s16] =	ssyncset.done $0x0  }
0x1f4: {  	[sflag:s16] =	ssyncadd.s32 $0xFFFFFF80  }
0x1f5: {  	_ =	swait.ge [sflag:s16], $0x80  }
0x1f6: {  	s28 =	smov.u32 s20;
	[sflag:s16] =	ssyncset.done $0x0  }
0x1f7: {  	s15 =	sshra.s32 s22, $0x2;
	[sflag:s16] =	ssyncadd.s32 $0xFFFFFF80  }
0x1f8: {  	[tilespmem:s30], [sflag:$0x1] =	stream.indirect.gather [spmem:s0], $0x1, s15, s25, $0xb8;
	[tilespmem:$0x7C00] =	vst v63  }
0x1f9: {  	_ = 	snop  }
0x1fa: {  	[tilespmem:s23], [sflag:$0x1] =	stream.indirect.gather [spmem:s2], $0x1, s15, s25, $0xb8;
	[tilespmem:$0x7C00] =	vst v63  }
0x1fb: {  	_ = 	snop  }
0x1fc: {  	[tilespmem:s21], [sflag:$0x1] =	stream.indirect.gather [spmem:s4], $0x1, s15, s25, $0xb8;
	[tilespmem:$0x7C00] =	vst v63  }
0x1fd: {  	_ = 	snop  }
0x1fe: {  	[tilespmem:s26], [sflag:$0x1] =	stream.indirect.gather [spmem:s6], $0x1, s15, s25, $0xb8;
	[tilespmem:$0x7C00] =	vst v63  }
0x1ff: {  	_ = 	snop  }
0x200: {  	[tilespmem:s13], [sflag:$0x1] =	stream.indirect.gather [spmem:s8], $0x1, s15, s25, $0xb8;
	[tilespmem:$0x7C00] =	vst v63  }
0x201: {  	_ = 	snop  }
0x202: {  	[tilespmem:s19], [sflag:$0x1] =	stream.indirect.gather [spmem:s10], $0x1, s15, s25, $0xb8;
	[tilespmem:$0x7C00] =	vst v63  }
0x203: {  	_ = 	snop  }
0x204: {  	[tilespmem:s29], [sflag:$0x1] =	stream.indirect.gather [spmem:s12], $0x1, s15, s25, $0xb8;
	[tilespmem:$0x7C00] =	vst v63  }
0x205: {  	_ = 	snop  }
0x206: {  	[tilespmem:s31], [sflag:$0x1] =	stream.indirect.gather [spmem:s17], $0x1, s15, s25, $0xb8;
	[tilespmem:$0x7C00] =	vst v63  }
0x207: {  	_ =	swait.ge [sflag:s16], $0x80  }
0x208: {  	[sflag:s16] =	ssyncset.done $0x0  }
0x209: {  	[sflag:s16] =	ssyncadd.s32 $0xFFFFFF80  }
0x20a: {  	_ =	swait.ge [sflag:s16], $0x80  }
0x20b: {  	[sflag:s16] =	ssyncset.done $0x0  }
0x20c: {  	[sflag:s16] =	ssyncadd.s32 $0xFFFFFF80  }
0x20d: {  	_ =	swait.ge [sflag:s16], $0x80  }
0x20e: {  	[sflag:s16] =	ssyncset.done $0x0  }
0x20f: {  	[sflag:s16] =	ssyncadd.s32 $0xFFFFFF80  }
0x210: {  	_ =	swait.ge [sflag:s16], $0x80  }
0x211: {  	[sflag:s16] =	ssyncset.done $0x0  }
0x212: {  	[sflag:s16] =	ssyncadd.s32 $0xFFFFFF80  }
0x213: {  	_ =	swait.ge [sflag:s16], $0x80  }
0x214: {  	[sflag:s16] =	ssyncset.done $0x0  }
0x215: {  	[sflag:s16] =	ssyncadd.s32 $0xFFFFFF80  }
0x216: {  	_ =	swait.ge [sflag:s16], $0x80  }
0x217: {  	[sflag:s16] =	ssyncset.done $0x0  }
0x218: {  	[sflag:s16] =	ssyncadd.s32 $0xFFFFFF80  }
0x219: {  	_ =	swait.ge [sflag:s16], $0x80  }
0x21a: {  	[sflag:s16] =	ssyncset.done $0x0  }
0x21b: {  	[sflag:s16] =	ssyncadd.s32 $0xFFFFFF80  }
0x21c: {  	_ =	swait.ge [sflag:s16], $0x80  }
0x21d: {  	[sflag:s16] =	ssyncset.done $0x0  }
0x21e: {  	s15 =	sadd.s32 $0x2800, s15;
	[sflag:s16] =	ssyncadd.s32 $0xFFFFFF80  }
0x21f: {  	[spmem:s1] =	stream.indirect.scatter.add.f32 [tilespmem:s30], [sflag:$0x1], $0x1, s15, s25, $0xb8;
	[tilespmem:$0x7C00] =	vst v63  }
0x220: {  	_ = 	snop  }
0x221: {  	[spmem:s3] =	stream.indirect.scatter.add.f32 [tilespmem:s23], [sflag:$0x1], $0x1, s15, s25, $0xb8;
	[tilespmem:$0x7C00] =	vst v63  }
0x222: {  	_ = 	snop  }
0x223: {  	[spmem:s5] =	stream.indirect.scatter.add.f32 [tilespmem:s21], [sflag:$0x1], $0x1, s15, s25, $0xb8;
	[tilespmem:$0x7C00] =	vst v63  }
0x224: {  	_ = 	snop  }
0x225: {  	[spmem:s7] =	stream.indirect.scatter.add.f32 [tilespmem:s26], [sflag:$0x1], $0x1, s15, s25, $0xb8;
	[tilespmem:$0x7C00] =	vst v63  }
0x226: {  	_ = 	snop  }
0x227: {  	[spmem:s9] =	stream.indirect.scatter.add.f32 [tilespmem:s13], [sflag:$0x1], $0x1, s15, s25, $0xb8;
	[tilespmem:$0x7C00] =	vst v63  }
0x228: {  	_ = 	snop  }
0x229: {  	[spmem:s11] =	stream.indirect.scatter.add.f32 [tilespmem:s19], [sflag:$0x1], $0x1, s15, s25, $0xb8;
	[tilespmem:$0x7C00] =	vst v63  }
0x22a: {  	_ = 	snop  }
0x22b: {  	[spmem:s14] =	stream.indirect.scatter.add.f32 [tilespmem:s29], [sflag:$0x1], $0x1, s15, s25, $0xb8;
	[tilespmem:$0x7C00] =	vst v63  }
0x22c: {  	_ = 	snop  }
0x22d: {  	[spmem:s18] =	stream.indirect.scatter.add.f32 [tilespmem:s31], [sflag:$0x1], $0x1, s15, s25, $0xb8;
	[tilespmem:$0x7C00] =	vst v63  }
0x22e: {  	_ =	swait.ge [sflag:s16], $0x80  }
0x22f: {  	[sflag:s16] =	ssyncset.done $0x0  }
0x230: {  	[sflag:s16] =	ssyncadd.s32 $0xFFFFFF80  }
0x231: {  	_ =	swait.ge [sflag:s16], $0x80  }
0x232: {  	[sflag:s16] =	ssyncset.done $0x0  }
0x233: {  	[sflag:s16] =	ssyncadd.s32 $0xFFFFFF80  }
0x234: {  	_ =	swait.ge [sflag:s16], $0x80  }
0x235: {  	[sflag:s16] =	ssyncset.done $0x0  }
0x236: {  	[sflag:s16] =	ssyncadd.s32 $0xFFFFFF80  }
0x237: {  	_ =	swait.ge [sflag:s16], $0x80  }
0x238: {  	[sflag:s16] =	ssyncset.done $0x0  }
0x239: {  	[sflag:s16] =	ssyncadd.s32 $0xFFFFFF80  }
0x23a: {  	_ =	swait.ge [sflag:s16], $0x80  }
0x23b: {  	[sflag:s16] =	ssyncset.done $0x0  }
0x23c: {  	[sflag:s16] =	ssyncadd.s32 $0xFFFFFF80  }
0x23d: {  	_ =	swait.ge [sflag:s16], $0x80  }
0x23e: {  	[sflag:s16] =	ssyncset.done $0x0  }
0x23f: {  	[sflag:s16] =	ssyncadd.s32 $0xFFFFFF80  }
0x240: {  	_ =	swait.ge [sflag:s16], $0x80  }
0x241: {  	[sflag:s16] =	ssyncset.done $0x0  }
0x242: {  	[sflag:s16] =	ssyncadd.s32 $0xFFFFFF80  }
0x243: {  	_ =	swait.ge [sflag:s16], $0x80  }
0x244: {  	s28 =	sld [smem:$0x7EC];
	_ =	sdelay $0x1  }
0x245: {  	s22 =	stileid.u32;
	p0 =	por !p1, !p1;
	[sflag:s16] =	ssyncset.done $0x0  }
0x246: {  	p5 =	sne.s32 s22, $0x1;
	[sflag:s16] =	ssyncadd.s32 $0xFFFFFF80;
	p4 =	sne.s32 s28, $0x0  }
0x247: {  	p1 =	por p5, p0;
	[bflag:$0x0] =	sbarrier.arrive $0xFFFF;
	s15 =	sshll.u32 @!p4 s22, $0x6  }
0x248: {  	s28 =	rddreg [dreg:$0x18];
	s20 =	sshrl.u32 @!p4 s1, $0x3;
	s15 =	sor.u32 @!p4 $0x1C02, s15  }
0x249: {  	[hbm:s28], [sflag:s15] =	dma.local @!p4 [spmem:s20], $0x500  }
.Ltmp32:
0x24a: {  	_ = 	snop;
	(pc) =	sbr.rel @p1 .LBB3_54-.Ltmp32, $4  }
0x24b: {  	s15 =	simm.s32 @!p4 $0x2  }
0x24c: {  	_ =	swait.ge @!p4 [sflag:s15], $0x500  }
0x24d: {  	[sflag:s15] =	ssyncset.done @!p4 $0x0  }
0x24e: {  	[sflag:s15] =	ssyncadd.s32 @!p4 $0xFFFFFB00  }
0x24f: {  	s15 =	sshrl.u32 s3, $0x3;
	s20 =	rddreg [dreg:$0x19];
	s28 =	simm.s32 $0x1C42  }
0x250: {  	[hbm:s20], [sflag:s28] =	dma.local [spmem:s15], $0x500  }
0x251: {  	_ =	swait.ge [sflag:s24], $0x500  }
0x252: {  	[sflag:s24] =	ssyncset.done $0x0  }
0x253: {  	[sflag:s24] =	ssyncadd.s32 $0xFFFFFB00  }
.LBB3_52:
0x254: {  	s15 =	sld [smem:$0x7EE];
	_ =	sdelay $0x2  }
0x255: {  	p0 =	seq.s32 s15, $0x1  }
.Ltmp33:
0x256: {  	_ = 	snop;
	(pc) =	sbr.rel @!p0 .LBB3_56-.Ltmp33, $1  }
0x257: {  	_ =	sdelay $0x3  }
.Ltmp34:
0x258: {  	(pc) =	sbr.rel .LBB3_80-.Ltmp34, $3  }
0x259: {  	s20 =	sld [smem:$0x7E1];
	_ =	sdelay $0x1  }
0x25a: {  	s15 =	sshrl.u32 s3, $0x3;
	s28 =	simm.s32 $0x1C42  }
0x25b: {  	[hbm:s20], [sflag:s28] =	dma.local [spmem:s15], $0x500  }
.LBB3_54:
0x25c: {  	p1 =	por p6, p0  }
.Ltmp35:
0x25d: {  	_ = 	snop;
	(pc) =	sbr.rel @p1 .LBB3_58-.Ltmp35, $1  }
0x25e: {  	_ =	sdelay $0x3  }
0x25f: {  	s15 =	sshrl.u32 s5, $0x3;
	s20 =	rddreg [dreg:$0x1a];
	s28 =	simm.s32 $0x1C82  }
0x260: {  	[hbm:s20], [sflag:s28] =	dma.local [spmem:s15], $0x500  }
0x261: {  	_ =	swait.ge [sflag:s24], $0x500  }
0x262: {  	[sflag:s24] =	ssyncset.done $0x0  }
0x263: {  	[sflag:s24] =	ssyncadd.s32 $0xFFFFFB00  }
.LBB3_56:
0x264: {  	s15 =	sld [smem:$0x7EF];
	_ =	sdelay $0x2  }
0x265: {  	p0 =	seq.s32 s15, $0x1  }
.Ltmp36:
0x266: {  	_ = 	snop;
	(pc) =	sbr.rel @!p0 .LBB3_60-.Ltmp36, $1  }
0x267: {  	_ =	sdelay $0x3  }
.Ltmp37:
0x268: {  	(pc) =	sbr.rel .LBB3_80-.Ltmp37, $3  }
0x269: {  	s20 =	sld [smem:$0x7E2];
	_ =	sdelay $0x1  }
0x26a: {  	s15 =	sshrl.u32 s5, $0x3;
	s28 =	simm.s32 $0x1C82  }
0x26b: {  	[hbm:s20], [sflag:s28] =	dma.local [spmem:s15], $0x500  }
.LBB3_58:
0x26c: {  	p1 =	sne.s32 s22, $0x3  }
0x26d: {  	p1 =	por p1, p0  }
.Ltmp38:
0x26e: {  	_ = 	snop;
	(pc) =	sbr.rel @p1 .LBB3_62-.Ltmp38, $1  }
0x26f: {  	_ =	sdelay $0x3  }
0x270: {  	s15 =	sshrl.u32 s7, $0x3;
	s20 =	rddreg [dreg:$0x1b];
	s28 =	simm.s32 $0x1CC2  }
0x271: {  	[hbm:s20], [sflag:s28] =	dma.local [spmem:s15], $0x500  }
0x272: {  	_ =	swait.ge [sflag:s24], $0x500  }
0x273: {  	[sflag:s24] =	ssyncset.done $0x0  }
0x274: {  	[sflag:s24] =	ssyncadd.s32 $0xFFFFFB00  }
.LBB3_60:
0x275: {  	s15 =	sld [smem:$0x7F0];
	_ =	sdelay $0x2  }
0x276: {  	p0 =	seq.s32 s15, $0x1  }
.Ltmp39:
0x277: {  	_ = 	snop;
	(pc) =	sbr.rel @!p0 .LBB3_64-.Ltmp39, $1  }
0x278: {  	_ =	sdelay $0x3  }
.Ltmp40:
0x279: {  	(pc) =	sbr.rel .LBB3_80-.Ltmp40, $3  }
0x27a: {  	s20 =	sld [smem:$0x7E3];
	_ =	sdelay $0x1  }
0x27b: {  	s15 =	sshrl.u32 s7, $0x3;
	s28 =	simm.s32 $0x1CC2  }
0x27c: {  	[hbm:s20], [sflag:s28] =	dma.local [spmem:s15], $0x500  }
.LBB3_62:
0x27d: {  	p1 =	sne.s32 s22, $0x4  }
0x27e: {  	p1 =	por p1, p0  }
.Ltmp41:
0x27f: {  	_ = 	snop;
	(pc) =	sbr.rel @p1 .LBB3_66-.Ltmp41, $1  }
0x280: {  	_ =	sdelay $0x3  }
0x281: {  	s15 =	sshrl.u32 s9, $0x3;
	s20 =	rddreg [dreg:$0x1c];
	s28 =	simm.s32 $0x1D02  }
0x282: {  	[hbm:s20], [sflag:s28] =	dma.local [spmem:s15], $0x500  }
0x283: {  	_ =	swait.ge [sflag:s24], $0x500  }
0x284: {  	[sflag:s24] =	ssyncset.done $0x0  }
0x285: {  	[sflag:s24] =	ssyncadd.s32 $0xFFFFFB00  }
.LBB3_64:
0x286: {  	s15 =	sld [smem:$0x7F1];
	_ =	sdelay $0x2  }
0x287: {  	p0 =	seq.s32 s15, $0x1  }
.Ltmp42:
0x288: {  	_ = 	snop;
	(pc) =	sbr.rel @!p0 .LBB3_68-.Ltmp42, $1  }
0x289: {  	_ =	sdelay $0x3  }
.Ltmp43:
0x28a: {  	(pc) =	sbr.rel .LBB3_80-.Ltmp43, $3  }
0x28b: {  	s20 =	sld [smem:$0x7E4];
	_ =	sdelay $0x1  }
0x28c: {  	s15 =	sshrl.u32 s9, $0x3;
	s28 =	simm.s32 $0x1D02  }
0x28d: {  	[hbm:s20], [sflag:s28] =	dma.local [spmem:s15], $0x500  }
.LBB3_66:
0x28e: {  	p1 =	sne.s32 s22, $0x5  }
0x28f: {  	p1 =	por p1, p0  }
.Ltmp44:
0x290: {  	_ = 	snop;
	(pc) =	sbr.rel @p1 .LBB3_70-.Ltmp44, $1  }
0x291: {  	_ =	sdelay $0x3  }
0x292: {  	s15 =	sshrl.u32 s11, $0x3;
	s20 =	rddreg [dreg:$0x1d];
	s28 =	simm.s32 $0x1D42  }
0x293: {  	[hbm:s20], [sflag:s28] =	dma.local [spmem:s15], $0x500  }
0x294: {  	_ =	swait.ge [sflag:s24], $0x500  }
0x295: {  	[sflag:s24] =	ssyncset.done $0x0  }
0x296: {  	[sflag:s24] =	ssyncadd.s32 $0xFFFFFB00  }
.LBB3_68:
0x297: {  	s15 =	sld [smem:$0x7F2];
	_ =	sdelay $0x2  }
0x298: {  	p0 =	seq.s32 s15, $0x1  }
.Ltmp45:
0x299: {  	_ = 	snop;
	(pc) =	sbr.rel @!p0 .LBB3_72-.Ltmp45, $1  }
0x29a: {  	_ =	sdelay $0x3  }
.Ltmp46:
0x29b: {  	(pc) =	sbr.rel .LBB3_80-.Ltmp46, $3  }
0x29c: {  	s20 =	sld [smem:$0x7E5];
	_ =	sdelay $0x1  }
0x29d: {  	s15 =	sshrl.u32 s11, $0x3;
	s28 =	simm.s32 $0x1D42  }
0x29e: {  	[hbm:s20], [sflag:s28] =	dma.local [spmem:s15], $0x500  }
.LBB3_70:
0x29f: {  	p1 =	sne.s32 s22, $0x6  }
0x2a0: {  	p1 =	por p1, p0  }
.Ltmp47:
0x2a1: {  	_ = 	snop;
	(pc) =	sbr.rel @p1 .LBB3_74-.Ltmp47, $1  }
0x2a2: {  	_ =	sdelay $0x3  }
0x2a3: {  	s15 =	sshrl.u32 s14, $0x3;
	s20 =	rddreg [dreg:$0x1e];
	s28 =	simm.s32 $0x1D82  }
0x2a4: {  	[hbm:s20], [sflag:s28] =	dma.local [spmem:s15], $0x500  }
0x2a5: {  	_ =	swait.ge [sflag:s24], $0x500  }
0x2a6: {  	[sflag:s24] =	ssyncset.done $0x0  }
0x2a7: {  	[sflag:s24] =	ssyncadd.s32 $0xFFFFFB00  }
.LBB3_72:
0x2a8: {  	s15 =	sld [smem:$0x7F3];
	_ =	sdelay $0x2  }
0x2a9: {  	p0 =	seq.s32 s15, $0x1  }
.Ltmp48:
0x2aa: {  	_ = 	snop;
	(pc) =	sbr.rel @!p0 .LBB3_76-.Ltmp48, $1  }
0x2ab: {  	_ =	sdelay $0x3  }
.Ltmp49:
0x2ac: {  	(pc) =	sbr.rel .LBB3_80-.Ltmp49, $3  }
0x2ad: {  	s20 =	sld [smem:$0x7E6];
	_ =	sdelay $0x1  }
0x2ae: {  	s15 =	sshrl.u32 s14, $0x3;
	s28 =	simm.s32 $0x1D82  }
0x2af: {  	[hbm:s20], [sflag:s28] =	dma.local [spmem:s15], $0x500  }
.LBB3_74:
0x2b0: {  	p1 =	sne.s32 s22, $0x7  }
0x2b1: {  	p0 =	por p1, p0  }
.Ltmp50:
0x2b2: {  	_ = 	snop;
	(pc) =	sbr.rel @p0 .LBB3_78-.Ltmp50, $1  }
0x2b3: {  	_ =	sdelay $0x3  }
0x2b4: {  	s15 =	sshrl.u32 s18, $0x3;
	s20 =	rddreg [dreg:$0x1f];
	s28 =	simm.s32 $0x1DC2  }
0x2b5: {  	[hbm:s20], [sflag:s28] =	dma.local [spmem:s15], $0x500  }
0x2b6: {  	_ =	swait.ge [sflag:s24], $0x500  }
0x2b7: {  	[sflag:s24] =	ssyncset.done $0x0  }
0x2b8: {  	[sflag:s24] =	ssyncadd.s32 $0xFFFFFB00  }
.LBB3_76:
0x2b9: {  	s15 =	sld [smem:$0x7F4];
	_ =	sdelay $0x2  }
0x2ba: {  	p0 =	seq.s32 s15, $0x1  }
.Ltmp51:
0x2bb: {  	_ = 	snop;
	(pc) =	sbr.rel @!p0 .LBB3_81-.Ltmp51, $2  }
0x2bc: {  	_ =	sdelay $0x2  }
0x2bd: {  	s20 =	sld [smem:$0x7DF]  }
0x2be: {  	s20 =	sld [smem:$0x7E7];
	_ =	sdelay $0x1  }
0x2bf: {  	s15 =	sshrl.u32 s18, $0x3;
	s28 =	simm.s32 $0x1DC2  }
0x2c0: {  	[hbm:s20], [sflag:s28] =	dma.local [spmem:s15], $0x500  }
.LBB3_80:
0x2c1: {  	_ =	swait.ge [sflag:s24], $0x500  }
0x2c2: {  	[sflag:s24] =	ssyncset.done $0x0  }
0x2c3: {  	s20 =	sld [smem:$0x7DF];
	[sflag:s24] =	ssyncadd.s32 $0xFFFFFB00  }
.LBB3_81:
0x2c4: {  	s15 =	sld [smem:$0x7F5];
	_ =	sdelay $0x1  }
0x2c5: {  	s20 =	sadd.s32 $0x1, s20  }
0x2c6: {  	p0 =	sne.s32 s20, s15  }
.Ltmp52:
0x2c7: {  	_ = 	snop;
	(pc) =	sbr.rel @p0 .LBB3_1-.Ltmp52, $4  }
.Ltmp53:
0x2c8: {  	_ = 	snop;
	(pc) =	sbr.rel @!p0 .LBB3_82-.Ltmp53, $4  }
0x2c9: {  	_ = 	snop  }
0x2ca: {  	_ = 	snop  }
0x2cb: {  	_ = 	snop  }
0x2cc: {  	_ = 	snop  }
.LBB3_78:
0x2cd: {  	s15 =	sld [smem:$0x7ED];
	_ =	sdelay $0x2  }
0x2ce: {  	p0 =	seq.s32 s15, $0x1  }
.Ltmp54:
0x2cf: {  	_ = 	snop;
	(pc) =	sbr.rel @!p0 .LBB3_52-.Ltmp54, $1  }
0x2d0: {  	_ =	sdelay $0x3  }
.Ltmp55:
0x2d1: {  	(pc) =	sbr.rel .LBB3_80-.Ltmp55, $3  }
0x2d2: {  	s20 =	sld [smem:$0x7E0];
	_ =	sdelay $0x1  }
0x2d3: {  	s15 =	sshrl.u32 s1, $0x3;
	s28 =	simm.s32 $0x1C02  }
0x2d4: {  	[hbm:s20], [sflag:s28] =	dma.local [spmem:s15], $0x500  }
.LBB3_82:
0x2d5: {  	_ =	sfence.sel $0x180000  }
0x2d6: {  	[bflag:$0x0] =	sbarrier.arrive $0xFFFF  }
0x2d7: {  	_ =	strace $0x9000004A  }
0x2d8: {  	[bflag:$0x2] =	sbarrier.arrive $0xFFFF  }
0x2d9: {  	s1 =	sld [smem:$0x7FD];
	_ =	sdelay $0x2  }
0x2da: {  	s0 =	rddreg [dreg:$0xe];
	p0 =	seq.s32 s1, $0x1  }
0x2db: {  	s0 =	sadd.s32 @!p0 $0x100000, s0  }
0x2dc: {  	[sflag:s0] =	ssyncadd.tile.s32 @!p0 $0x1;
	_ =	shalt  }
.Lfunc_end3:
_tile_overlayer_lowered:
.L_overlay_start_3:
0x2dd: {  	(tag) =	ssettag $0x3  }
0x2de: {  	s0 =	rddreg [dreg:$0x0];
	s2 =	stileid.u32  }
0x2df: {  	s1 =	rddreg [dreg:$0x1];
	p0 =	sne.s32 s2, $0x0  }
0x2e0: {  	s3 =	rddreg [dreg:$0x2];
	[bflag:$0x3] =	sbarrier.arrive $0xFFFF;
	s2 =	simm.s32 @!p0 $0x1C02  }
0x2e1: {  	[timem:s3], [sflag:s2] =	dma.local @!p0 [hbm:s0], s1  }
0x2e2: {  	s0 =	simm.s32 @!p0 $0x2  }
0x2e3: {  	_ =	swait.ge @!p0 [sflag:s0], s1  }
0x2e4: {  	s1 =	ssub.s32 @!p0 $0x0, s1;
	[sflag:s0] =	ssyncset.done @!p0 $0x0  }
0x2e5: {  	[sflag:s0] =	ssyncadd.s32 @!p0 s1  }
0x2e6: {  	[bflag:$0x3] =	sbarrier.arrive $0xFFFF  }
0x2e7: {  	_ =	shalt  }

// kernel: kernel.15.cloned.1.call-start
scs
__scs_entry_jumppad:
0x0: {  	(pc) =	sbr.rel $0x88, $3  }
0x1: {  	(tag) =	ssettag $0x0;
	lr =	simm.s32 $0x1  }
0x2: {  	[smem:$0x3F99] =	sst lr;
	_ =	strace $0xD0000000  }
0x3: {  	_ = 	snop  }
0x4: {  	_ = 	snop  }
0x5: {  	_ = 	snop  }
0x6: {  	_ = 	snop  }
0x7: {  	_ = 	snop  }
__scs_overlays_trampoline_lowered:
0x8: {  	[smem:$0x3FA8] =	sst s0  }
0x9: {  	[smem:$0x3FA9] =	sst s1  }
0xa: {  	[smem:$0x3FAA] =	sst s2  }
0xb: {  	[smem:$0x3FAB] =	sst s3  }
0xc: {  	[smem:$0x3FAC] =	sst s4  }
0xd: {  	[smem:$0x3FAD] =	sst s5  }
0xe: {  	[smem:$0x3FAE] =	sst s6  }
0xf: {  	[smem:$0x3FAF] =	sst s7  }
0x10: {  	[smem:$0x3FB0] =	sst s8  }
0x11: {  	[smem:$0x3FB1] =	sst s9;
	s0 =	simm.s32 @!p0 $0x0  }
0x12: {  	s1 =	sld [smem:$0x3F97];
	s0 =	simm.s32 @p0 $0x1  }
0x13: {  	[smem:$0x3FB2] =	sst s0;
	s0 =	simm.s32 @!p1 $0x0  }
0x14: {  	s2 =	sld [smem:$0x3F96];
	s0 =	simm.s32 @p1 $0x1  }
0x15: {  	[smem:$0x3FB3] =	sst s0;
	s0 =	simm.s32 @!p2 $0x0  }
0x16: {  	s3 =	sld [smem:$0x3FDB];
	s0 =	simm.s32 @p2 $0x1  }
0x17: {  	s4 =	simm.s32 $0x1BF5;
	[smem:$0x3FB5] =	sst s0  }
0x18: {  	s0 =	sld [smem:$0x3F98];
	_ =	swait.ge [sflag:s4], $0x0  }
0x19: {  	s7 =	sld [smem:$0x3F99]  }
0x1a: {  	s8 =	sadd.s32 $0xFFFFE003, lr  }
0x1b: {  	s9 =	sadd.s32 $0xFFFFFEF7, lr;
	s5 =	simm.s32 $0xFFFFFFFF;
	p2 =	slt.u32 s8, $0xFFFFF086  }
0x1c: {  	p1 =	slt.u32 s9, $0xF7A;
	s5 =	simm.s32 @!p2 $0x0  }
0x1d: {  	s5 =	simm.s32 @p1 $0x1;
	p0 =	seq.s32 s7, s2  }
0x1e: {  	s7 =	smul.u32 @!p0 $0xF7A, s2;
	p2 =	seq.s32 @!p0 s5, $0x0  }
0x1f: {  	s9 =	smul.u32 $0xF7A, s1;
	s8 =	simm.s32 @!p0 $0x1BF5;
	p2 =	por !p2, p0  }
0x20: {  	[sflag:s8] =	ssyncset.s32 @!p0 $0xFFFFF086;
	s6 =	sadd.s32 @!p0 s3, s7;
	s7 =	simm.s32 @!p0 $0x108  }
0x21: {  	s3 =	sadd.s32 s3, s9;
	s6 =	sadd.s32 @!p0 $0x88, s6;
	s7 =	simm.s32 @p2 $0x1082  }
0x22: {  	[simem:s7], [sflag:s8] =	dma.local @!p0 [hbm:s6], $0xF7A  }
0x23: {  	s9 =	sor.u32 $0xD0000000, s2;
	s6 =	simm.s32 $0x108;
	_ =	swait.ge @!p0 [sflag:s8], $0x0  }
0x24: {  	s3 =	sadd.s32 $0x88, s3;
	s6 =	simm.s32 @!p1 $0x1082;
	[sflag:s4] =	ssyncset.s32 $0xFFFFF086  }
0x25: {  	[simem:s6], [sflag:s4] =	dma.local [hbm:s3], $0xF7A  }
0x26: {  	[smem:$0x3F99] =	sst s1;
	(tag) =	ssettag s2;
	_ =	strace s9  }
0x27: {  	s1 =	sld [smem:$0x3FA9]  }
0x28: {  	s2 =	sld [smem:$0x3FAA]  }
0x29: {  	s4 =	sld [smem:$0x3FAC]  }
0x2a: {  	p0 =	seq.s32 s5, $0x0;
	s5 =	sld [smem:$0x3FAD]  }
0x2b: {  	s6 =	sld [smem:$0x3FAE]  }
0x2c: {  	s7 =	sld [smem:$0x3FAF]  }
0x2d: {  	s3 =	simm.s32 $0x108;
	s8 =	sld [smem:$0x3FB0]  }
0x2e: {  	s3 =	simm.s32 @!p0 $0x1082;
	s9 =	sld [smem:$0x3FB1]  }
0x2f: {  	lr =	sadd.s32 s0, s3;
	s0 =	sld [smem:$0x3FA8]  }
0x30: {  	s3 =	sld [smem:$0x3FAB]  }
0x31: {  	[smem:$0x3FB4] =	sst s10  }
0x32: {  	s10 =	sld [smem:$0x3FB2];
	_ =	sdelay $0x3  }
0x33: {  	p0 =	seq.s32 s10, $0x1;
	s10 =	sld [smem:$0x3FB4];
	_ =	sdelay $0x3  }
0x34: {  	[smem:$0x3FB4] =	sst s10  }
0x35: {  	s10 =	sld [smem:$0x3FB3];
	_ =	sdelay $0x3  }
0x36: {  	p1 =	seq.s32 s10, $0x1;
	s10 =	sld [smem:$0x3FB4];
	_ =	sdelay $0x3  }
0x37: {  	[smem:$0x3FB4] =	sst s10  }
0x38: {  	s10 =	sld [smem:$0x3FB5]  }
0x39: {  	_ = 	snop;
	(pc) =	sbr.ind lr, $3  }
0x3a: {  	_ = 	snop  }
0x3b: {  	_ = 	snop  }
0x3c: {  	p2 =	seq.s32 s10, $0x1;
	s10 =	sld [smem:$0x3FB4]  }
0x3d: {  	_ =	shalt  }
0x3e: {  	_ =	shalt  }
0x3f: {  	_ =	shalt  }
0x40: {  	_ =	shalt  }
0x41: {  	_ =	shalt  }
0x42: {  	_ =	shalt  }
0x43: {  	_ =	shalt  }
0x44: {  	_ =	shalt  }
0x45: {  	_ =	shalt  }
0x46: {  	_ =	shalt  }
0x47: {  	_ =	shalt  }
0x48: {  	_ =	shalt  }
0x49: {  	_ =	shalt  }
0x4a: {  	_ =	shalt  }
0x4b: {  	_ =	shalt  }
0x4c: {  	_ =	shalt  }
0x4d: {  	_ =	shalt  }
0x4e: {  	_ =	shalt  }
0x4f: {  	_ =	shalt  }
0x50: {  	_ =	shalt  }
0x51: {  	_ =	shalt  }
0x52: {  	_ =	shalt  }
0x53: {  	_ =	shalt  }
0x54: {  	_ =	shalt  }
0x55: {  	_ =	shalt  }
0x56: {  	_ =	shalt  }
0x57: {  	_ =	shalt  }
0x58: {  	_ =	shalt  }
0x59: {  	_ =	shalt  }
0x5a: {  	_ =	shalt  }
0x5b: {  	_ =	shalt  }
0x5c: {  	_ =	shalt  }
0x5d: {  	_ =	shalt  }
0x5e: {  	_ =	shalt  }
0x5f: {  	_ =	shalt  }
0x60: {  	_ =	shalt  }
0x61: {  	_ =	shalt  }
0x62: {  	_ =	shalt  }
0x63: {  	_ =	shalt  }
0x64: {  	_ =	shalt  }
0x65: {  	_ =	shalt  }
0x66: {  	_ =	shalt  }
0x67: {  	_ =	shalt  }
0x68: {  	_ =	shalt  }
0x69: {  	_ =	shalt  }
0x6a: {  	_ =	shalt  }
0x6b: {  	_ =	shalt  }
0x6c: {  	_ =	shalt  }
0x6d: {  	_ =	shalt  }
0x6e: {  	_ =	shalt  }
0x6f: {  	_ =	shalt  }
0x70: {  	_ =	shalt  }
0x71: {  	_ =	shalt  }
0x72: {  	_ =	shalt  }
0x73: {  	_ =	shalt  }
0x74: {  	_ =	shalt  }
0x75: {  	_ =	shalt  }
0x76: {  	_ =	shalt  }
0x77: {  	_ =	shalt  }
0x78: {  	_ =	shalt  }
0x79: {  	_ =	shalt  }
0x7a: {  	_ =	shalt  }
0x7b: {  	_ =	shalt  }
0x7c: {  	_ =	shalt  }
0x7d: {  	_ =	shalt  }
0x7e: {  	_ =	shalt  }
0x7f: {  	_ =	shalt  }
0x80: {  	_ =	shalt  }
0x81: {  	_ =	shalt  }
0x82: {  	_ =	shalt  }
0x83: {  	_ =	shalt  }
0x84: {  	_ =	shalt  }
0x85: {  	_ =	shalt  }
0x86: {  	_ =	shalt  }
0x87: {  	_ =	shalt  }
.Lfunc_end0:
.L_simem_size_0:
called_computation.2_lowered:
.L_overlay_start_0:
0x88: {  	s2 =	sld [smem:$0x3FD9]  }
0x89: {  	s3 =	sld [smem:$0x3FFE];
	_ =	sdelay $0x1  }
0x8a: {  	s1 =	srdreg.scid  }
0x8b: {  	s0 =	sand.u32 $0x1, s1  }
0x8c: {  	s16 =	sshll.u32 s0, $0xA;
	s2 =	sadd.s32 s3, s2  }
0x8d: {  	s2 =	sadd.s32 s2, s16  }
0x8e: {  	[smem:$0x3FC0] =	sst s2  }
0x8f: {  	_ = 	snop  }
0x90: {  	(tm) =	ssettm $0x1  }
0x91: {  	s17 =	sld [smem:$0x3FFB];
	_ =	sdelay $0x3  }
0x92: {  	_ =	strace s17  }
0x93: {  	s2 =	sld [smem:$0x3FFC];
	_ =	sdelay $0x3  }
0x94: {  	_ =	strace s2  }
0x95: {  	s2 =	sld [smem:$0x3FFD];
	_ =	sdelay $0x3  }
0x96: {  	_ =	strace s2  }
0x97: {  	_ =	strace $0x8FFFFFFF  }
0x98: {  	s18 =	sld [smem:$0x3FDB];
	_ =	sdelay $0x1  }
0x99: {  	s19 =	simm.s32 $_scs_section_size  }
0x9a: {  	s4 =	simm.s32 $_size__tile_overlayer_lowered;
	s5 =	simm.s32 $_tile_overlayer_lowered  }
0x9b: {  	s22 =	simm.s32 $0x1BFF;
	s21 =	sshll.u32 s5, $0x1;
	s2 =	sadd.s32 s19, s18  }
0x9c: {  	s6 =	simm.s32 $0x0;
	s20 =	sshll.u32 s4, $0x1;
	s4 =	sadd.s32 s21, s2  }
0x9d: {  	[timem:s6], [sflag:s22] =	dma.local [hbm:s4], s20  }
0x9e: {  	_ =	swait.ge [sflag:s22], s20  }
0x9f: {  	s3 =	ssub.s32 $0x0, s20;
	[sflag:s22] =	ssyncset.done $0x0  }
0xa0: {  	[sflag:s22] =	ssyncadd.s32 s3;
	_ =	sdelay $0x1  }
0xa1: {  	s23 =	simm.s32 $0x1B8B  }
0xa2: {  	_ =	swait.ge [sflag:s23], $0x1  }
0xa3: {  	[sflag:s23] =	ssyncset.done $0x0  }
0xa4: {  	s25 =	simm.s32 $0x1B8E;
	s24 =	sld [smem:$0x3FFE];
	[sflag:s23] =	ssyncadd.s32 $0xFFFFFFFF  }
0xa5: {  	s26 =	simm.s32 $execute0_lowered;
	[smem:$0x3FD2] =	sst s25  }
0xa6: {  	s4 =	sshll.u32 s26, $0x1;
	_ =	strace $0x8000004C;
	[dreg:$0x1] =	wrdreg $0xFFFFFFFF  }
0xa7: {  	s28 =	simm.s32 $_size_execute0_lowered;
	s2 =	sadd.s32 s2, s4;
	[dreg:$0x0] =	wrdreg $0x0  }
0xa8: {  	s4 =	sshll.u32 s28, $0x1;
	[dreg:$0x2] =	wrdreg s2  }
0xa9: {  	[dreg:$0x3] =	wrdreg s4  }
0xaa: {  	[dreg:$0x4] =	wrdreg $0xC0  }
0xab: {  	_ =	task [dreg:s6], $0x5FFFF  }
0xac: {  	[dreg:$0x1] =	wrdreg $0xFFFFFFFF  }
0xad: {  	[dreg:$0x0] =	wrdreg $0x60  }
0xae: {  	[dreg:$0x2] =	wrdreg s24  }
0xaf: {  	[dreg:$0x3] =	wrdreg $0x51000  }
0xb0: {  	[dreg:$0x4] =	wrdreg $0x56000  }
0xb1: {  	[dreg:$0x5] =	wrdreg $0x53800  }
0xb2: {  	[dreg:$0x6] =	wrdreg $0x58800  }
0xb3: {  	[dreg:$0x7] =	wrdreg $0x9  }
0xb4: {  	_ =	task.clear_ibuf [dreg:s6], $0x8FFFF;
	_ =	strace $0x9000004C  }
0xb5: {  	s29 =	simm.s32 $0x9;
	_ =	strace $0x8000004E  }
0xb6: {  	_ =	swait.ge [sflag:s29], $0x1  }
0xb7: {  	[sflag:s29] =	ssyncadd.s32 $0xFFFFFFFF  }
0xb8: {  	_ =	strace $0x9000004E  }
0xb9: {  	_ =	sfence  }
0xba: {  	s30 =	sld [smem:$0x0];
	_ =	sdelay $0x2  }
0xbb: {  	s31 =	sshll.u32 s1, $0xD;
	s1 =	sshrl.u32 s1, $0x2  }
0xbc: {  	s3 =	sand.u32 $0x4000, s31;
	s1 =	sadd.s32 s1, s30  }
0xbd: {  	s0 =	sor.u32 s3, s0;
	s1 =	sshll.u32 s1, $0x11  }
0xbe: {  	s0 =	sor.u32 s1, s0  }
0xbf: {  	s0 =	sadd.s32 $0x8F2B, s0  }
0xc0: {  	[sflag:s0] =	ssyncadd.remote.s32 $0x1  }
0xc1: {  	_ =	sfence.sel $0xFFFF  }
0xc2: {  	[dreg:$0x0] =	wrdreg $0xFFFFFFFF;
	(pc) =	sbr.abs _section_cstart, $3  }
0xc3: {  	[dreg:$0x1] =	wrdreg $0xFFFFFFFF  }
0xc4: {  	_ =	task.clear_ibuf [dreg:s6], $0x2FFFF;
	_ =	strace $0x9FFFFFFF  }
0xc5: {  	(tm) =	ssettm $0x7FFFFFFF  }
tec
execute0_lowered:
.L_overlay_start_1:
0x0: {  	(tag) =	ssettag $0x1  }
0x1: {  	s2 =	rddreg [dreg:$0x0]  }
0x2: {  	s0 =	rddreg [dreg:$0x1]  }
0x3: {  	s1 =	rddreg [dreg:$0x2];
	s4 =	srdreg.scid  }
0x4: {  	s3 =	rddreg [dreg:$0x3];
	s5 =	stileid.u32  }
0x5: {  	s6 =	simm.s32 $0x0;
	s18 =	simm.s32 $0x2800;
	s20 =	simm.s32 $0x1C02  }
0x6: {  	s23 =	simm.s32 $0x80;
	s24 =	simm.s32 $0x5000;
	s26 =	simm.s32 $0x1  }
0x7: {  	s28 =	simm.s32 $0x1C42;
	s16 =	sand.u32 $0x1, s4;
	s4 =	rddreg [dreg:$0x4]  }
0x8: {  	s30 =	simm.s32 $0x0;
	[smem:$0x7FF] =	sst s6;
	s8 =	sadd.s32 $0xCC00, s2  }
0x9: {  	s9 =	sadd.s32 $0xC600, s2;
	s10 =	sadd.s32 $0x17C00, s2;
	s11 =	sadd.s32 $0x18200, s2  }
0xa: {  	s12 =	sadd.s32 $0x18800, s2;
	s13 =	sadd.s32 $0x18E00, s2;
	p1 =	seq.s32 s5, $0x2  }
0xb: {  	p0 =	seq.s32 s5, $0x0;
	p5 =	seq.s32 s5, $0x1;
	s19 =	sshrl.u32 s0, $0x3  }
0xc: {  	s31 =	sshll.u32 s5, $0x6;
	s7 =	sshll.u32 s16, $0x4;
	_ =	strace $0x8000004D  }
0xd: {  	s14 =	ssub.s32 $0x2, s16;
	[dreg:$0x6] =	wrdreg s12;
	s12 =	simm.s32 @!p1 $0x0  }
0xe: {  	p2 =	seq.s32 s16, $0x0;
	s25 =	sor.u32 s5, s16;
	s12 =	simm.s32 @p1 $0x1  }
0xf: {  	s21 =	sor.u32 $0x1C02, s31;
	[smem:$0x7F7] =	sst s12;
	s12 =	simm.s32 @!p2 $0x0  }
0x10: {  	p1 =	por !p1, !p2;
	s12 =	simm.s32 @p2 $0x1;
	p2 =	seq.s32 s16, $0x1  }
0x11: {  	s22 =	sshrl.u32 s4, $0x3;
	s7 =	sor.u32 s5, s7;
	p0 =	por !p0, !p2  }
0x12: {  	s17 =	sshrl.u32 s14, $0x1;
	p4 =	sne.s32 s25, $0x0;
	p0 =	por !p0, !p0  }
0x13: {  	[smem:$0x7F8] =	sst s12;
	p6 =	por !p5, !p2;
	s12 =	simm.s32 @!p0 $0x0  }
0x14: {  	s25 =	simm.s32 $0x5080;
	s12 =	simm.s32 @p0 $0x1;
	p0 =	por !p6, !p6  }
0x15: {  	s7 =	smul.u32 $0x500, s7;
	[smem:$0x7F9] =	sst s12;
	s12 =	simm.s32 @!p0 $0x0  }
0x16: {  	s29 =	ssub.s32 s14, s17;
	s12 =	simm.s32 @p0 $0x1;
	p0 =	seq.s32 s5, $0x3  }
0x17: {  	s15 =	sadd.s32 s7, s2;
	s7 =	sadd.s32 $0x17600, s2;
	s2 =	simm.s32 @!p0 $0x0  }
0x18: {  	p3 =	por !p1, !p1;
	s2 =	simm.s32 @p0 $0x1;
	p0 =	sne.s32 s5, $0x0  }
.Ltmp0:
0x19: {  	[smem:$0x7FB] =	sst s2;
	s2 =	simm.s32 @!p0 $0x0;
	(pc) =	sbr.rel .LBB2_1-.Ltmp0, $4  }
0x1a: {  	s17 =	simm.s32 $0x2;
	p1 =	sne.s32 s5, $0x3;
	s2 =	simm.s32 @p0 $0x1  }
0x1b: {  	s16 =	smax.u32 s29, $0x1;
	[smem:$0x7FC] =	sst s2;
	s2 =	simm.s32 @!p1 $0x0  }
0x1c: {  	s14 =	sadd.s32 $0xD600, s15;
	[smem:$0x7FA] =	sst s12;
	s2 =	simm.s32 @p1 $0x1  }
0x1d: {  	s15 =	sadd.s32 $0x2600, s15;
	p0 =	sne.s32 s5, $0x1;
	[smem:$0x7FD] =	sst s2  }
.LBB2_19:
0x1e: {  	s2 =	sshrl.u32 s1, $0x3;
	s12 =	rddreg [dreg:$0x6]  }
0x1f: {  	[hbm:s12], [sflag:s20] =	dma.local [spmem:s2], $0x500  }
.LBB2_20:
0x20: {  	_ =	swait.ge [sflag:s17], $0x500  }
0x21: {  	[sflag:s17] =	ssyncset.done $0x0  }
0x22: {  	[sflag:s17] =	ssyncadd.s32 $0xFFFFFB00  }
.LBB2_21:
0x23: {  	s30 =	sadd.s32 $0x1, s30  }
0x24: {  	p1 =	sne.s32 s30, s16  }
.Ltmp1:
0x25: {  	_ = 	snop;
	(pc) =	sbr.rel @!p1 .LBB2_22-.Ltmp1, $1  }
0x26: {  	_ =	sdelay $0x3  }
.LBB2_1:
0x27: {  	[tilespmem:s6], [sflag:$0x2] =	stream.linear.gather [hbm4b:s14+s6], $0x2780, $0x38;
	[tilespmem:$0x5B00] =	vst v63  }
0x28: {  	_ =	swait.ge [sflag:s17], $0x2780  }
0x29: {  	[sflag:s17] =	ssyncset.done $0x0  }
0x2a: {  	[sflag:s17] =	ssyncadd.s32 $0xFFFFD880  }
0x2b: {  	[tilespmem:s18], [sflag:$0x2] =	stream.linear.gather [hbm4b:s15+s6], $0x2780, $0x38;
	[tilespmem:$0x5B00] =	vst v63  }
0x2c: {  	_ =	swait.ge [sflag:s17], $0x2780  }
0x2d: {  	s2 =	sld [smem:$0x7FC];
	_ =	sdelay $0x2  }
0x2e: {  	p1 =	seq.s32 s2, $0x1  }
.Ltmp2:
0x2f: {  	_ = 	snop;
	(pc) =	sbr.rel @!p1 .LBB2_2-.Ltmp2, $3  }
0x30: {  	_ =	sdelay $0x1  }
0x31: {  	[sflag:s17] =	ssyncset.done $0x0  }
0x32: {  	[sflag:s17] =	ssyncadd.s32 $0xFFFFD880  }
0x33: {  	s2 =	sshrl.u32 @p3 s1, $0x3;
	s31 =	simm.s32 @p3 $0x1C82  }
0x34: {  	[spmem:s2], [sflag:s31] =	dma.local @p3 [hbm:s7], $0x500  }
0x35: {  	s2 =	sld [smem:$0x7F7];
	_ =	sdelay $0x2  }
0x36: {  	p1 =	por @p3 $0x1, $0x1;
	p5 =	seq.s32 s2, $0x1  }
0x37: {  	p1 =	por @!p3 p5, p5  }
0x38: {  	s2 =	simm.s32 @p3 $0x2;
	p1 =	por !p1, !p2  }
0x39: {  	_ =	swait.ge @p3 [sflag:s2], $0x500;
	p5 =	por !p1, !p1  }
0x3a: {  	[sflag:s2] =	ssyncset.done @p3 $0x0;
	s31 =	sshll.u32 @p5 s5, $0x6  }
0x3b: {  	[sflag:s2] =	ssyncadd.s32 @p3 $0xFFFFFB00;
	s2 =	sor.u32 @p5 $0x1C02, s31;
	s31 =	sshrl.u32 @p5 s1, $0x3  }
0x3c: {  	[spmem:s31], [sflag:s2] =	dma.local @p5 [hbm:s9], $0x500  }
0x3d: {  	s2 =	simm.s32 @p5 $0x2  }
0x3e: {  	_ =	swait.ge @p5 [sflag:s2], $0x500  }
.Ltmp3:
0x3f: {  	s12 =	sld [smem:$0x7F8];
	(pc) =	sbr.rel @p0 .LBB2_5-.Ltmp3, $3  }
0x40: {  	_ =	sdelay $0x1  }
0x41: {  	p1 =	por @p3 $0x1, $0x1;
	[sflag:s2] =	ssyncset.done @p5 $0x0;
	p6 =	seq.s32 s12, $0x1  }
0x42: {  	[sflag:s2] =	ssyncadd.s32 @p5 $0xFFFFFB00;
	p1 =	por @!p3 p6, p6  }
.Ltmp4:
0x43: {  	(pc) =	sbr.rel .LBB2_11-.Ltmp4, $3  }
0x44: {  	_ =	sdelay $0x1  }
0x45: {  	s2 =	sshrl.u32 s3, $0x3  }
0x46: {  	[spmem:s2], [sflag:s28] =	dma.local [hbm:s8], $0x500  }
.LBB2_2:
0x47: {  	[spmem:s19], [sflag:s20] =	dma.local [hbm:s7], $0x500  }
.Ltmp5:
0x48: {  	s2 =	sld [smem:$0x7F8];
	(pc) =	sbr.rel .LBB2_8-.Ltmp5, $2  }
0x49: {  	s31 =	sld [smem:$0x7FB];
	_ =	sdelay $0x2  }
0x4a: {  	p1 =	seq.s32 s2, $0x1;
	p5 =	seq.s32 s31, $0x1  }
.LBB2_5:
0x4b: {  	s2 =	sld [smem:$0x7FD];
	_ =	sdelay $0x2  }
0x4c: {  	p5 =	por !p1, !p1;
	p6 =	seq.s32 s2, $0x1  }
0x4d: {  	p5 =	por p6, p5  }
.Ltmp6:
0x4e: {  	_ = 	snop;
	(pc) =	sbr.rel @p5 .LBB2_6-.Ltmp6, $1  }
0x4f: {  	_ =	sdelay $0x3  }
0x50: {  	s2 =	simm.s32 $0x1CC2;
	p5 =	por $0x1, $0x1  }
0x51: {  	[spmem:s22], [sflag:s2] =	dma.local [hbm:s8], $0x500  }
.LBB2_8:
.Ltmp7:
0x52: {  	(pc) =	sbr.rel .LBB2_9-.Ltmp7, $4  }
0x53: {  	_ = 	snop  }
0x54: {  	_ =	swait.ge [sflag:s17], $0x500  }
0x55: {  	[sflag:s17] =	ssyncset.done $0x0  }
0x56: {  	[sflag:s17] =	ssyncadd.s32 $0xFFFFFB00  }
.LBB2_6:
0x57: {  	s2 =	sld [smem:$0x7FB];
	_ =	sdelay $0x2  }
0x58: {  	p5 =	seq.s32 s2, $0x1  }
.LBB2_9:
0x59: {  	p5 =	por !p5, !p2  }
0x5a: {  	p5 =	por !p5, !p5  }
.Ltmp8:
0x5b: {  	_ = 	snop;
	(pc) =	sbr.rel @!p5 .LBB2_12-.Ltmp8, $1  }
0x5c: {  	_ =	sdelay $0x3  }
0x5d: {  	[spmem:s22], [sflag:s21] =	dma.local [hbm:s9], $0x500  }
.LBB2_11:
0x5e: {  	_ =	swait.ge [sflag:s17], $0x500  }
0x5f: {  	[sflag:s17] =	ssyncset.done $0x0  }
0x60: {  	[sflag:s17] =	ssyncadd.s32 $0xFFFFFB00  }
.LBB2_12:
0x61: {  	[bflag:$0x0] =	sbarrier.arrive $0xFFFF;
	s2 =	simm.s32 $0x0  }
0x62: {  	[tilespmem:s24], [sflag:$0x1] =	stream.indirect.gather [spmem:s0], $0x1, s2, s23, $0xb8;
	[tilespmem:$0x5B00] =	vst v63  }
0x63: {  	_ = 	snop  }
0x64: {  	[tilespmem:s25], [sflag:$0x1] =	stream.indirect.gather [spmem:s3], $0x1, s2, s23, $0xb8;
	[tilespmem:$0x5B00] =	vst v63  }
0x65: {  	_ =	swait.ge [sflag:s26], $0x80  }
0x66: {  	[sflag:s26] =	ssyncset.done $0x0  }
0x67: {  	[sflag:s26] =	ssyncadd.s32 $0xFFFFFF80  }
0x68: {  	_ =	swait.ge [sflag:s26], $0x80  }
0x69: {  	[sflag:s26] =	ssyncset.done $0x0  }
0x6a: {  	s29 =	simm.s32 $0x2800;
	[sflag:s26] =	ssyncadd.s32 $0xFFFFFF80  }
0x6b: {  	[spmem:s1] =	stream.indirect.scatter.add.f32 [tilespmem:s24], [sflag:$0x1], $0x1, s29, s23, $0xb8;
	[tilespmem:$0x5B00] =	vst v63  }
0x6c: {  	_ = 	snop  }
0x6d: {  	[spmem:s4] =	stream.indirect.scatter.add.f32 [tilespmem:s25], [sflag:$0x1], $0x1, s29, s23, $0xb8;
	[tilespmem:$0x5B00] =	vst v63  }
0x6e: {  	_ =	swait.ge [sflag:s26], $0x80  }
0x6f: {  	[sflag:s26] =	ssyncset.done $0x0  }
0x70: {  	[sflag:s26] =	ssyncadd.s32 $0xFFFFFF80  }
0x71: {  	_ =	swait.ge [sflag:s26], $0x80  }
0x72: {  	s31 =	simm.s32 $0x200;
	s2 =	simm.s32 $0x400;
	[sflag:s26] =	ssyncset.done $0x0  }
.LBB2_13:
0x73: {  	s29 =	sshra.s32 s31, $0x2  }
0x74: {  	[sflag:s26] =	ssyncadd.s32 $0xFFFFFF80;
	s31 =	smov.u32 s2;
	s12 =	sadd.s32 $0x200, s2  }
0x75: {  	[tilespmem:s24], [sflag:$0x1] =	stream.indirect.gather [spmem:s0], $0x1, s29, s23, $0xb8;
	[tilespmem:$0x5B00] =	vst v63  }
0x76: {  	p5 =	sne.s32 s2, $0x9C00  }
0x77: {  	[tilespmem:s25], [sflag:$0x1] =	stream.indirect.gather [spmem:s3], $0x1, s29, s23, $0xb8;
	[tilespmem:$0x5B00] =	vst v63  }
0x78: {  	_ =	swait.ge [sflag:s26], $0x80  }
0x79: {  	[sflag:s26] =	ssyncset.done $0x0  }
0x7a: {  	[sflag:s26] =	ssyncadd.s32 $0xFFFFFF80  }
0x7b: {  	_ =	swait.ge [sflag:s26], $0x80  }
0x7c: {  	[sflag:s26] =	ssyncset.done $0x0  }
0x7d: {  	s2 =	sadd.s32 $0x2800, s29;
	[sflag:s26] =	ssyncadd.s32 $0xFFFFFF80  }
0x7e: {  	[spmem:s1] =	stream.indirect.scatter.add.f32 [tilespmem:s24], [sflag:$0x1], $0x1, s2, s23, $0xb8;
	[tilespmem:$0x5B00] =	vst v63  }
0x7f: {  	_ = 	snop  }
0x80: {  	[spmem:s4] =	stream.indirect.scatter.add.f32 [tilespmem:s25], [sflag:$0x1], $0x1, s2, s23, $0xb8;
	[tilespmem:$0x5B00] =	vst v63  }
.Ltmp9:
0x81: {  	_ =	swait.ge [sflag:s26], $0x80;
	(pc) =	sbr.rel @p5 .LBB2_13-.Ltmp9, $4  }
0x82: {  	[sflag:s26] =	ssyncset.done $0x0  }
0x83: {  	[sflag:s26] =	ssyncadd.s32 $0xFFFFFF80  }
0x84: {  	_ =	swait.ge [sflag:s26], $0x80  }
0x85: {  	s2 =	smov.u32 s12;
	[sflag:s26] =	ssyncset.done $0x0  }
0x86: {  	s2 =	sshra.s32 s31, $0x2;
	[sflag:s26] =	ssyncadd.s32 $0xFFFFFF80  }
0x87: {  	[tilespmem:s24], [sflag:$0x1] =	stream.indirect.gather [spmem:s0], $0x1, s2, s23, $0xb8;
	[tilespmem:$0x5B00] =	vst v63  }
0x88: {  	_ = 	snop  }
0x89: {  	[tilespmem:s25], [sflag:$0x1] =	stream.indirect.gather [spmem:s3], $0x1, s2, s23, $0xb8;
	[tilespmem:$0x5B00] =	vst v63  }
0x8a: {  	_ =	swait.ge [sflag:s26], $0x80  }
0x8b: {  	[sflag:s26] =	ssyncset.done $0x0  }
0x8c: {  	[sflag:s26] =	ssyncadd.s32 $0xFFFFFF80  }
0x8d: {  	_ =	swait.ge [sflag:s26], $0x80  }
0x8e: {  	[sflag:s26] =	ssyncset.done $0x0  }
0x8f: {  	s2 =	sadd.s32 $0x2800, s2;
	[sflag:s26] =	ssyncadd.s32 $0xFFFFFF80  }
0x90: {  	[spmem:s1] =	stream.indirect.scatter.add.f32 [tilespmem:s24], [sflag:$0x1], $0x1, s2, s23, $0xb8;
	[tilespmem:$0x5B00] =	vst v63  }
0x91: {  	_ = 	snop  }
0x92: {  	[spmem:s4] =	stream.indirect.scatter.add.f32 [tilespmem:s25], [sflag:$0x1], $0x1, s2, s23, $0xb8;
	[tilespmem:$0x5B00] =	vst v63  }
0x93: {  	_ =	swait.ge [sflag:s26], $0x80  }
0x94: {  	[sflag:s26] =	ssyncset.done $0x0  }
0x95: {  	[sflag:s26] =	ssyncadd.s32 $0xFFFFFF80  }
0x96: {  	_ =	swait.ge [sflag:s26], $0x80  }
0x97: {  	s12 =	sshrl.u32 @!p4 s1, $0x3;
	[sflag:s26] =	ssyncset.done $0x0  }
0x98: {  	p1 =	por !p1, !p1;
	s2 =	sshll.u32 @!p4 s5, $0x6;
	[sflag:s26] =	ssyncadd.s32 $0xFFFFFF80  }
0x99: {  	p1 =	por p0, p1;
	s2 =	sor.u32 @!p4 $0x1C02, s2;
	[bflag:$0x0] =	sbarrier.arrive $0xFFFF  }
0x9a: {  	[hbm:s10], [sflag:s2] =	dma.local @!p4 [spmem:s12], $0x500  }
.Ltmp10:
0x9b: {  	_ = 	snop;
	(pc) =	sbr.rel @p1 .LBB2_18-.Ltmp10, $4  }
0x9c: {  	s2 =	simm.s32 @!p4 $0x2  }
0x9d: {  	_ =	swait.ge @!p4 [sflag:s2], $0x500  }
0x9e: {  	[sflag:s2] =	ssyncset.done @!p4 $0x0  }
0x9f: {  	[sflag:s2] =	ssyncadd.s32 @!p4 $0xFFFFFB00  }
.Ltmp11:
0xa0: {  	(pc) =	sbr.rel .LBB2_16-.Ltmp11, $4  }
0xa1: {  	[hbm:s11], [sflag:s28] =	dma.local [spmem:s22], $0x500  }
0xa2: {  	_ =	swait.ge [sflag:s17], $0x500  }
0xa3: {  	[sflag:s17] =	ssyncset.done $0x0  }
0xa4: {  	[sflag:s17] =	ssyncadd.s32 $0xFFFFFB00  }
.LBB2_18:
0xa5: {  	s2 =	sld [smem:$0x7F9];
	_ =	sdelay $0x2  }
0xa6: {  	p1 =	seq.s32 s2, $0x1  }
.Ltmp12:
0xa7: {  	_ = 	snop;
	(pc) =	sbr.rel @p1 .LBB2_19-.Ltmp12, $1  }
0xa8: {  	_ =	sdelay $0x3  }
.LBB2_16:
0xa9: {  	s2 =	sld [smem:$0x7FA];
	_ =	sdelay $0x2  }
0xaa: {  	p1 =	seq.s32 s2, $0x1  }
.Ltmp13:
0xab: {  	_ = 	snop;
	(pc) =	sbr.rel @!p1 .LBB2_21-.Ltmp13, $1  }
0xac: {  	_ =	sdelay $0x3  }
.Ltmp14:
0xad: {  	(pc) =	sbr.rel .LBB2_20-.Ltmp14, $2  }
0xae: {  	_ =	sdelay $0x2  }
0xaf: {  	[hbm:s13], [sflag:s28] =	dma.local [spmem:s22], $0x500  }
.LBB2_22:
0xb0: {  	_ =	sfence.sel $0x180000  }
0xb1: {  	[bflag:$0x0] =	sbarrier.arrive $0xFFFF  }
0xb2: {  	_ =	strace $0x9000004D  }
0xb3: {  	[bflag:$0x2] =	sbarrier.arrive $0xFFFF  }
0xb4: {  	s1 =	sld [smem:$0x7FC];
	_ =	sdelay $0x2  }
0xb5: {  	s0 =	rddreg [dreg:$0x5];
	p0 =	seq.s32 s1, $0x1  }
0xb6: {  	s0 =	sadd.s32 @!p0 $0x100000, s0  }
0xb7: {  	[sflag:s0] =	ssyncadd.tile.s32 @!p0 $0x1;
	_ =	shalt  }
.Lfunc_end2:
_tile_overlayer_lowered:
.L_overlay_start_2:
0xb8: {  	(tag) =	ssettag $0x2  }
0xb9: {  	s0 =	rddreg [dreg:$0x0];
	s2 =	stileid.u32  }
0xba: {  	s1 =	rddreg [dreg:$0x1];
	p0 =	sne.s32 s2, $0x0  }
0xbb: {  	s3 =	rddreg [dreg:$0x2];
	[bflag:$0x3] =	sbarrier.arrive $0xFFFF;
	s2 =	simm.s32 @!p0 $0x1C02  }
0xbc: {  	[timem:s3], [sflag:s2] =	dma.local @!p0 [hbm:s0], s1  }
0xbd: {  	s0 =	simm.s32 @!p0 $0x2  }
0xbe: {  	_ =	swait.ge @!p0 [sflag:s0], s1  }
0xbf: {  	s1 =	ssub.s32 @!p0 $0x0, s1;
	[sflag:s0] =	ssyncset.done @!p0 $0x0  }
0xc0: {  	[sflag:s0] =	ssyncadd.s32 @!p0 s1  }
0xc1: {  	[bflag:$0x3] =	sbarrier.arrive $0xFFFF  }
0xc2: {  	_ =	shalt  }

// kernel: kernel.9.cloned.1.call-start
scs
__scs_entry_jumppad:
0x0: {  	(pc) =	sbr.rel $0x88, $3  }
0x1: {  	(tag) =	ssettag $0x0;
	lr =	simm.s32 $0x1  }
0x2: {  	[smem:$0x3F99] =	sst lr;
	_ =	strace $0xD0000000  }
0x3: {  	_ = 	snop  }
0x4: {  	_ = 	snop  }
0x5: {  	_ = 	snop  }
0x6: {  	_ = 	snop  }
0x7: {  	_ = 	snop  }
__scs_overlays_trampoline_lowered:
0x8: {  	[smem:$0x3FA8] =	sst s0  }
0x9: {  	[smem:$0x3FA9] =	sst s1  }
0xa: {  	[smem:$0x3FAA] =	sst s2  }
0xb: {  	[smem:$0x3FAB] =	sst s3  }
0xc: {  	[smem:$0x3FAC] =	sst s4  }
0xd: {  	[smem:$0x3FAD] =	sst s5  }
0xe: {  	[smem:$0x3FAE] =	sst s6  }
0xf: {  	[smem:$0x3FAF] =	sst s7  }
0x10: {  	[smem:$0x3FB0] =	sst s8  }
0x11: {  	[smem:$0x3FB1] =	sst s9;
	s0 =	simm.s32 @!p0 $0x0  }
0x12: {  	s1 =	sld [smem:$0x3F97];
	s0 =	simm.s32 @p0 $0x1  }
0x13: {  	[smem:$0x3FB2] =	sst s0;
	s0 =	simm.s32 @!p1 $0x0  }
0x14: {  	s2 =	sld [smem:$0x3F96];
	s0 =	simm.s32 @p1 $0x1  }
0x15: {  	[smem:$0x3FB3] =	sst s0;
	s0 =	simm.s32 @!p2 $0x0  }
0x16: {  	s3 =	sld [smem:$0x3FDB];
	s0 =	simm.s32 @p2 $0x1  }
0x17: {  	s4 =	simm.s32 $0x1BF5;
	[smem:$0x3FB5] =	sst s0  }
0x18: {  	s0 =	sld [smem:$0x3F98];
	_ =	swait.ge [sflag:s4], $0x0  }
0x19: {  	s7 =	sld [smem:$0x3F99]  }
0x1a: {  	s8 =	sadd.s32 $0xFFFFE003, lr  }
0x1b: {  	s9 =	sadd.s32 $0xFFFFFEF7, lr;
	s5 =	simm.s32 $0xFFFFFFFF;
	p2 =	slt.u32 s8, $0xFFFFF086  }
0x1c: {  	p1 =	slt.u32 s9, $0xF7A;
	s5 =	simm.s32 @!p2 $0x0  }
0x1d: {  	s5 =	simm.s32 @p1 $0x1;
	p0 =	seq.s32 s7, s2  }
0x1e: {  	s7 =	smul.u32 @!p0 $0xF7A, s2;
	p2 =	seq.s32 @!p0 s5, $0x0  }
0x1f: {  	s9 =	smul.u32 $0xF7A, s1;
	s8 =	simm.s32 @!p0 $0x1BF5;
	p2 =	por !p2, p0  }
0x20: {  	[sflag:s8] =	ssyncset.s32 @!p0 $0xFFFFF086;
	s6 =	sadd.s32 @!p0 s3, s7;
	s7 =	simm.s32 @!p0 $0x108  }
0x21: {  	s3 =	sadd.s32 s3, s9;
	s6 =	sadd.s32 @!p0 $0x88, s6;
	s7 =	simm.s32 @p2 $0x1082  }
0x22: {  	[simem:s7], [sflag:s8] =	dma.local @!p0 [hbm:s6], $0xF7A  }
0x23: {  	s9 =	sor.u32 $0xD0000000, s2;
	s6 =	simm.s32 $0x108;
	_ =	swait.ge @!p0 [sflag:s8], $0x0  }
0x24: {  	s3 =	sadd.s32 $0x88, s3;
	s6 =	simm.s32 @!p1 $0x1082;
	[sflag:s4] =	ssyncset.s32 $0xFFFFF086  }
0x25: {  	[simem:s6], [sflag:s4] =	dma.local [hbm:s3], $0xF7A  }
0x26: {  	[smem:$0x3F99] =	sst s1;
	(tag) =	ssettag s2;
	_ =	strace s9  }
0x27: {  	s1 =	sld [smem:$0x3FA9]  }
0x28: {  	s2 =	sld [smem:$0x3FAA]  }
0x29: {  	s4 =	sld [smem:$0x3FAC]  }
0x2a: {  	p0 =	seq.s32 s5, $0x0;
	s5 =	sld [smem:$0x3FAD]  }
0x2b: {  	s6 =	sld [smem:$0x3FAE]  }
0x2c: {  	s7 =	sld [smem:$0x3FAF]  }
0x2d: {  	s3 =	simm.s32 $0x108;
	s8 =	sld [smem:$0x3FB0]  }
0x2e: {  	s3 =	simm.s32 @!p0 $0x1082;
	s9 =	sld [smem:$0x3FB1]  }
0x2f: {  	lr =	sadd.s32 s0, s3;
	s0 =	sld [smem:$0x3FA8]  }
0x30: {  	s3 =	sld [smem:$0x3FAB]  }
0x31: {  	[smem:$0x3FB4] =	sst s10  }
0x32: {  	s10 =	sld [smem:$0x3FB2];
	_ =	sdelay $0x3  }
0x33: {  	p0 =	seq.s32 s10, $0x1;
	s10 =	sld [smem:$0x3FB4];
	_ =	sdelay $0x3  }
0x34: {  	[smem:$0x3FB4] =	sst s10  }
0x35: {  	s10 =	sld [smem:$0x3FB3];
	_ =	sdelay $0x3  }
0x36: {  	p1 =	seq.s32 s10, $0x1;
	s10 =	sld [smem:$0x3FB4];
	_ =	sdelay $0x3  }
0x37: {  	[smem:$0x3FB4] =	sst s10  }
0x38: {  	s10 =	sld [smem:$0x3FB5]  }
0x39: {  	_ = 	snop;
	(pc) =	sbr.ind lr, $3  }
0x3a: {  	_ = 	snop  }
0x3b: {  	_ = 	snop  }
0x3c: {  	p2 =	seq.s32 s10, $0x1;
	s10 =	sld [smem:$0x3FB4]  }
0x3d: {  	_ =	shalt  }
0x3e: {  	_ =	shalt  }
0x3f: {  	_ =	shalt  }
0x40: {  	_ =	shalt  }
0x41: {  	_ =	shalt  }
0x42: {  	_ =	shalt  }
0x43: {  	_ =	shalt  }
0x44: {  	_ =	shalt  }
0x45: {  	_ =	shalt  }
0x46: {  	_ =	shalt  }
0x47: {  	_ =	shalt  }
0x48: {  	_ =	shalt  }
0x49: {  	_ =	shalt  }
0x4a: {  	_ =	shalt  }
0x4b: {  	_ =	shalt  }
0x4c: {  	_ =	shalt  }
0x4d: {  	_ =	shalt  }
0x4e: {  	_ =	shalt  }
0x4f: {  	_ =	shalt  }
0x50: {  	_ =	shalt  }
0x51: {  	_ =	shalt  }
0x52: {  	_ =	shalt  }
0x53: {  	_ =	shalt  }
0x54: {  	_ =	shalt  }
0x55: {  	_ =	shalt  }
0x56: {  	_ =	shalt  }
0x57: {  	_ =	shalt  }
0x58: {  	_ =	shalt  }
0x59: {  	_ =	shalt  }
0x5a: {  	_ =	shalt  }
0x5b: {  	_ =	shalt  }
0x5c: {  	_ =	shalt  }
0x5d: {  	_ =	shalt  }
0x5e: {  	_ =	shalt  }
0x5f: {  	_ =	shalt  }
0x60: {  	_ =	shalt  }
0x61: {  	_ =	shalt  }
0x62: {  	_ =	shalt  }
0x63: {  	_ =	shalt  }
0x64: {  	_ =	shalt  }
0x65: {  	_ =	shalt  }
0x66: {  	_ =	shalt  }
0x67: {  	_ =	shalt  }
0x68: {  	_ =	shalt  }
0x69: {  	_ =	shalt  }
0x6a: {  	_ =	shalt  }
0x6b: {  	_ =	shalt  }
0x6c: {  	_ =	shalt  }
0x6d: {  	_ =	shalt  }
0x6e: {  	_ =	shalt  }
0x6f: {  	_ =	shalt  }
0x70: {  	_ =	shalt  }
0x71: {  	_ =	shalt  }
0x72: {  	_ =	shalt  }
0x73: {  	_ =	shalt  }
0x74: {  	_ =	shalt  }
0x75: {  	_ =	shalt  }
0x76: {  	_ =	shalt  }
0x77: {  	_ =	shalt  }
0x78: {  	_ =	shalt  }
0x79: {  	_ =	shalt  }
0x7a: {  	_ =	shalt  }
0x7b: {  	_ =	shalt  }
0x7c: {  	_ =	shalt  }
0x7d: {  	_ =	shalt  }
0x7e: {  	_ =	shalt  }
0x7f: {  	_ =	shalt  }
0x80: {  	_ =	shalt  }
0x81: {  	_ =	shalt  }
0x82: {  	_ =	shalt  }
0x83: {  	_ =	shalt  }
0x84: {  	_ =	shalt  }
0x85: {  	_ =	shalt  }
0x86: {  	_ =	shalt  }
0x87: {  	_ =	shalt  }
.Lfunc_end0:
.L_simem_size_0:
called_computation_lowered:
.L_overlay_start_0:
0x88: {  	s2 =	sld [smem:$0x3FD9]  }
0x89: {  	s3 =	sld [smem:$0x3FFE];
	_ =	sdelay $0x1  }
0x8a: {  	s1 =	srdreg.scid  }
0x8b: {  	s0 =	sand.u32 $0x1, s1  }
0x8c: {  	s17 =	sshll.u32 s0, $0xA;
	s2 =	sadd.s32 s3, s2  }
0x8d: {  	s2 =	sadd.s32 s2, s17  }
0x8e: {  	[smem:$0x3FC0] =	sst s2  }
0x8f: {  	_ = 	snop  }
0x90: {  	s2 =	sld [smem:$0x3FD0];
	(tm) =	ssettm $0x1  }
0x91: {  	s18 =	sld [smem:$0x3FFB];
	_ =	sdelay $0x3  }
0x92: {  	_ =	strace s18  }
0x93: {  	s3 =	sld [smem:$0x3FFC];
	_ =	sdelay $0x3  }
0x94: {  	_ =	strace s3  }
0x95: {  	s3 =	sld [smem:$0x3FFD];
	_ =	sdelay $0x3  }
0x96: {  	_ =	strace s3  }
0x97: {  	_ =	strace $0x8FFFFFFF  }
0x98: {  	s19 =	sld [smem:$0x3FDB];
	_ =	sdelay $0x1  }
0x99: {  	s4 =	simm.s32 $_scs_section_size  }
0x9a: {  	s5 =	simm.s32 $_size__tile_overlayer_lowered;
	s6 =	simm.s32 $_tile_overlayer_lowered  }
0x9b: {  	s22 =	simm.s32 $0x1BFF;
	s21 =	sshll.u32 s6, $0x1;
	s3 =	sadd.s32 s4, s19  }
0x9c: {  	s7 =	simm.s32 $0x0;
	s20 =	sshll.u32 s5, $0x1;
	s5 =	sadd.s32 s21, s3  }
0x9d: {  	[timem:s7], [sflag:s22] =	dma.local [hbm:s5], s20  }
0x9e: {  	_ =	swait.ge [sflag:s22], s20  }
0x9f: {  	s4 =	ssub.s32 $0x0, s20;
	[sflag:s22] =	ssyncset.done $0x0  }
0xa0: {  	[sflag:s22] =	ssyncadd.s32 s4;
	_ =	sdelay $0x1  }
0xa1: {  	s23 =	simm.s32 $0x1B8B  }
0xa2: {  	_ =	swait.ge [sflag:s23], $0x1  }
0xa3: {  	[sflag:s23] =	ssyncset.done $0x0  }
0xa4: {  	s25 =	simm.s32 $0x1B8E;
	s24 =	sld [smem:$0x3FFE];
	[sflag:s23] =	ssyncadd.s32 $0xFFFFFFFF  }
0xa5: {  	s26 =	simm.s32 $execute0_lowered;
	[smem:$0x3FD2] =	sst s25  }
0xa6: {  	s5 =	sshll.u32 s26, $0x1;
	_ =	strace $0x80000046;
	[dreg:$0x1] =	wrdreg $0xFFFFFFFF  }
0xa7: {  	s28 =	simm.s32 $_size_execute0_lowered;
	s3 =	sadd.s32 s3, s5;
	[dreg:$0x0] =	wrdreg $0x0  }
0xa8: {  	s5 =	sshll.u32 s28, $0x1;
	[dreg:$0x2] =	wrdreg s3  }
0xa9: {  	[dreg:$0x3] =	wrdreg s5  }
0xaa: {  	[dreg:$0x4] =	wrdreg $0xC0  }
0xab: {  	_ =	task [dreg:s7], $0x5FFFF  }
0xac: {  	[dreg:$0x1] =	wrdreg $0xFFFFFFFF  }
0xad: {  	[dreg:$0x0] =	wrdreg $0x60  }
0xae: {  	[dreg:$0x2] =	wrdreg s24  }
0xaf: {  	[dreg:$0x3] =	wrdreg s2  }
0xb0: {  	[dreg:$0x4] =	wrdreg $0x28800  }
0xb1: {  	[dreg:$0x5] =	wrdreg $0x9  }
0xb2: {  	_ =	task.clear_ibuf [dreg:s7], $0x6FFFF;
	_ =	strace $0x90000046  }
0xb3: {  	s29 =	simm.s32 $0x9;
	_ =	strace $0x80000048  }
0xb4: {  	_ =	swait.ge [sflag:s29], $0x1  }
0xb5: {  	[sflag:s29] =	ssyncadd.s32 $0xFFFFFFFF  }
0xb6: {  	_ =	strace $0x90000048  }
0xb7: {  	_ =	sfence  }
0xb8: {  	s30 =	sld [smem:$0x0];
	_ =	sdelay $0x2  }
0xb9: {  	s31 =	sshll.u32 s1, $0xD;
	s1 =	sshrl.u32 s1, $0x2  }
0xba: {  	s3 =	sand.u32 $0x4000, s31;
	s1 =	sadd.s32 s1, s30  }
0xbb: {  	s0 =	sor.u32 s3, s0;
	s1 =	sshll.u32 s1, $0x11  }
0xbc: {  	s0 =	sor.u32 s1, s0  }
0xbd: {  	s0 =	sadd.s32 $0x8F2B, s0  }
0xbe: {  	[sflag:s0] =	ssyncadd.remote.s32 $0x1  }
0xbf: {  	_ =	sfence.sel $0xFFFF  }
0xc0: {  	[dreg:$0x0] =	wrdreg $0xFFFFFFFF;
	(pc) =	sbr.abs _section_cstart, $3  }
0xc1: {  	[dreg:$0x1] =	wrdreg $0xFFFFFFFF  }
0xc2: {  	_ =	task.clear_ibuf [dreg:s7], $0x2FFFF;
	_ =	strace $0x9FFFFFFF  }
0xc3: {  	(tm) =	ssettm $0x7FFFFFFF  }
tec
execute0_lowered:
.L_overlay_start_1:
0x0: {  	(tag) =	ssettag $0x1  }
0x1: {  	s0 =	srdreg.scid;
	s5 =	rddreg [dreg:$0x0]  }
0x2: {  	s1 =	rddreg [dreg:$0x1];
	s11 =	stileid.u32  }
0x3: {  	s2 =	rddreg [dreg:$0x2];
	s3 =	simm.s32 $0x0;
	s14 =	simm.s32 $0x20  }
0x4: {  	s15 =	simm.s32 $0x10;
	s16 =	simm.s32 $0x0;
	s7 =	smul.u32 $0x500, s11  }
0x5: {  	s4 =	sand.u32 $0x1, s0;
	[smem:$0x7FF] =	sst s3;
	s9 =	smul.u32 $0xA00, s11  }
0x6: {  	p0 =	sne.s32 s11, $0x0;
	s12 =	sshll.u32 s11, $0x6;
	s0 =	sshll.u32 s4, $0x4  }
0x7: {  	s8 =	sshll.u32 s4, $0x7;
	s31 =	ssub.s32 $0x2, s4;
	s4 =	sadd.s32 $0xC600, s5  }
0x8: {  	s12 =	sor.u32 $0x1C01, s12;
	s6 =	sor.u32 s11, s0;
	s0 =	rddreg [dreg:$0x3]  }
0x9: {  	_ =	strace $0x80000047;
	s7 =	sor.u32 s8, s7;
	s10 =	sshrl.u32 s31, $0x1  }
0xa: {  	s9 =	sshrl.u32 s9, $0x2;
	s11 =	simm.s32 $0x80;
	s6 =	smul.u32 $0x500, s6  }
0xb: {  	s7 =	sshrl.u32 s7, $0x3;
	s8 =	ssub.s32 s31, s10;
	s13 =	sadd.s32 s9, s2  }
0xc: {  	s9 =	simm.s32 $0x2800;
	s10 =	sshrl.u32 @!p0 s2, $0x3;
	s6 =	sadd.s32 s6, s5  }
0xd: {  	s7 =	sadd.s32 s7, s5;
	s13 =	sshrl.u32 s13, $0x3;
	s5 =	sadd.s32 $0x2600, s6  }
0xe: {  	s6 =	sadd.s32 $0xCC00, s7;
	s7 =	smax.u32 s8, $0x1;
	s8 =	simm.s32 $0x1  }
.LBB2_1:
0xf: {  	[tilespmem:s3], [sflag:$0x1] =	stream.linear.gather [hbm4b:s5+s3], $0x2780, $0x38;
	[tilespmem:$0x2B00] =	vst v63  }
0x10: {  	_ =	swait.ge [sflag:s8], $0x2780  }
0x11: {  	[sflag:s8] =	ssyncset.done $0x0  }
0x12: {  	[sflag:s8] =	ssyncadd.s32 $0xFFFFD880  }
0x13: {  	[tilespmem:s9], [sflag:$0x1] =	stream.linear.gather [hbm4b:s1+s3], $0x80, $0x38;
	[tilespmem:$0x2B00] =	vst v63  }
0x14: {  	_ =	swait.ge [sflag:s8], $0x80  }
0x15: {  	[sflag:s8] =	ssyncset.done $0x0  }
0x16: {  	s17 =	simm.s32 @!p0 $0x1C01;
	[sflag:s8] =	ssyncadd.s32 $0xFFFFFF80  }
0x17: {  	[spmem:s10], [sflag:s17] =	dma.local @!p0 [hbm:s4], $0x500  }
0x18: {  	s17 =	simm.s32 @!p0 $0x1  }
0x19: {  	_ =	swait.ge @!p0 [sflag:s17], $0x500  }
0x1a: {  	[sflag:s17] =	ssyncset.done @!p0 $0x0  }
0x1b: {  	[sflag:s17] =	ssyncadd.s32 @!p0 $0xFFFFFB00  }
0x1c: {  	s31 =	simm.s32 $0x0;
	[bflag:$0x0] =	sbarrier.arrive $0xFFFF  }
0x1d: {  	[spmem:s2] =	stream.indirect.scatter.add.f32 [tilespmem:s9], [sflag:$0x1], $0x1, s31, s11, $0xb8;
	[tilespmem:$0x2B00] =	vst v63  }
0x1e: {  	_ =	swait.ge [sflag:s8], $0x80  }
0x1f: {  	s17 =	simm.s32 $0x200;
	[sflag:s8] =	ssyncset.done $0x0  }
.LBB2_2:
0x20: {  	s18 =	sshra.s32 s17, $0x2;
	[sflag:s8] =	ssyncadd.s32 $0xFFFFFF80;
	p1 =	sne.s32 s17, $0x9C00  }
0x21: {  	[spmem:s2] =	stream.indirect.scatter.add.f32 [tilespmem:s9], [sflag:$0x1], $0x1, s18, s11, $0xb8;
	[tilespmem:$0x2B00] =	vst v63  }
.Ltmp0:
0x22: {  	_ = 	snop;
	(pc) =	sbr.rel @p1 .LBB2_2-.Ltmp0, $4  }
0x23: {  	_ = 	snop  }
0x24: {  	s17 =	sadd.s32 $0x200, s17  }
0x25: {  	_ =	swait.ge [sflag:s8], $0x80  }
0x26: {  	[sflag:s8] =	ssyncset.done $0x0  }
0x27: {  	s16 =	sadd.s32 $0x1, s16  }
0x28: {  	[sflag:s8] =	ssyncadd.s32 $0xFFFFFF80;
	p1 =	sne.s32 s16, s7  }
.Ltmp1:
0x29: {  	[bflag:$0x0] =	sbarrier.arrive $0xFFFF;
	(pc) =	sbr.rel @p1 .LBB2_1-.Ltmp1, $4  }
0x2a: {  	[hbm:s6@s14], [sflag:s12] =	dma.strided [spmem:s13@s15], $0x50, s8, $0x10   }
0x2b: {  	_ =	swait.ge [sflag:s8], $0x50  }
0x2c: {  	[sflag:s8] =	ssyncset.done $0x0  }
0x2d: {  	[sflag:s8] =	ssyncadd.s32 $0xFFFFFFB0  }
0x2e: {  	_ =	sfence.sel $0x180000  }
0x2f: {  	[bflag:$0x0] =	sbarrier.arrive $0xFFFF  }
0x30: {  	_ =	strace $0x90000047  }
0x31: {  	s0 =	sadd.s32 @!p0 $0x100000, s0;
	[bflag:$0x2] =	sbarrier.arrive $0xFFFF  }
0x32: {  	[sflag:s0] =	ssyncadd.tile.s32 @!p0 $0x1;
	_ =	shalt  }
.Lfunc_end2:
_tile_overlayer_lowered:
.L_overlay_start_2:
0x33: {  	(tag) =	ssettag $0x2  }
0x34: {  	s0 =	rddreg [dreg:$0x0];
	s2 =	stileid.u32  }
0x35: {  	s1 =	rddreg [dreg:$0x1];
	p0 =	sne.s32 s2, $0x0  }
0x36: {  	s3 =	rddreg [dreg:$0x2];
	[bflag:$0x3] =	sbarrier.arrive $0xFFFF;
	s2 =	simm.s32 @!p0 $0x1C01  }
0x37: {  	[timem:s3], [sflag:s2] =	dma.local @!p0 [hbm:s0], s1  }
0x38: {  	s0 =	simm.s32 @!p0 $0x1  }
0x39: {  	_ =	swait.ge @!p0 [sflag:s0], s1  }
0x3a: {  	s1 =	ssub.s32 @!p0 $0x0, s1;
	[sflag:s0] =	ssyncset.done @!p0 $0x0  }
0x3b: {  	[sflag:s0] =	ssyncadd.s32 @!p0 s1  }
0x3c: {  	[bflag:$0x3] =	sbarrier.arrive $0xFFFF  }
0x3d: {  	_ =	shalt  }

</sc_bundles>
